<compile_context>
chip_gen: v7x
topology: tpu7x:2x2x1
jax: 0.10.2.dev20260603
libtpu: 0.0.44.dev20260713+nightly
codegen_flags: <defaults>
</compile_context>

<pallas_src>
import functools

import jax
import jax.numpy as jnp
from jax import lax
from jax.experimental import pallas as pl
from jax.experimental.pallas import tpu as pltpu
from jax.experimental.pallas import tpu_sc as plsc

_NSCALES = 4
_SHIFTS = (0, 3, 6, 9)
_C = 128

_NC = 2
_NS = 16
_NW = _NC * _NS
_CH = 80




def _morton_key(indices):
    b = indices[:, 0].astype(jnp.int32)
    cx = indices[:, 1].astype(jnp.int32) >> 1
    cy = indices[:, 2].astype(jnp.int32) >> 1
    cz = indices[:, 3].astype(jnp.int32) >> 1
    m = jnp.zeros_like(b)
    for k in range(6):
        m = m | (((cx >> k) & 1) << (3 * k + 2))
        m = m | (((cy >> k) & 1) << (3 * k + 1))
        m = m | (((cz >> k) & 1) << (3 * k))
    return (b << 18) | m


def _index_prep(indices, m, blk):
    nblk = m // blk
    key = _morton_key(indices)
    order = jnp.argsort(key).astype(jnp.int32)
    sk = jnp.take(key, order)
    iota = jnp.arange(m, dtype=jnp.int32)
    shifts = jnp.array(_SHIFTS, jnp.int32).reshape(_NSCALES, 1)
    ks = sk[None, :] >> shifts
    one_col = jnp.ones((_NSCALES, 1), jnp.bool_)
    bnd = jnp.concatenate([one_col, ks[:, 1:] != ks[:, :-1]], axis=1)
    seg = jnp.cumsum(bnd.astype(jnp.int32), axis=1) - 1
    islast = jnp.concatenate([bnd[:, 1:], one_col], axis=1)
    lastpos = jnp.flip(
        lax.cummin(jnp.flip(jnp.where(islast, iota[None, :], m), 1), axis=1), 1)
    local = seg - jnp.repeat(seg[:, ::blk], blk, axis=1)
    rowid = ((iota // blk) * blk)[None, :] + local
    gidx_sorted = jnp.take_along_axis(rowid, lastpos, axis=1)
    first_k = ks[:, ::blk]
    last_k = ks[:, blk - 1::blk]
    cont = jnp.concatenate(
        [jnp.zeros((_NSCALES, 1), jnp.int32),
         (first_k[:, 1:] == last_k[:, :-1]).astype(jnp.int32)], axis=1)
    lastloc = local[:, blk - 1::blk]
    per_scale = []
    for s in range(_NSCALES):
        per_scale.append({
            "gidx": gidx_sorted[s],
            "local": local[s].reshape(nblk, 1, blk),
            "cont": cont[s].reshape(nblk, 1, 1),
            "lastloc": lastloc[s].reshape(nblk, 1, 1),
        })
    return order, per_scale




_NB = 2


def _sc_gather(tables, gidxs, order=None):
    t_n = len(tables)
    m = gidxs[0].shape[0]
    pw = m // _NW
    nch = pw // _CH
    assert pw % _CH == 0 and m % _NW == 0
    nouter = (nch + _NB - 1) // _NB
    mesh = plsc.VectorSubcoreMesh(
        core_axis_name="c", subcore_axis_name="s", num_cores=_NC,
        num_subcores=_NS)
    out_type = [jax.ShapeDtypeStruct((m, _C), jnp.float32) for _ in range(t_n)]
    scratch = ([pltpu.VMEM((_CH,), jnp.int32) for _ in range(t_n * _NB)]
               + [pltpu.VMEM((_CH,), jnp.int32) for _ in range(_NB)]
               + [pltpu.VMEM((_CH, _C), jnp.float32)
                  for _ in range(t_n * _NB)]
               + [pltpu.SemaphoreType.DMA for _ in range(2 * _NB)])
    n_in = 2 * t_n + (0 if order is None else 1)

    @functools.partial(pl.kernel, out_type=out_type, mesh=mesh,
                       scratch_types=scratch)
    def gather_kernel(*refs):
        tbl = refs[:t_n]
        gix = refs[t_n:2 * t_n]
        oidx = None if order is None else refs[2 * t_n]
        outs = refs[n_in:n_in + t_n]
        sc = list(refs[n_in + t_n:])
        idxb = [sc[sl * t_n:(sl + 1) * t_n] for sl in range(_NB)]
        sc = sc[t_n * _NB:]
        ordb = sc[:_NB]
        sc = sc[_NB:]
        rowb = [sc[sl * t_n:(sl + 1) * t_n] for sl in range(_NB)]
        sc = sc[t_n * _NB:]
        sem_g = sc[:_NB]
        sem_s = sc[_NB:2 * _NB]
        w = lax.axis_index("s") * _NC + lax.axis_index("c")
        base = w * pw

        def dst(t, sl, off):
            if order is None:
                return outs[t].at[pl.ds(off, _CH)]
            return outs[t].at[ordb[sl]]

        def outer(g, carry):
            for sl in range(_NB):
                j = g * _NB + sl

                @pl.when(j < nch)
                def _():
                    off = base + j * _CH

                    @pl.when(j >= _NB)
                    def _():
                        poff = base + (j - _NB) * _CH
                        for t in range(t_n):
                            pltpu.make_async_copy(
                                rowb[sl][t], dst(t, sl, poff),
                                sem_s[sl]).wait()

                    if order is not None:
                        pltpu.sync_copy(oidx.at[pl.ds(off, _CH)], ordb[sl])
                    for t in range(t_n):
                        pltpu.sync_copy(gix[t].at[pl.ds(off, _CH)],
                                        idxb[sl][t])
                        pltpu.async_copy(tbl[t].at[idxb[sl][t]],
                                         rowb[sl][t], sem_g[sl])
                    for t in range(t_n):
                        pltpu.make_async_copy(tbl[t].at[idxb[sl][t]],
                                              rowb[sl][t], sem_g[sl]).wait()
                    for t in range(t_n):
                        pltpu.async_copy(rowb[sl][t], dst(t, sl, off),
                                         sem_s[sl])
            return carry

        lax.fori_loop(0, nouter, outer, 0)
        for sl in range(_NB):
            j_last = ((nch - 1 - sl) // _NB) * _NB + sl
            if j_last >= 0:
                off = base + j_last * _CH
                for t in range(t_n):
                    pltpu.make_async_copy(rowb[sl][t], dst(t, sl, off),
                                          sem_s[sl]).wait()

    args = list(tables) + list(gidxs)
    if order is not None:
        args.append(order)
    res = gather_kernel(*args)
    return res if isinstance(res, (list, tuple)) else [res]




def _segmean_body(blk, feats_ref, l0, l1, l2, l3, c0, c1, c2, c3,
                  ll0, ll1, ll2, ll3, o0, o1, o2, o3, carry_ref):
    f = feats_ref[...]
    lrefs = (l0, l1, l2, l3)
    crefs = (c0, c1, c2, c3)
    llrefs = (ll0, ll1, ll2, ll3)
    orefs = (o0, o1, o2, o3)
    row_iota = lax.broadcasted_iota(jnp.int32, (blk, _C), 0)
    oh_iota = lax.broadcasted_iota(jnp.int32, (blk, blk), 0)
    f1 = f.astype(jnp.bfloat16)
    f2 = (f - f1.astype(jnp.float32)).astype(jnp.bfloat16)
    rhs = jnp.concatenate(
        [f1, f2, jnp.ones((blk, _C), jnp.bfloat16)], axis=1)
    dn = (((1,), (0,)), ((), ()))
    for s in range(_NSCALES):
        lids = lrefs[s][0]
        oh = (oh_iota == lids).astype(jnp.bfloat16)
        big = lax.dot_general(oh, rhs, dn,
                              preferred_element_type=jnp.float32)
        sums = big[:, :_C] + big[:, _C:2 * _C]
        cnts = big[:, 2 * _C:]
        cont = crefs[s][0, 0, 0]
        use_carry = jnp.logical_and(row_iota == 0, cont == 1)
        sums = sums + jnp.where(use_carry, carry_ref[s, 0:1, :], 0.0)
        cnts = cnts + jnp.where(use_carry, carry_ref[s, 1:2, :], 0.0)
        ll = llrefs[s][0, 0, 0]
        sel = row_iota == ll
        carry_ref[s, 0:1, :] = jnp.sum(jnp.where(sel, sums, 0.0),
                                       axis=0, keepdims=True)
        carry_ref[s, 1:2, :] = jnp.sum(jnp.where(sel, cnts, 0.0),
                                       axis=0, keepdims=True)
        orefs[s][...] = sums / jnp.maximum(cnts, 1.0)


def _segment_means(feats_sorted, per_scale, m, blk, interpret=False):
    nblk = m // blk
    grid = (nblk,)
    in_specs = [pl.BlockSpec((blk, _C), lambda k: (k, 0))]
    in_specs += [pl.BlockSpec((1, 1, blk), lambda k: (k, 0, 0))
                 for _ in range(_NSCALES)]
    in_specs += [pl.BlockSpec((1, 1, 1), lambda k: (k, 0, 0),
                              memory_space=pltpu.SMEM)
                 for _ in range(2 * _NSCALES)]
    out_specs = [pl.BlockSpec((blk, _C), lambda k: (k, 0))
                 for _ in range(_NSCALES)]
    out_shape = [jax.ShapeDtypeStruct((m, _C), jnp.float32)
                 for _ in range(_NSCALES)]
    args = ([feats_sorted] + [d["local"] for d in per_scale]
            + [d["cont"] for d in per_scale]
            + [d["lastloc"] for d in per_scale])
    return pl.pallas_call(
        functools.partial(_segmean_body, blk),
        grid=grid,
        in_specs=in_specs,
        out_specs=out_specs,
        out_shape=out_shape,
        scratch_shapes=[pltpu.VMEM((_NSCALES, 8, _C), jnp.float32)],
        interpret=interpret,
    )(*args)




def _stats_body(f_ref, v0, v1, v2, v3, w_ref, b_ref, stat_ref, acc_ref):
    k = pl.program_id(0)

    @pl.when(k == 0)
    def _():
        acc_ref[...] = jnp.zeros_like(acc_ref)

    f = f_ref[...]
    vrefs = (v0, v1, v2, v3)
    for s in range(_NSCALES):
        v = vrefs[s][...]
        os_ = (f - v) * f
        h = lax.dot_general(os_, w_ref[s], (((1,), (0,)), ((), ())),
                            preferred_element_type=jnp.float32)
        h = h + b_ref[s : s + 1, :]
        acc_ref[s, 0:1, :] += jnp.sum(h, axis=0, keepdims=True)
        acc_ref[s, 1:2, :] += jnp.sum(h * h, axis=0, keepdims=True)
    stat_ref[...] = acc_ref[...]


def _proj_stats(feats, vups, w, b, m, blk, interpret=False):
    nblk = m // blk
    in_specs = [pl.BlockSpec((blk, _C), lambda k: (k, 0))]
    in_specs += [pl.BlockSpec((blk, _C), lambda k: (k, 0))
                 for _ in range(_NSCALES)]
    in_specs += [pl.BlockSpec((_NSCALES, _C, _C), lambda k: (0, 0, 0)),
                 pl.BlockSpec((_NSCALES, _C), lambda k: (0, 0))]
    return pl.pallas_call(
        _stats_body,
        grid=(nblk,),
        in_specs=in_specs,
        out_specs=pl.BlockSpec((_NSCALES, 8, _C), lambda k: (0, 0, 0)),
        out_shape=jax.ShapeDtypeStruct((_NSCALES, 8, _C), jnp.float32),
        scratch_shapes=[pltpu.VMEM((_NSCALES, 8, _C), jnp.float32)],
        interpret=interpret,
    )(feats, *vups, w, b)




def _emit_body(f_ref, v0, v1, v2, v3, w_ref, b_ref, sc_ref, sh_ref, out_ref):
    f = f_ref[...]
    vrefs = (v0, v1, v2, v3)
    for s in range(_NSCALES):
        v = vrefs[s][...]
        os_ = (f - v) * f
        h = lax.dot_general(os_, w_ref[s], (((1,), (0,)), ((), ())),
                            preferred_element_type=jnp.float32)
        h = h + b_ref[s : s + 1, :]
        y = h * sc_ref[s : s + 1, :] + sh_ref[s : s + 1, :]
        out_ref[:, s, :] = jnp.where(y >= 0, y, 0.01 * y)


def _proj_emit(feats, vups, w, b, scale, shift, m, blk, interpret=False):
    nblk = m // blk
    in_specs = [pl.BlockSpec((blk, _C), lambda k: (k, 0))]
    in_specs += [pl.BlockSpec((blk, _C), lambda k: (k, 0))
                 for _ in range(_NSCALES)]
    in_specs += [pl.BlockSpec((_NSCALES, _C, _C), lambda k: (0, 0, 0)),
                 pl.BlockSpec((_NSCALES, _C), lambda k: (0, 0)),
                 pl.BlockSpec((_NSCALES, _C), lambda k: (0, 0)),
                 pl.BlockSpec((_NSCALES, _C), lambda k: (0, 0))]
    return pl.pallas_call(
        _emit_body,
        grid=(nblk,),
        in_specs=in_specs,
        out_specs=pl.BlockSpec((blk, _NSCALES, _C), lambda k: (k, 0, 0)),
        out_shape=jax.ShapeDtypeStruct((m, _NSCALES, _C), jnp.float32),
        interpret=interpret,
    )(feats, *vups, w, b, scale, shift)




def kernel(feats, indices, W, b, gamma, beta):
    m = feats.shape[0]
    blk = 512
    order, per_scale = _index_prep(indices, m, blk)

    (feats_sorted,) = _sc_gather([feats], [order])
    means = _segment_means(feats_sorted, per_scale, m, blk)
    vups = _sc_gather(list(means), [d["gidx"] for d in per_scale],
                      order=order)
    stats = _proj_stats(feats, vups, W, b, m, blk)

    sumh = stats[:, 0, :]
    sumh2 = stats[:, 1, :]
    mean = sumh / m
    var = sumh2 / m - mean * mean
    scale = gamma / jnp.sqrt(var + 1e-5)
    shift = beta - mean * scale
    return _proj_emit(feats, vups, W, b, scale, shift, m, blk)

# --- scband reference (transcript-rebuilt; emitter-appended) ---
"""Pipeline reference for scband-multi-scale-sparse-projection-28802050687286 (READ-ONLY COPY).

The authoritative reference and input builder live on the scoring server;
editing this copy changes nothing except your own understanding.
"""

import jax, jax.numpy as jnp
import numpy as np

SCALES = [2, 4, 8, 16]
M, C, OUT = 320000, 128, 128


def setup_inputs(seed: int = 0) -> dict:
    key = jax.random.key(seed)
    k1, k2, k3 = jax.random.split(key, 3)
    feats = jax.random.normal(k1, (M, C), dtype=jnp.float32)
    indices = jax.random.randint(k2, (M, 4), 0, 128).astype(jnp.int32)
    kw = jax.random.split(k3, 1)[0]
    W = jax.random.normal(kw, (len(SCALES), C, OUT), dtype=jnp.float32) * (1.0 / np.sqrt(C))
    b = jnp.zeros((len(SCALES), OUT), dtype=jnp.float32)
    gamma = jnp.ones((len(SCALES), OUT), dtype=jnp.float32)
    beta = jnp.zeros((len(SCALES), OUT), dtype=jnp.float32)
    return {"feats": feats, "indices": indices, "W": W, "b": b, "gamma": gamma, "beta": beta}


def _leaky_relu(x, slope=0.01):
    return jnp.where(x >= 0, x, slope * x)


def reference(feats, indices, W, b, gamma, beta):
    # indices: [M, 4] = (batch, x, y, z)
    batch = indices[:, 0].astype(jnp.int64)
    xyz = indices[:, 1:].astype(jnp.int64)
    outs = []
    for i, s in enumerate(SCALES):
        coarse = xyz // s  # floor division, nonnegative coords
        # encode (batch, cx, cy, cz) into a single int key (coords < 256 guaranteed)
        key_int = ((batch * 256 + coarse[:, 0]) * 256 + coarse[:, 1]) * 256 + coarse[:, 2]
        K = key_int.shape[0]
        uniq, inv = jnp.unique(key_int, return_inverse=True, size=K, fill_value=0)
        inv = inv.reshape(-1)
        # scatter-add: sum of features per coarse voxel (SparseCore segment_sum)
        V = jax.ops.segment_sum(feats, inv, num_segments=K)
        counts = jnp.bincount(inv, length=K).astype(jnp.float32).reshape(-1, 1)
        V = V / counts
        # gather back to points
        V_up = jnp.take(V, inv, axis=0)
        Os = (feats - V_up) * feats
        # projection: Linear -> BatchNorm1d (training-mode batch stats) -> LeakyReLU
        h = Os @ W[i] + b[i]
        mean = jnp.mean(h, axis=0)
        var = jnp.var(h, axis=0)
        hn = (h - mean) / jnp.sqrt(var + 1e-5) * gamma[i] + beta[i]
        outs.append(_leaky_relu(hn))
    return jnp.stack(outs, axis=1)  # [M, n_scales, OUT]

if __name__ == "__main__":
    import jax
    _d = setup_inputs()
    print(jax.jit(kernel)(*tuple(_d.values())))

</pallas_src>

<mosaic_0001>
#map = affine_map<(d0, d1) -> (0, 0)>
#map1 = affine_map<(d0, d1) -> (0)>
module attributes {stable_mosaic.version = 14 : i64} {
  func.func @gather_kernel(%arg0: i32, %arg1: i32, %arg2: memref<320000x128xf32, #tpu.memory_space<hbm>>, %arg3: memref<320000xi32, #tpu.memory_space<hbm>>, %arg4: memref<320000x128xf32, #tpu.memory_space<hbm>>, %arg5: memref<80xi32, #tpu.memory_space<vmem>>, %arg6: memref<80xi32, #tpu.memory_space<vmem>>, %arg7: memref<80xi32, #tpu.memory_space<vmem>>, %arg8: memref<80xi32, #tpu.memory_space<vmem>>, %arg9: memref<80x128xf32, #tpu.memory_space<vmem>>, %arg10: memref<80x128xf32, #tpu.memory_space<vmem>>, %arg11: memref<!tpu.dma_semaphore, #tpu.memory_space<semaphore_mem>>, %arg12: memref<!tpu.dma_semaphore, #tpu.memory_space<semaphore_mem>>, %arg13: memref<!tpu.dma_semaphore, #tpu.memory_space<semaphore_mem>>, %arg14: memref<!tpu.dma_semaphore, #tpu.memory_space<semaphore_mem>>) attributes {dimension_semantics = [#tpu.dimension_semantics<core_parallel>, #tpu.dimension_semantics<subcore_parallel>], iteration_bounds = array<i64: 2, 16>, scalar_prefetch = 0 : i64, scratch_operands = 10 : i64, tpu.core_type = #tpu.core_type<sc_vector_subcore>, window_params = [{transform_indices = #map}, {transform_indices = #map1}, {transform_indices = #map}]} {
    %mul3A = arith.constant 2 : i32
    %mul3A_0 = arith.muli %arg1, %mul3A : i32
    %add3A = arith.addi %mul3A_0, %arg0 : i32
    %mul3A_1 = arith.constant 10000 : i32
    %mul3A_2 = arith.muli %add3A, %mul3A_1 : i32
    %scan3A = arith.constant 0 : i32
    %scan3A_3 = arith.constant 0 : i32
    %scan3A_4 = arith.constant 63 : i32
    %scan3A_5 = arith.addi %scan3A_3, %scan3A_4 : i32
    %scan3A_6 = arith.constant 1 : i32
    scf.for %scan3A_19 = %scan3A_3 to %scan3A_5 step %scan3A_6  : i32 {
      %mul3A_20 = arith.constant 2 : i32
      %mul3A_21 = arith.muli %scan3A_19, %mul3A_20 : i32
      %add3A_22 = arith.constant 0 : i32
      %add3A_23 = arith.addi %mul3A_21, %add3A_22 : i32
      %lt3A = arith.constant 125 : i32
      %lt3A_24 = arith.cmpi slt, %add3A_23, %lt3A : i32
      %convert_element_type3A = arith.extui %lt3A_24 : i1 to i32
      %cond3A = arith.constant 0 : i32
      %cond3A_25 = arith.cmpi ne, %convert_element_type3A, %cond3A : i32
      scf.if %cond3A_25 {
        %mul3A_35 = arith.constant 80 : i32
        %mul3A_36 = arith.muli %add3A_23, %mul3A_35 : i32
        %add3A_37 = arith.addi %mul3A_2, %mul3A_36 : i32
        %ge3A = arith.constant 2 : i32
        %ge3A_38 = arith.cmpi sge, %add3A_23, %ge3A : i32
        %convert_element_type3A_39 = arith.extui %ge3A_38 : i1 to i32
        %cond3A_40 = arith.constant 0 : i32
        %cond3A_41 = arith.cmpi ne, %convert_element_type3A_39, %cond3A_40 : i32
        scf.if %cond3A_41 {
          %sub3A = arith.constant 2 : i32
          %sub3A_51 = arith.subi %add3A_23, %sub3A : i32
          %mul3A_52 = arith.constant 80 : i32
          %mul3A_53 = arith.muli %sub3A_51, %mul3A_52 : i32
          %add3A_54 = arith.addi %mul3A_2, %mul3A_53 : i32
          %dma_wait3A_55 = arith.constant 0 : i32
          %dma_wait3A_56 = tpu.memref_slice %arg4[%add3A_54, %dma_wait3A_55] : memref<320000x128xf32, #tpu.memory_space<hbm>> -> memref<80x128xf32, #tpu.memory_space<hbm>>
          %dma_wait3A_57 = arith.constant 0 : i32
          %dma_wait3A_58 = tpu.memref_slice %arg4[%add3A_54, %dma_wait3A_57] : memref<320000x128xf32, #tpu.memory_space<hbm>> -> memref<80x128xf32, #tpu.memory_space<hbm>>
          tpu.wait_dma2 semaphore(%arg13 : memref<!tpu.dma_semaphore, #tpu.memory_space<semaphore_mem>>) src(%arg9 : memref<80x128xf32, #tpu.memory_space<vmem>>) dst(%dma_wait3A_58 : memref<80x128xf32, #tpu.memory_space<hbm>>)
        } else {
        }
        "tpu.region"() ({
          %run_scoped3A = tpu.sem_alloc : memref<!tpu.dma_semaphore, #tpu.memory_space<semaphore_mem>>
          %dma_start3A_51 = tpu.memref_slice %arg3[%add3A_37] : memref<320000xi32, #tpu.memory_space<hbm>> -> memref<80xi32, #tpu.memory_space<hbm>>
          %dma_start3A_52 = tpu.memref_slice %arg3[%add3A_37] : memref<320000xi32, #tpu.memory_space<hbm>> -> memref<80xi32, #tpu.memory_space<hbm>>
          tpu.enqueue_dma source(%dma_start3A_52 : memref<80xi32, #tpu.memory_space<hbm>>) target(%arg5 : memref<80xi32, #tpu.memory_space<vmem>>) target_semaphore(%run_scoped3A : memref<!tpu.dma_semaphore, #tpu.memory_space<semaphore_mem>>)
          %dma_wait3A_53 = tpu.memref_slice %arg3[%add3A_37] : memref<320000xi32, #tpu.memory_space<hbm>> -> memref<80xi32, #tpu.memory_space<hbm>>
          %dma_wait3A_54 = tpu.memref_slice %arg3[%add3A_37] : memref<320000xi32, #tpu.memory_space<hbm>> -> memref<80xi32, #tpu.memory_space<hbm>>
          tpu.wait_dma2 semaphore(%run_scoped3A : memref<!tpu.dma_semaphore, #tpu.memory_space<semaphore_mem>>) src(%dma_wait3A_54 : memref<80xi32, #tpu.memory_space<hbm>>) dst(%arg5 : memref<80xi32, #tpu.memory_space<vmem>>)
          tpu.yield
        }) : () -> ()
        %dma_start3A = arith.constant 0 : i32
        %dma_start3A_42 = arith.constant 0 : i32
        %dma_start3A_43 = tpu.memref_slice %arg2[%dma_start3A, %dma_start3A_42] : memref<320000x128xf32, #tpu.memory_space<hbm>> -> memref<320000x128xf32, #tpu.memory_space<hbm>>
        tpu.enqueue_indirect_dma source(%dma_start3A_43 : memref<320000x128xf32, #tpu.memory_space<hbm>>) target(%arg9 : memref<80x128xf32, #tpu.memory_space<vmem>>) offsets(%arg5 : memref<80xi32, #tpu.memory_space<vmem>>) semaphore(%arg11 : memref<!tpu.dma_semaphore, #tpu.memory_space<semaphore_mem>>)
        %dma_wait3A_44 = arith.constant 0 : i32
        %dma_wait3A_45 = arith.constant 0 : i32
        %dma_wait3A_46 = tpu.memref_slice %arg2[%dma_wait3A_44, %dma_wait3A_45] : memref<320000x128xf32, #tpu.memory_space<hbm>> -> memref<320000x128xf32, #tpu.memory_space<hbm>>
        tpu.wait_indirect_dma semaphore(%arg11 : memref<!tpu.dma_semaphore, #tpu.memory_space<semaphore_mem>>) src(%dma_wait3A_46 : memref<320000x128xf32, #tpu.memory_space<hbm>>) dst(%arg9 : memref<80x128xf32, #tpu.memory_space<vmem>>)
        %dma_start3A_47 = arith.constant 0 : i32
        %dma_start3A_48 = tpu.memref_slice %arg4[%add3A_37, %dma_start3A_47] : memref<320000x128xf32, #tpu.memory_space<hbm>> -> memref<80x128xf32, #tpu.memory_space<hbm>>
        %dma_start3A_49 = arith.constant 0 : i32
        %dma_start3A_50 = tpu.memref_slice %arg4[%add3A_37, %dma_start3A_49] : memref<320000x128xf32, #tpu.memory_space<hbm>> -> memref<80x128xf32, #tpu.memory_space<hbm>>
        tpu.enqueue_dma source(%arg9 : memref<80x128xf32, #tpu.memory_space<vmem>>) target(%dma_start3A_50 : memref<80x128xf32, #tpu.memory_space<hbm>>) target_semaphore(%arg13 : memref<!tpu.dma_semaphore, #tpu.memory_space<semaphore_mem>>)
      } else {
      }
      %mul3A_26 = arith.constant 2 : i32
      %mul3A_27 = arith.muli %scan3A_19, %mul3A_26 : i32
      %add3A_28 = arith.constant 1 : i32
      %add3A_29 = arith.addi %mul3A_27, %add3A_28 : i32
      %lt3A_30 = arith.constant 125 : i32
      %lt3A_31 = arith.cmpi slt, %add3A_29, %lt3A_30 : i32
      %convert_element_type3A_32 = arith.extui %lt3A_31 : i1 to i32
      %cond3A_33 = arith.constant 0 : i32
      %cond3A_34 = arith.cmpi ne, %convert_element_type3A_32, %cond3A_33 : i32
      scf.if %cond3A_34 {
        %mul3A_35 = arith.constant 80 : i32
        %mul3A_36 = arith.muli %add3A_29, %mul3A_35 : i32
        %add3A_37 = arith.addi %mul3A_2, %mul3A_36 : i32
        %ge3A = arith.constant 2 : i32
        %ge3A_38 = arith.cmpi sge, %add3A_29, %ge3A : i32
        %convert_element_type3A_39 = arith.extui %ge3A_38 : i1 to i32
        %cond3A_40 = arith.constant 0 : i32
        %cond3A_41 = arith.cmpi ne, %convert_element_type3A_39, %cond3A_40 : i32
        scf.if %cond3A_41 {
          %sub3A = arith.constant 2 : i32
          %sub3A_51 = arith.subi %add3A_29, %sub3A : i32
          %mul3A_52 = arith.constant 80 : i32
          %mul3A_53 = arith.muli %sub3A_51, %mul3A_52 : i32
          %add3A_54 = arith.addi %mul3A_2, %mul3A_53 : i32
          %dma_wait3A_55 = arith.constant 0 : i32
          %dma_wait3A_56 = tpu.memref_slice %arg4[%add3A_54, %dma_wait3A_55] : memref<320000x128xf32, #tpu.memory_space<hbm>> -> memref<80x128xf32, #tpu.memory_space<hbm>>
          %dma_wait3A_57 = arith.constant 0 : i32
          %dma_wait3A_58 = tpu.memref_slice %arg4[%add3A_54, %dma_wait3A_57] : memref<320000x128xf32, #tpu.memory_space<hbm>> -> memref<80x128xf32, #tpu.memory_space<hbm>>
          tpu.wait_dma2 semaphore(%arg14 : memref<!tpu.dma_semaphore, #tpu.memory_space<semaphore_mem>>) src(%arg10 : memref<80x128xf32, #tpu.memory_space<vmem>>) dst(%dma_wait3A_58 : memref<80x128xf32, #tpu.memory_space<hbm>>)
        } else {
        }
        "tpu.region"() ({
          %run_scoped3A = tpu.sem_alloc : memref<!tpu.dma_semaphore, #tpu.memory_space<semaphore_mem>>
          %dma_start3A_51 = tpu.memref_slice %arg3[%add3A_37] : memref<320000xi32, #tpu.memory_space<hbm>> -> memref<80xi32, #tpu.memory_space<hbm>>
          %dma_start3A_52 = tpu.memref_slice %arg3[%add3A_37] : memref<320000xi32, #tpu.memory_space<hbm>> -> memref<80xi32, #tpu.memory_space<hbm>>
          tpu.enqueue_dma source(%dma_start3A_52 : memref<80xi32, #tpu.memory_space<hbm>>) target(%arg6 : memref<80xi32, #tpu.memory_space<vmem>>) target_semaphore(%run_scoped3A : memref<!tpu.dma_semaphore, #tpu.memory_space<semaphore_mem>>)
          %dma_wait3A_53 = tpu.memref_slice %arg3[%add3A_37] : memref<320000xi32, #tpu.memory_space<hbm>> -> memref<80xi32, #tpu.memory_space<hbm>>
          %dma_wait3A_54 = tpu.memref_slice %arg3[%add3A_37] : memref<320000xi32, #tpu.memory_space<hbm>> -> memref<80xi32, #tpu.memory_space<hbm>>
          tpu.wait_dma2 semaphore(%run_scoped3A : memref<!tpu.dma_semaphore, #tpu.memory_space<semaphore_mem>>) src(%dma_wait3A_54 : memref<80xi32, #tpu.memory_space<hbm>>) dst(%arg6 : memref<80xi32, #tpu.memory_space<vmem>>)
          tpu.yield
        }) : () -> ()
        %dma_start3A = arith.constant 0 : i32
        %dma_start3A_42 = arith.constant 0 : i32
        %dma_start3A_43 = tpu.memref_slice %arg2[%dma_start3A, %dma_start3A_42] : memref<320000x128xf32, #tpu.memory_space<hbm>> -> memref<320000x128xf32, #tpu.memory_space<hbm>>
        tpu.enqueue_indirect_dma source(%dma_start3A_43 : memref<320000x128xf32, #tpu.memory_space<hbm>>) target(%arg10 : memref<80x128xf32, #tpu.memory_space<vmem>>) offsets(%arg6 : memref<80xi32, #tpu.memory_space<vmem>>) semaphore(%arg12 : memref<!tpu.dma_semaphore, #tpu.memory_space<semaphore_mem>>)
        %dma_wait3A_44 = arith.constant 0 : i32
        %dma_wait3A_45 = arith.constant 0 : i32
        %dma_wait3A_46 = tpu.memref_slice %arg2[%dma_wait3A_44, %dma_wait3A_45] : memref<320000x128xf32, #tpu.memory_space<hbm>> -> memref<320000x128xf32, #tpu.memory_space<hbm>>
        tpu.wait_indirect_dma semaphore(%arg12 : memref<!tpu.dma_semaphore, #tpu.memory_space<semaphore_mem>>) src(%dma_wait3A_46 : memref<320000x128xf32, #tpu.memory_space<hbm>>) dst(%arg10 : memref<80x128xf32, #tpu.memory_space<vmem>>)
        %dma_start3A_47 = arith.constant 0 : i32
        %dma_start3A_48 = tpu.memref_slice %arg4[%add3A_37, %dma_start3A_47] : memref<320000x128xf32, #tpu.memory_space<hbm>> -> memref<80x128xf32, #tpu.memory_space<hbm>>
        %dma_start3A_49 = arith.constant 0 : i32
        %dma_start3A_50 = tpu.memref_slice %arg4[%add3A_37, %dma_start3A_49] : memref<320000x128xf32, #tpu.memory_space<hbm>> -> memref<80x128xf32, #tpu.memory_space<hbm>>
        tpu.enqueue_dma source(%arg10 : memref<80x128xf32, #tpu.memory_space<vmem>>) target(%dma_start3A_50 : memref<80x128xf32, #tpu.memory_space<hbm>>) target_semaphore(%arg14 : memref<!tpu.dma_semaphore, #tpu.memory_space<semaphore_mem>>)
      } else {
      }
    }
    %scan3A_7 = arith.constant 63 : i32
    %add3A_8 = arith.constant 9920 : i32
    %add3A_9 = arith.addi %mul3A_2, %add3A_8 : i32
    %dma_wait3A = arith.constant 0 : i32
    %dma_wait3A_10 = tpu.memref_slice %arg4[%add3A_9, %dma_wait3A] : memref<320000x128xf32, #tpu.memory_space<hbm>> -> memref<80x128xf32, #tpu.memory_space<hbm>>
    %dma_wait3A_11 = arith.constant 0 : i32
    %dma_wait3A_12 = tpu.memref_slice %arg4[%add3A_9, %dma_wait3A_11] : memref<320000x128xf32, #tpu.memory_space<hbm>> -> memref<80x128xf32, #tpu.memory_space<hbm>>
    tpu.wait_dma2 semaphore(%arg13 : memref<!tpu.dma_semaphore, #tpu.memory_space<semaphore_mem>>) src(%arg9 : memref<80x128xf32, #tpu.memory_space<vmem>>) dst(%dma_wait3A_12 : memref<80x128xf32, #tpu.memory_space<hbm>>)
    %add3A_13 = arith.constant 9840 : i32
    %add3A_14 = arith.addi %mul3A_2, %add3A_13 : i32
    %dma_wait3A_15 = arith.constant 0 : i32
    %dma_wait3A_16 = tpu.memref_slice %arg4[%add3A_14, %dma_wait3A_15] : memref<320000x128xf32, #tpu.memory_space<hbm>> -> memref<80x128xf32, #tpu.memory_space<hbm>>
    %dma_wait3A_17 = arith.constant 0 : i32
    %dma_wait3A_18 = tpu.memref_slice %arg4[%add3A_14, %dma_wait3A_17] : memref<320000x128xf32, #tpu.memory_space<hbm>> -> memref<80x128xf32, #tpu.memory_space<hbm>>
    tpu.wait_dma2 semaphore(%arg14 : memref<!tpu.dma_semaphore, #tpu.memory_space<semaphore_mem>>) src(%arg10 : memref<80x128xf32, #tpu.memory_space<vmem>>) dst(%dma_wait3A_18 : memref<80x128xf32, #tpu.memory_space<hbm>>)
    return
  }
}

#map = affine_map<(d0, d1) -> (0, 0)>
#map1 = affine_map<(d0, d1) -> (0)>
module attributes {stable_mosaic.version = 14 : i64} {
  func.func @gather_kernel(%arg0: i32, %arg1: i32, %arg2: memref<320000x128xf32, #tpu.memory_space<hbm>>, %arg3: memref<320000x128xf32, #tpu.memory_space<hbm>>, %arg4: memref<320000x128xf32, #tpu.memory_space<hbm>>, %arg5: memref<320000x128xf32, #tpu.memory_space<hbm>>, %arg6: memref<320000xi32, #tpu.memory_space<hbm>>, %arg7: memref<320000xi32, #tpu.memory_space<hbm>>, %arg8: memref<320000xi32, #tpu.memory_space<hbm>>, %arg9: memref<320000xi32, #tpu.memory_space<hbm>>, %arg10: memref<320000xi32, #tpu.memory_space<hbm>>, %arg11: memref<320000x128xf32, #tpu.memory_space<hbm>>, %arg12: memref<320000x128xf32, #tpu.memory_space<hbm>>, %arg13: memref<320000x128xf32, #tpu.memory_space<hbm>>, %arg14: memref<320000x128xf32, #tpu.memory_space<hbm>>, %arg15: memref<80xi32, #tpu.memory_space<vmem>>, %arg16: memref<80xi32, #tpu.memory_space<vmem>>, %arg17: memref<80xi32, #tpu.memory_space<vmem>>, %arg18: memref<80xi32, #tpu.memory_space<vmem>>, %arg19: memref<80xi32, #tpu.memory_space<vmem>>, %arg20: memref<80xi32, #tpu.memory_space<vmem>>, %arg21: memref<80xi32, #tpu.memory_space<vmem>>, %arg22: memref<80xi32, #tpu.memory_space<vmem>>, %arg23: memref<80xi32, #tpu.memory_space<vmem>>, %arg24: memref<80xi32, #tpu.memory_space<vmem>>, %arg25: memref<80x128xf32, #tpu.memory_space<vmem>>, %arg26: memref<80x128xf32, #tpu.memory_space<vmem>>, %arg27: memref<80x128xf32, #tpu.memory_space<vmem>>, %arg28: memref<80x128xf32, #tpu.memory_space<vmem>>, %arg29: memref<80x128xf32, #tpu.memory_space<vmem>>, %arg30: memref<80x128xf32, #tpu.memory_space<vmem>>, %arg31: memref<80x128xf32, #tpu.memory_space<vmem>>, %arg32: memref<80x128xf32, #tpu.memory_space<vmem>>, %arg33: memref<!tpu.dma_semaphore, #tpu.memory_space<semaphore_mem>>, %arg34: memref<!tpu.dma_semaphore, #tpu.memory_space<semaphore_mem>>, %arg35: memref<!tpu.dma_semaphore, #tpu.memory_space<semaphore_mem>>, %arg36: memref<!tpu.dma_semaphore, #tpu.memory_space<semaphore_mem>>) attributes {dimension_semantics = [#tpu.dimension_semantics<core_parallel>, #tpu.dimension_semantics<subcore_parallel>], iteration_bounds = array<i64: 2, 16>, scalar_prefetch = 0 : i64, scratch_operands = 22 : i64, tpu.core_type = #tpu.core_type<sc_vector_subcore>, window_params = [{transform_indices = #map}, {transform_indices = #map}, {transform_indices = #map}, {transform_indices = #map}, {transform_indices = #map1}, {transform_indices = #map1}, {transform_indices = #map1}, {transform_indices = #map1}, {transform_indices = #map1}, {transform_indices = #map}, {transform_indices = #map}, {transform_indices = #map}, {transform_indices = #map}]} {
    %mul3A = arith.constant 2 : i32
    %mul3A_0 = arith.muli %arg1, %mul3A : i32
    %add3A = arith.addi %mul3A_0, %arg0 : i32
    %mul3A_1 = arith.constant 10000 : i32
    %mul3A_2 = arith.muli %add3A, %mul3A_1 : i32
    %scan3A = arith.constant 0 : i32
    %scan3A_3 = arith.constant 0 : i32
    %scan3A_4 = arith.constant 63 : i32
    %scan3A_5 = arith.addi %scan3A_3, %scan3A_4 : i32
    %scan3A_6 = arith.constant 1 : i32
    scf.for %scan3A_35 = %scan3A_3 to %scan3A_5 step %scan3A_6  : i32 {
      %mul3A_36 = arith.constant 2 : i32
      %mul3A_37 = arith.muli %scan3A_35, %mul3A_36 : i32
      %add3A_38 = arith.constant 0 : i32
      %add3A_39 = arith.addi %mul3A_37, %add3A_38 : i32
      %lt3A = arith.constant 125 : i32
      %lt3A_40 = arith.cmpi slt, %add3A_39, %lt3A : i32
      %convert_element_type3A = arith.extui %lt3A_40 : i1 to i32
      %cond3A = arith.constant 0 : i32
      %cond3A_41 = arith.cmpi ne, %convert_element_type3A, %cond3A : i32
      scf.if %cond3A_41 {
        %mul3A_51 = arith.constant 80 : i32
        %mul3A_52 = arith.muli %add3A_39, %mul3A_51 : i32
        %add3A_53 = arith.addi %mul3A_2, %mul3A_52 : i32
        %ge3A = arith.constant 2 : i32
        %ge3A_54 = arith.cmpi sge, %add3A_39, %ge3A : i32
        %convert_element_type3A_55 = arith.extui %ge3A_54 : i1 to i32
        %cond3A_56 = arith.constant 0 : i32
        %cond3A_57 = arith.cmpi ne, %convert_element_type3A_55, %cond3A_56 : i32
        scf.if %cond3A_57 {
          %sub3A = arith.constant 2 : i32
          %sub3A_93 = arith.subi %add3A_39, %sub3A : i32
          %mul3A_94 = arith.constant 80 : i32
          %mul3A_95 = arith.muli %sub3A_93, %mul3A_94 : i32
          %add3A_96 = arith.addi %mul3A_2, %mul3A_95 : i32
          %dma_wait3A_97 = arith.constant 0 : i32
          %dma_wait3A_98 = arith.constant 0 : i32
          %dma_wait3A_99 = tpu.memref_slice %arg11[%dma_wait3A_97, %dma_wait3A_98] : memref<320000x128xf32, #tpu.memory_space<hbm>> -> memref<320000x128xf32, #tpu.memory_space<hbm>>
          tpu.wait_indirect_dma semaphore(%arg35 : memref<!tpu.dma_semaphore, #tpu.memory_space<semaphore_mem>>) src(%arg25 : memref<80x128xf32, #tpu.memory_space<vmem>>) dst(%dma_wait3A_99 : memref<320000x128xf32, #tpu.memory_space<hbm>>)
          %dma_wait3A_100 = arith.constant 0 : i32
          %dma_wait3A_101 = arith.constant 0 : i32
          %dma_wait3A_102 = tpu.memref_slice %arg12[%dma_wait3A_100, %dma_wait3A_101] : memref<320000x128xf32, #tpu.memory_space<hbm>> -> memref<320000x128xf32, #tpu.memory_space<hbm>>
          tpu.wait_indirect_dma semaphore(%arg35 : memref<!tpu.dma_semaphore, #tpu.memory_space<semaphore_mem>>) src(%arg26 : memref<80x128xf32, #tpu.memory_space<vmem>>) dst(%dma_wait3A_102 : memref<320000x128xf32, #tpu.memory_space<hbm>>)
          %dma_wait3A_103 = arith.constant 0 : i32
          %dma_wait3A_104 = arith.constant 0 : i32
          %dma_wait3A_105 = tpu.memref_slice %arg13[%dma_wait3A_103, %dma_wait3A_104] : memref<320000x128xf32, #tpu.memory_space<hbm>> -> memref<320000x128xf32, #tpu.memory_space<hbm>>
          tpu.wait_indirect_dma semaphore(%arg35 : memref<!tpu.dma_semaphore, #tpu.memory_space<semaphore_mem>>) src(%arg27 : memref<80x128xf32, #tpu.memory_space<vmem>>) dst(%dma_wait3A_105 : memref<320000x128xf32, #tpu.memory_space<hbm>>)
          %dma_wait3A_106 = arith.constant 0 : i32
          %dma_wait3A_107 = arith.constant 0 : i32
          %dma_wait3A_108 = tpu.memref_slice %arg14[%dma_wait3A_106, %dma_wait3A_107] : memref<320000x128xf32, #tpu.memory_space<hbm>> -> memref<320000x128xf32, #tpu.memory_space<hbm>>
          tpu.wait_indirect_dma semaphore(%arg35 : memref<!tpu.dma_semaphore, #tpu.memory_space<semaphore_mem>>) src(%arg28 : memref<80x128xf32, #tpu.memory_space<vmem>>) dst(%dma_wait3A_108 : memref<320000x128xf32, #tpu.memory_space<hbm>>)
        } else {
        }
        "tpu.region"() ({
          %run_scoped3A = tpu.sem_alloc : memref<!tpu.dma_semaphore, #tpu.memory_space<semaphore_mem>>
          %dma_start3A_93 = tpu.memref_slice %arg10[%add3A_53] : memref<320000xi32, #tpu.memory_space<hbm>> -> memref<80xi32, #tpu.memory_space<hbm>>
          %dma_start3A_94 = tpu.memref_slice %arg10[%add3A_53] : memref<320000xi32, #tpu.memory_space<hbm>> -> memref<80xi32, #tpu.memory_space<hbm>>
          tpu.enqueue_dma source(%dma_start3A_94 : memref<80xi32, #tpu.memory_space<hbm>>) target(%arg23 : memref<80xi32, #tpu.memory_space<vmem>>) target_semaphore(%run_scoped3A : memref<!tpu.dma_semaphore, #tpu.memory_space<semaphore_mem>>)
          %dma_wait3A_95 = tpu.memref_slice %arg10[%add3A_53] : memref<320000xi32, #tpu.memory_space<hbm>> -> memref<80xi32, #tpu.memory_space<hbm>>
          %dma_wait3A_96 = tpu.memref_slice %arg10[%add3A_53] : memref<320000xi32, #tpu.memory_space<hbm>> -> memref<80xi32, #tpu.memory_space<hbm>>
          tpu.wait_dma2 semaphore(%run_scoped3A : memref<!tpu.dma_semaphore, #tpu.memory_space<semaphore_mem>>) src(%dma_wait3A_96 : memref<80xi32, #tpu.memory_space<hbm>>) dst(%arg23 : memref<80xi32, #tpu.memory_space<vmem>>)
          tpu.yield
        }) : () -> ()
        "tpu.region"() ({
          %run_scoped3A = tpu.sem_alloc : memref<!tpu.dma_semaphore, #tpu.memory_space<semaphore_mem>>
          %dma_start3A_93 = tpu.memref_slice %arg6[%add3A_53] : memref<320000xi32, #tpu.memory_space<hbm>> -> memref<80xi32, #tpu.memory_space<hbm>>
          %dma_start3A_94 = tpu.memref_slice %arg6[%add3A_53] : memref<320000xi32, #tpu.memory_space<hbm>> -> memref<80xi32, #tpu.memory_space<hbm>>
          tpu.enqueue_dma source(%dma_start3A_94 : memref<80xi32, #tpu.memory_space<hbm>>) target(%arg15 : memref<80xi32, #tpu.memory_space<vmem>>) target_semaphore(%run_scoped3A : memref<!tpu.dma_semaphore, #tpu.memory_space<semaphore_mem>>)
          %dma_wait3A_95 = tpu.memref_slice %arg6[%add3A_53] : memref<320000xi32, #tpu.memory_space<hbm>> -> memref<80xi32, #tpu.memory_space<hbm>>
          %dma_wait3A_96 = tpu.memref_slice %arg6[%add3A_53] : memref<320000xi32, #tpu.memory_space<hbm>> -> memref<80xi32, #tpu.memory_space<hbm>>
          tpu.wait_dma2 semaphore(%run_scoped3A : memref<!tpu.dma_semaphore, #tpu.memory_space<semaphore_mem>>) src(%dma_wait3A_96 : memref<80xi32, #tpu.memory_space<hbm>>) dst(%arg15 : memref<80xi32, #tpu.memory_space<vmem>>)
          tpu.yield
        }) : () -> ()
        %dma_start3A = arith.constant 0 : i32
        %dma_start3A_58 = arith.constant 0 : i32
        %dma_start3A_59 = tpu.memref_slice %arg2[%dma_start3A, %dma_start3A_58] : memref<320000x128xf32, #tpu.memory_space<hbm>> -> memref<320000x128xf32, #tpu.memory_space<hbm>>
        tpu.enqueue_indirect_dma source(%dma_start3A_59 : memref<320000x128xf32, #tpu.memory_space<hbm>>) target(%arg25 : memref<80x128xf32, #tpu.memory_space<vmem>>) offsets(%arg15 : memref<80xi32, #tpu.memory_space<vmem>>) semaphore(%arg33 : memref<!tpu.dma_semaphore, #tpu.memory_space<semaphore_mem>>)
        "tpu.region"() ({
          %run_scoped3A = tpu.sem_alloc : memref<!tpu.dma_semaphore, #tpu.memory_space<semaphore_mem>>
          %dma_start3A_93 = tpu.memref_slice %arg7[%add3A_53] : memref<320000xi32, #tpu.memory_space<hbm>> -> memref<80xi32, #tpu.memory_space<hbm>>
          %dma_start3A_94 = tpu.memref_slice %arg7[%add3A_53] : memref<320000xi32, #tpu.memory_space<hbm>> -> memref<80xi32, #tpu.memory_space<hbm>>
          tpu.enqueue_dma source(%dma_start3A_94 : memref<80xi32, #tpu.memory_space<hbm>>) target(%arg16 : memref<80xi32, #tpu.memory_space<vmem>>) target_semaphore(%run_scoped3A : memref<!tpu.dma_semaphore, #tpu.memory_space<semaphore_mem>>)
          %dma_wait3A_95 = tpu.memref_slice %arg7[%add3A_53] : memref<320000xi32, #tpu.memory_space<hbm>> -> memref<80xi32, #tpu.memory_space<hbm>>
          %dma_wait3A_96 = tpu.memref_slice %arg7[%add3A_53] : memref<320000xi32, #tpu.memory_space<hbm>> -> memref<80xi32, #tpu.memory_space<hbm>>
          tpu.wait_dma2 semaphore(%run_scoped3A : memref<!tpu.dma_semaphore, #tpu.memory_space<semaphore_mem>>) src(%dma_wait3A_96 : memref<80xi32, #tpu.memory_space<hbm>>) dst(%arg16 : memref<80xi32, #tpu.memory_space<vmem>>)
          tpu.yield
        }) : () -> ()
        %dma_start3A_60 = arith.constant 0 : i32
        %dma_start3A_61 = arith.constant 0 : i32
        %dma_start3A_62 = tpu.memref_slice %arg3[%dma_start3A_60, %dma_start3A_61] : memref<320000x128xf32, #tpu.memory_space<hbm>> -> memref<320000x128xf32, #tpu.memory_space<hbm>>
        tpu.enqueue_indirect_dma source(%dma_start3A_62 : memref<320000x128xf32, #tpu.memory_space<hbm>>) target(%arg26 : memref<80x128xf32, #tpu.memory_space<vmem>>) offsets(%arg16 : memref<80xi32, #tpu.memory_space<vmem>>) semaphore(%arg33 : memref<!tpu.dma_semaphore, #tpu.memory_space<semaphore_mem>>)
        "tpu.region"() ({
          %run_scoped3A = tpu.sem_alloc : memref<!tpu.dma_semaphore, #tpu.memory_space<semaphore_mem>>
          %dma_start3A_93 = tpu.memref_slice %arg8[%add3A_53] : memref<320000xi32, #tpu.memory_space<hbm>> -> memref<80xi32, #tpu.memory_space<hbm>>
          %dma_start3A_94 = tpu.memref_slice %arg8[%add3A_53] : memref<320000xi32, #tpu.memory_space<hbm>> -> memref<80xi32, #tpu.memory_space<hbm>>
          tpu.enqueue_dma source(%dma_start3A_94 : memref<80xi32, #tpu.memory_space<hbm>>) target(%arg17 : memref<80xi32, #tpu.memory_space<vmem>>) target_semaphore(%run_scoped3A : memref<!tpu.dma_semaphore, #tpu.memory_space<semaphore_mem>>)
          %dma_wait3A_95 = tpu.memref_slice %arg8[%add3A_53] : memref<320000xi32, #tpu.memory_space<hbm>> -> memref<80xi32, #tpu.memory_space<hbm>>
          %dma_wait3A_96 = tpu.memref_slice %arg8[%add3A_53] : memref<320000xi32, #tpu.memory_space<hbm>> -> memref<80xi32, #tpu.memory_space<hbm>>
          tpu.wait_dma2 semaphore(%run_scoped3A : memref<!tpu.dma_semaphore, #tpu.memory_space<semaphore_mem>>) src(%dma_wait3A_96 : memref<80xi32, #tpu.memory_space<hbm>>) dst(%arg17 : memref<80xi32, #tpu.memory_space<vmem>>)
          tpu.yield
        }) : () -> ()
        %dma_start3A_63 = arith.constant 0 : i32
        %dma_start3A_64 = arith.constant 0 : i32
        %dma_start3A_65 = tpu.memref_slice %arg4[%dma_start3A_63, %dma_start3A_64] : memref<320000x128xf32, #tpu.memory_space<hbm>> -> memref<320000x128xf32, #tpu.memory_space<hbm>>
        tpu.enqueue_indirect_dma source(%dma_start3A_65 : memref<320000x128xf32, #tpu.memory_space<hbm>>) target(%arg27 : memref<80x128xf32, #tpu.memory_space<vmem>>) offsets(%arg17 : memref<80xi32, #tpu.memory_space<vmem>>) semaphore(%arg33 : memref<!tpu.dma_semaphore, #tpu.memory_space<semaphore_mem>>)
        "tpu.region"() ({
          %run_scoped3A = tpu.sem_alloc : memref<!tpu.dma_semaphore, #tpu.memory_space<semaphore_mem>>
          %dma_start3A_93 = tpu.memref_slice %arg9[%add3A_53] : memref<320000xi32, #tpu.memory_space<hbm>> -> memref<80xi32, #tpu.memory_space<hbm>>
          %dma_start3A_94 = tpu.memref_slice %arg9[%add3A_53] : memref<320000xi32, #tpu.memory_space<hbm>> -> memref<80xi32, #tpu.memory_space<hbm>>
          tpu.enqueue_dma source(%dma_start3A_94 : memref<80xi32, #tpu.memory_space<hbm>>) target(%arg18 : memref<80xi32, #tpu.memory_space<vmem>>) target_semaphore(%run_scoped3A : memref<!tpu.dma_semaphore, #tpu.memory_space<semaphore_mem>>)
          %dma_wait3A_95 = tpu.memref_slice %arg9[%add3A_53] : memref<320000xi32, #tpu.memory_space<hbm>> -> memref<80xi32, #tpu.memory_space<hbm>>
          %dma_wait3A_96 = tpu.memref_slice %arg9[%add3A_53] : memref<320000xi32, #tpu.memory_space<hbm>> -> memref<80xi32, #tpu.memory_space<hbm>>
          tpu.wait_dma2 semaphore(%run_scoped3A : memref<!tpu.dma_semaphore, #tpu.memory_space<semaphore_mem>>) src(%dma_wait3A_96 : memref<80xi32, #tpu.memory_space<hbm>>) dst(%arg18 : memref<80xi32, #tpu.memory_space<vmem>>)
          tpu.yield
        }) : () -> ()
        %dma_start3A_66 = arith.constant 0 : i32
        %dma_start3A_67 = arith.constant 0 : i32
        %dma_start3A_68 = tpu.memref_slice %arg5[%dma_start3A_66, %dma_start3A_67] : memref<320000x128xf32, #tpu.memory_space<hbm>> -> memref<320000x128xf32, #tpu.memory_space<hbm>>
        tpu.enqueue_indirect_dma source(%dma_start3A_68 : memref<320000x128xf32, #tpu.memory_space<hbm>>) target(%arg28 : memref<80x128xf32, #tpu.memory_space<vmem>>) offsets(%arg18 : memref<80xi32, #tpu.memory_space<vmem>>) semaphore(%arg33 : memref<!tpu.dma_semaphore, #tpu.memory_space<semaphore_mem>>)
        %dma_wait3A_69 = arith.constant 0 : i32
        %dma_wait3A_70 = arith.constant 0 : i32
        %dma_wait3A_71 = tpu.memref_slice %arg2[%dma_wait3A_69, %dma_wait3A_70] : memref<320000x128xf32, #tpu.memory_space<hbm>> -> memref<320000x128xf32, #tpu.memory_space<hbm>>
        tpu.wait_indirect_dma semaphore(%arg33 : memref<!tpu.dma_semaphore, #tpu.memory_space<semaphore_mem>>) src(%dma_wait3A_71 : memref<320000x128xf32, #tpu.memory_space<hbm>>) dst(%arg25 : memref<80x128xf32, #tpu.memory_space<vmem>>)
        %dma_wait3A_72 = arith.constant 0 : i32
        %dma_wait3A_73 = arith.constant 0 : i32
        %dma_wait3A_74 = tpu.memref_slice %arg3[%dma_wait3A_72, %dma_wait3A_73] : memref<320000x128xf32, #tpu.memory_space<hbm>> -> memref<320000x128xf32, #tpu.memory_space<hbm>>
        tpu.wait_indirect_dma semaphore(%arg33 : memref<!tpu.dma_semaphore, #tpu.memory_space<semaphore_mem>>) src(%dma_wait3A_74 : memref<320000x128xf32, #tpu.memory_space<hbm>>) dst(%arg26 : memref<80x128xf32, #tpu.memory_space<vmem>>)
        %dma_wait3A_75 = arith.constant 0 : i32
        %dma_wait3A_76 = arith.constant 0 : i32
        %dma_wait3A_77 = tpu.memref_slice %arg4[%dma_wait3A_75, %dma_wait3A_76] : memref<320000x128xf32, #tpu.memory_space<hbm>> -> memref<320000x128xf32, #tpu.memory_space<hbm>>
        tpu.wait_indirect_dma semaphore(%arg33 : memref<!tpu.dma_semaphore, #tpu.memory_space<semaphore_mem>>) src(%dma_wait3A_77 : memref<320000x128xf32, #tpu.memory_space<hbm>>) dst(%arg27 : memref<80x128xf32, #tpu.memory_space<vmem>>)
        %dma_wait3A_78 = arith.constant 0 : i32
        %dma_wait3A_79 = arith.constant 0 : i32
        %dma_wait3A_80 = tpu.memref_slice %arg5[%dma_wait3A_78, %dma_wait3A_79] : memref<320000x128xf32, #tpu.memory_space<hbm>> -> memref<320000x128xf32, #tpu.memory_space<hbm>>
        tpu.wait_indirect_dma semaphore(%arg33 : memref<!tpu.dma_semaphore, #tpu.memory_space<semaphore_mem>>) src(%dma_wait3A_80 : memref<320000x128xf32, #tpu.memory_space<hbm>>) dst(%arg28 : memref<80x128xf32, #tpu.memory_space<vmem>>)
        %dma_start3A_81 = arith.constant 0 : i32
        %dma_start3A_82 = arith.constant 0 : i32
        %dma_start3A_83 = tpu.memref_slice %arg11[%dma_start3A_81, %dma_start3A_82] : memref<320000x128xf32, #tpu.memory_space<hbm>> -> memref<320000x128xf32, #tpu.memory_space<hbm>>
        tpu.enqueue_indirect_dma source(%arg25 : memref<80x128xf32, #tpu.memory_space<vmem>>) target(%dma_start3A_83 : memref<320000x128xf32, #tpu.memory_space<hbm>>) offsets(%arg23 : memref<80xi32, #tpu.memory_space<vmem>>) semaphore(%arg35 : memref<!tpu.dma_semaphore, #tpu.memory_space<semaphore_mem>>)
        %dma_start3A_84 = arith.constant 0 : i32
        %dma_start3A_85 = arith.constant 0 : i32
        %dma_start3A_86 = tpu.memref_slice %arg12[%dma_start3A_84, %dma_start3A_85] : memref<320000x128xf32, #tpu.memory_space<hbm>> -> memref<320000x128xf32, #tpu.memory_space<hbm>>
        tpu.enqueue_indirect_dma source(%arg26 : memref<80x128xf32, #tpu.memory_space<vmem>>) target(%dma_start3A_86 : memref<320000x128xf32, #tpu.memory_space<hbm>>) offsets(%arg23 : memref<80xi32, #tpu.memory_space<vmem>>) semaphore(%arg35 : memref<!tpu.dma_semaphore, #tpu.memory_space<semaphore_mem>>)
        %dma_start3A_87 = arith.constant 0 : i32
        %dma_start3A_88 = arith.constant 0 : i32
        %dma_start3A_89 = tpu.memref_slice %arg13[%dma_start3A_87, %dma_start3A_88] : memref<320000x128xf32, #tpu.memory_space<hbm>> -> memref<320000x128xf32, #tpu.memory_space<hbm>>
        tpu.enqueue_indirect_dma source(%arg27 : memref<80x128xf32, #tpu.memory_space<vmem>>) target(%dma_start3A_89 : memref<320000x128xf32, #tpu.memory_space<hbm>>) offsets(%arg23 : memref<80xi32, #tpu.memory_space<vmem>>) semaphore(%arg35 : memref<!tpu.dma_semaphore, #tpu.memory_space<semaphore_mem>>)
        %dma_start3A_90 = arith.constant 0 : i32
        %dma_start3A_91 = arith.constant 0 : i32
        %dma_start3A_92 = tpu.memref_slice %arg14[%dma_start3A_90, %dma_start3A_91] : memref<320000x128xf32, #tpu.memory_space<hbm>> -> memref<320000x128xf32, #tpu.memory_space<hbm>>
        tpu.enqueue_indirect_dma source(%arg28 : memref<80x128xf32, #tpu.memory_space<vmem>>) target(%dma_start3A_92 : memref<320000x128xf32, #tpu.memory_space<hbm>>) offsets(%arg23 : memref<80xi32, #tpu.memory_space<vmem>>) semaphore(%arg35 : memref<!tpu.dma_semaphore, #tpu.memory_space<semaphore_mem>>)
      } else {
      }
      %mul3A_42 = arith.constant 2 : i32
      %mul3A_43 = arith.muli %scan3A_35, %mul3A_42 : i32
      %add3A_44 = arith.constant 1 : i32
      %add3A_45 = arith.addi %mul3A_43, %add3A_44 : i32
      %lt3A_46 = arith.constant 125 : i32
      %lt3A_47 = arith.cmpi slt, %add3A_45, %lt3A_46 : i32
      %convert_element_type3A_48 = arith.extui %lt3A_47 : i1 to i32
      %cond3A_49 = arith.constant 0 : i32
      %cond3A_50 = arith.cmpi ne, %convert_element_type3A_48, %cond3A_49 : i32
      scf.if %cond3A_50 {
        %mul3A_51 = arith.constant 80 : i32
        %mul3A_52 = arith.muli %add3A_45, %mul3A_51 : i32
        %add3A_53 = arith.addi %mul3A_2, %mul3A_52 : i32
        %ge3A = arith.constant 2 : i32
        %ge3A_54 = arith.cmpi sge, %add3A_45, %ge3A : i32
        %convert_element_type3A_55 = arith.extui %ge3A_54 : i1 to i32
        %cond3A_56 = arith.constant 0 : i32
        %cond3A_57 = arith.cmpi ne, %convert_element_type3A_55, %cond3A_56 : i32
        scf.if %cond3A_57 {
          %sub3A = arith.constant 2 : i32
          %sub3A_93 = arith.subi %add3A_45, %sub3A : i32
          %mul3A_94 = arith.constant 80 : i32
          %mul3A_95 = arith.muli %sub3A_93, %mul3A_94 : i32
          %add3A_96 = arith.addi %mul3A_2, %mul3A_95 : i32
          %dma_wait3A_97 = arith.constant 0 : i32
          %dma_wait3A_98 = arith.constant 0 : i32
          %dma_wait3A_99 = tpu.memref_slice %arg11[%dma_wait3A_97, %dma_wait3A_98] : memref<320000x128xf32, #tpu.memory_space<hbm>> -> memref<320000x128xf32, #tpu.memory_space<hbm>>
          tpu.wait_indirect_dma semaphore(%arg36 : memref<!tpu.dma_semaphore, #tpu.memory_space<semaphore_mem>>) src(%arg29 : memref<80x128xf32, #tpu.memory_space<vmem>>) dst(%dma_wait3A_99 : memref<320000x128xf32, #tpu.memory_space<hbm>>)
          %dma_wait3A_100 = arith.constant 0 : i32
          %dma_wait3A_101 = arith.constant 0 : i32
          %dma_wait3A_102 = tpu.memref_slice %arg12[%dma_wait3A_100, %dma_wait3A_101] : memref<320000x128xf32, #tpu.memory_space<hbm>> -> memref<320000x128xf32, #tpu.memory_space<hbm>>
          tpu.wait_indirect_dma semaphore(%arg36 : memref<!tpu.dma_semaphore, #tpu.memory_space<semaphore_mem>>) src(%arg30 : memref<80x128xf32, #tpu.memory_space<vmem>>) dst(%dma_wait3A_102 : memref<320000x128xf32, #tpu.memory_space<hbm>>)
          %dma_wait3A_103 = arith.constant 0 : i32
          %dma_wait3A_104 = arith.constant 0 : i32
          %dma_wait3A_105 = tpu.memref_slice %arg13[%dma_wait3A_103, %dma_wait3A_104] : memref<320000x128xf32, #tpu.memory_space<hbm>> -> memref<320000x128xf32, #tpu.memory_space<hbm>>
          tpu.wait_indirect_dma semaphore(%arg36 : memref<!tpu.dma_semaphore, #tpu.memory_space<semaphore_mem>>) src(%arg31 : memref<80x128xf32, #tpu.memory_space<vmem>>) dst(%dma_wait3A_105 : memref<320000x128xf32, #tpu.memory_space<hbm>>)
          %dma_wait3A_106 = arith.constant 0 : i32
          %dma_wait3A_107 = arith.constant 0 : i32
          %dma_wait3A_108 = tpu.memref_slice %arg14[%dma_wait3A_106, %dma_wait3A_107] : memref<320000x128xf32, #tpu.memory_space<hbm>> -> memref<320000x128xf32, #tpu.memory_space<hbm>>
          tpu.wait_indirect_dma semaphore(%arg36 : memref<!tpu.dma_semaphore, #tpu.memory_space<semaphore_mem>>) src(%arg32 : memref<80x128xf32, #tpu.memory_space<vmem>>) dst(%dma_wait3A_108 : memref<320000x128xf32, #tpu.memory_space<hbm>>)
        } else {
        }
        "tpu.region"() ({
          %run_scoped3A = tpu.sem_alloc : memref<!tpu.dma_semaphore, #tpu.memory_space<semaphore_mem>>
          %dma_start3A_93 = tpu.memref_slice %arg10[%add3A_53] : memref<320000xi32, #tpu.memory_space<hbm>> -> memref<80xi32, #tpu.memory_space<hbm>>
          %dma_start3A_94 = tpu.memref_slice %arg10[%add3A_53] : memref<320000xi32, #tpu.memory_space<hbm>> -> memref<80xi32, #tpu.memory_space<hbm>>
          tpu.enqueue_dma source(%dma_start3A_94 : memref<80xi32, #tpu.memory_space<hbm>>) target(%arg24 : memref<80xi32, #tpu.memory_space<vmem>>) target_semaphore(%run_scoped3A : memref<!tpu.dma_semaphore, #tpu.memory_space<semaphore_mem>>)
          %dma_wait3A_95 = tpu.memref_slice %arg10[%add3A_53] : memref<320000xi32, #tpu.memory_space<hbm>> -> memref<80xi32, #tpu.memory_space<hbm>>
          %dma_wait3A_96 = tpu.memref_slice %arg10[%add3A_53] : memref<320000xi32, #tpu.memory_space<hbm>> -> memref<80xi32, #tpu.memory_space<hbm>>
          tpu.wait_dma2 semaphore(%run_scoped3A : memref<!tpu.dma_semaphore, #tpu.memory_space<semaphore_mem>>) src(%dma_wait3A_96 : memref<80xi32, #tpu.memory_space<hbm>>) dst(%arg24 : memref<80xi32, #tpu.memory_space<vmem>>)
          tpu.yield
        }) : () -> ()
        "tpu.region"() ({
          %run_scoped3A = tpu.sem_alloc : memref<!tpu.dma_semaphore, #tpu.memory_space<semaphore_mem>>
          %dma_start3A_93 = tpu.memref_slice %arg6[%add3A_53] : memref<320000xi32, #tpu.memory_space<hbm>> -> memref<80xi32, #tpu.memory_space<hbm>>
          %dma_start3A_94 = tpu.memref_slice %arg6[%add3A_53] : memref<320000xi32, #tpu.memory_space<hbm>> -> memref<80xi32, #tpu.memory_space<hbm>>
          tpu.enqueue_dma source(%dma_start3A_94 : memref<80xi32, #tpu.memory_space<hbm>>) target(%arg19 : memref<80xi32, #tpu.memory_space<vmem>>) target_semaphore(%run_scoped3A : memref<!tpu.dma_semaphore, #tpu.memory_space<semaphore_mem>>)
          %dma_wait3A_95 = tpu.memref_slice %arg6[%add3A_53] : memref<320000xi32, #tpu.memory_space<hbm>> -> memref<80xi32, #tpu.memory_space<hbm>>
          %dma_wait3A_96 = tpu.memref_slice %arg6[%add3A_53] : memref<320000xi32, #tpu.memory_space<hbm>> -> memref<80xi32, #tpu.memory_space<hbm>>
          tpu.wait_dma2 semaphore(%run_scoped3A : memref<!tpu.dma_semaphore, #tpu.memory_space<semaphore_mem>>) src(%dma_wait3A_96 : memref<80xi32, #tpu.memory_space<hbm>>) dst(%arg19 : memref<80xi32, #tpu.memory_space<vmem>>)
          tpu.yield
        }) : () -> ()
        %dma_start3A = arith.constant 0 : i32
        %dma_start3A_58 = arith.constant 0 : i32
        %dma_start3A_59 = tpu.memref_slice %arg2[%dma_start3A, %dma_start3A_58] : memref<320000x128xf32, #tpu.memory_space<hbm>> -> memref<320000x128xf32, #tpu.memory_space<hbm>>
        tpu.enqueue_indirect_dma source(%dma_start3A_59 : memref<320000x128xf32, #tpu.memory_space<hbm>>) target(%arg29 : memref<80x128xf32, #tpu.memory_space<vmem>>) offsets(%arg19 : memref<80xi32, #tpu.memory_space<vmem>>) semaphore(%arg34 : memref<!tpu.dma_semaphore, #tpu.memory_space<semaphore_mem>>)
        "tpu.region"() ({
          %run_scoped3A = tpu.sem_alloc : memref<!tpu.dma_semaphore, #tpu.memory_space<semaphore_mem>>
          %dma_start3A_93 = tpu.memref_slice %arg7[%add3A_53] : memref<320000xi32, #tpu.memory_space<hbm>> -> memref<80xi32, #tpu.memory_space<hbm>>
          %dma_start3A_94 = tpu.memref_slice %arg7[%add3A_53] : memref<320000xi32, #tpu.memory_space<hbm>> -> memref<80xi32, #tpu.memory_space<hbm>>
          tpu.enqueue_dma source(%dma_start3A_94 : memref<80xi32, #tpu.memory_space<hbm>>) target(%arg20 : memref<80xi32, #tpu.memory_space<vmem>>) target_semaphore(%run_scoped3A : memref<!tpu.dma_semaphore, #tpu.memory_space<semaphore_mem>>)
          %dma_wait3A_95 = tpu.memref_slice %arg7[%add3A_53] : memref<320000xi32, #tpu.memory_space<hbm>> -> memref<80xi32, #tpu.memory_space<hbm>>
          %dma_wait3A_96 = tpu.memref_slice %arg7[%add3A_53] : memref<320000xi32, #tpu.memory_space<hbm>> -> memref<80xi32, #tpu.memory_space<hbm>>
          tpu.wait_dma2 semaphore(%run_scoped3A : memref<!tpu.dma_semaphore, #tpu.memory_space<semaphore_mem>>) src(%dma_wait3A_96 : memref<80xi32, #tpu.memory_space<hbm>>) dst(%arg20 : memref<80xi32, #tpu.memory_space<vmem>>)
          tpu.yield
        }) : () -> ()
        %dma_start3A_60 = arith.constant 0 : i32
        %dma_start3A_61 = arith.constant 0 : i32
        %dma_start3A_62 = tpu.memref_slice %arg3[%dma_start3A_60, %dma_start3A_61] : memref<320000x128xf32, #tpu.memory_space<hbm>> -> memref<320000x128xf32, #tpu.memory_space<hbm>>
        tpu.enqueue_indirect_dma source(%dma_start3A_62 : memref<320000x128xf32, #tpu.memory_space<hbm>>) target(%arg30 : memref<80x128xf32, #tpu.memory_space<vmem>>) offsets(%arg20 : memref<80xi32, #tpu.memory_space<vmem>>) semaphore(%arg34 : memref<!tpu.dma_semaphore, #tpu.memory_space<semaphore_mem>>)
        "tpu.region"() ({
          %run_scoped3A = tpu.sem_alloc : memref<!tpu.dma_semaphore, #tpu.memory_space<semaphore_mem>>
          %dma_start3A_93 = tpu.memref_slice %arg8[%add3A_53] : memref<320000xi32, #tpu.memory_space<hbm>> -> memref<80xi32, #tpu.memory_space<hbm>>
          %dma_start3A_94 = tpu.memref_slice %arg8[%add3A_53] : memref<320000xi32, #tpu.memory_space<hbm>> -> memref<80xi32, #tpu.memory_space<hbm>>
          tpu.enqueue_dma source(%dma_start3A_94 : memref<80xi32, #tpu.memory_space<hbm>>) target(%arg21 : memref<80xi32, #tpu.memory_space<vmem>>) target_semaphore(%run_scoped3A : memref<!tpu.dma_semaphore, #tpu.memory_space<semaphore_mem>>)
          %dma_wait3A_95 = tpu.memref_slice %arg8[%add3A_53] : memref<320000xi32, #tpu.memory_space<hbm>> -> memref<80xi32, #tpu.memory_space<hbm>>
          %dma_wait3A_96 = tpu.memref_slice %arg8[%add3A_53] : memref<320000xi32, #tpu.memory_space<hbm>> -> memref<80xi32, #tpu.memory_space<hbm>>
          tpu.wait_dma2 semaphore(%run_scoped3A : memref<!tpu.dma_semaphore, #tpu.memory_space<semaphore_mem>>) src(%dma_wait3A_96 : memref<80xi32, #tpu.memory_space<hbm>>) dst(%arg21 : memref<80xi32, #tpu.memory_space<vmem>>)
          tpu.yield
        }) : () -> ()
        %dma_start3A_63 = arith.constant 0 : i32
        %dma_start3A_64 = arith.constant 0 : i32
        %dma_start3A_65 = tpu.memref_slice %arg4[%dma_start3A_63, %dma_start3A_64] : memref<320000x128xf32, #tpu.memory_space<hbm>> -> memref<320000x128xf32, #tpu.memory_space<hbm>>
        tpu.enqueue_indirect_dma source(%dma_start3A_65 : memref<320000x128xf32, #tpu.memory_space<hbm>>) target(%arg31 : memref<80x128xf32, #tpu.memory_space<vmem>>) offsets(%arg21 : memref<80xi32, #tpu.memory_space<vmem>>) semaphore(%arg34 : memref<!tpu.dma_semaphore, #tpu.memory_space<semaphore_mem>>)
        "tpu.region"() ({
          %run_scoped3A = tpu.sem_alloc : memref<!tpu.dma_semaphore, #tpu.memory_space<semaphore_mem>>
          %dma_start3A_93 = tpu.memref_slice %arg9[%add3A_53] : memref<320000xi32, #tpu.memory_space<hbm>> -> memref<80xi32, #tpu.memory_space<hbm>>
          %dma_start3A_94 = tpu.memref_slice %arg9[%add3A_53] : memref<320000xi32, #tpu.memory_space<hbm>> -> memref<80xi32, #tpu.memory_space<hbm>>
          tpu.enqueue_dma source(%dma_start3A_94 : memref<80xi32, #tpu.memory_space<hbm>>) target(%arg22 : memref<80xi32, #tpu.memory_space<vmem>>) target_semaphore(%run_scoped3A : memref<!tpu.dma_semaphore, #tpu.memory_space<semaphore_mem>>)
          %dma_wait3A_95 = tpu.memref_slice %arg9[%add3A_53] : memref<320000xi32, #tpu.memory_space<hbm>> -> memref<80xi32, #tpu.memory_space<hbm>>
          %dma_wait3A_96 = tpu.memref_slice %arg9[%add3A_53] : memref<320000xi32, #tpu.memory_space<hbm>> -> memref<80xi32, #tpu.memory_space<hbm>>
          tpu.wait_dma2 semaphore(%run_scoped3A : memref<!tpu.dma_semaphore, #tpu.memory_space<semaphore_mem>>) src(%dma_wait3A_96 : memref<80xi32, #tpu.memory_space<hbm>>) dst(%arg22 : memref<80xi32, #tpu.memory_space<vmem>>)
          tpu.yield
        }) : () -> ()
        %dma_start3A_66 = arith.constant 0 : i32
        %dma_start3A_67 = arith.constant 0 : i32
        %dma_start3A_68 = tpu.memref_slice %arg5[%dma_start3A_66, %dma_start3A_67] : memref<320000x128xf32, #tpu.memory_space<hbm>> -> memref<320000x128xf32, #tpu.memory_space<hbm>>
        tpu.enqueue_indirect_dma source(%dma_start3A_68 : memref<320000x128xf32, #tpu.memory_space<hbm>>) target(%arg32 : memref<80x128xf32, #tpu.memory_space<vmem>>) offsets(%arg22 : memref<80xi32, #tpu.memory_space<vmem>>) semaphore(%arg34 : memref<!tpu.dma_semaphore, #tpu.memory_space<semaphore_mem>>)
        %dma_wait3A_69 = arith.constant 0 : i32
        %dma_wait3A_70 = arith.constant 0 : i32
        %dma_wait3A_71 = tpu.memref_slice %arg2[%dma_wait3A_69, %dma_wait3A_70] : memref<320000x128xf32, #tpu.memory_space<hbm>> -> memref<320000x128xf32, #tpu.memory_space<hbm>>
        tpu.wait_indirect_dma semaphore(%arg34 : memref<!tpu.dma_semaphore, #tpu.memory_space<semaphore_mem>>) src(%dma_wait3A_71 : memref<320000x128xf32, #tpu.memory_space<hbm>>) dst(%arg29 : memref<80x128xf32, #tpu.memory_space<vmem>>)
        %dma_wait3A_72 = arith.constant 0 : i32
        %dma_wait3A_73 = arith.constant 0 : i32
        %dma_wait3A_74 = tpu.memref_slice %arg3[%dma_wait3A_72, %dma_wait3A_73] : memref<320000x128xf32, #tpu.memory_space<hbm>> -> memref<320000x128xf32, #tpu.memory_space<hbm>>
        tpu.wait_indirect_dma semaphore(%arg34 : memref<!tpu.dma_semaphore, #tpu.memory_space<semaphore_mem>>) src(%dma_wait3A_74 : memref<320000x128xf32, #tpu.memory_space<hbm>>) dst(%arg30 : memref<80x128xf32, #tpu.memory_space<vmem>>)
        %dma_wait3A_75 = arith.constant 0 : i32
        %dma_wait3A_76 = arith.constant 0 : i32
        %dma_wait3A_77 = tpu.memref_slice %arg4[%dma_wait3A_75, %dma_wait3A_76] : memref<320000x128xf32, #tpu.memory_space<hbm>> -> memref<320000x128xf32, #tpu.memory_space<hbm>>
        tpu.wait_indirect_dma semaphore(%arg34 : memref<!tpu.dma_semaphore, #tpu.memory_space<semaphore_mem>>) src(%dma_wait3A_77 : memref<320000x128xf32, #tpu.memory_space<hbm>>) dst(%arg31 : memref<80x128xf32, #tpu.memory_space<vmem>>)
        %dma_wait3A_78 = arith.constant 0 : i32
        %dma_wait3A_79 = arith.constant 0 : i32
        %dma_wait3A_80 = tpu.memref_slice %arg5[%dma_wait3A_78, %dma_wait3A_79] : memref<320000x128xf32, #tpu.memory_space<hbm>> -> memref<320000x128xf32, #tpu.memory_space<hbm>>
        tpu.wait_indirect_dma semaphore(%arg34 : memref<!tpu.dma_semaphore, #tpu.memory_space<semaphore_mem>>) src(%dma_wait3A_80 : memref<320000x128xf32, #tpu.memory_space<hbm>>) dst(%arg32 : memref<80x128xf32, #tpu.memory_space<vmem>>)
        %dma_start3A_81 = arith.constant 0 : i32
        %dma_start3A_82 = arith.constant 0 : i32
        %dma_start3A_83 = tpu.memref_slice %arg11[%dma_start3A_81, %dma_start3A_82] : memref<320000x128xf32, #tpu.memory_space<hbm>> -> memref<320000x128xf32, #tpu.memory_space<hbm>>
        tpu.enqueue_indirect_dma source(%arg29 : memref<80x128xf32, #tpu.memory_space<vmem>>) target(%dma_start3A_83 : memref<320000x128xf32, #tpu.memory_space<hbm>>) offsets(%arg24 : memref<80xi32, #tpu.memory_space<vmem>>) semaphore(%arg36 : memref<!tpu.dma_semaphore, #tpu.memory_space<semaphore_mem>>)
        %dma_start3A_84 = arith.constant 0 : i32
        %dma_start3A_85 = arith.constant 0 : i32
        %dma_start3A_86 = tpu.memref_slice %arg12[%dma_start3A_84, %dma_start3A_85] : memref<320000x128xf32, #tpu.memory_space<hbm>> -> memref<320000x128xf32, #tpu.memory_space<hbm>>
        tpu.enqueue_indirect_dma source(%arg30 : memref<80x128xf32, #tpu.memory_space<vmem>>) target(%dma_start3A_86 : memref<320000x128xf32, #tpu.memory_space<hbm>>) offsets(%arg24 : memref<80xi32, #tpu.memory_space<vmem>>) semaphore(%arg36 : memref<!tpu.dma_semaphore, #tpu.memory_space<semaphore_mem>>)
        %dma_start3A_87 = arith.constant 0 : i32
        %dma_start3A_88 = arith.constant 0 : i32
        %dma_start3A_89 = tpu.memref_slice %arg13[%dma_start3A_87, %dma_start3A_88] : memref<320000x128xf32, #tpu.memory_space<hbm>> -> memref<320000x128xf32, #tpu.memory_space<hbm>>
        tpu.enqueue_indirect_dma source(%arg31 : memref<80x128xf32, #tpu.memory_space<vmem>>) target(%dma_start3A_89 : memref<320000x128xf32, #tpu.memory_space<hbm>>) offsets(%arg24 : memref<80xi32, #tpu.memory_space<vmem>>) semaphore(%arg36 : memref<!tpu.dma_semaphore, #tpu.memory_space<semaphore_mem>>)
        %dma_start3A_90 = arith.constant 0 : i32
        %dma_start3A_91 = arith.constant 0 : i32
        %dma_start3A_92 = tpu.memref_slice %arg14[%dma_start3A_90, %dma_start3A_91] : memref<320000x128xf32, #tpu.memory_space<hbm>> -> memref<320000x128xf32, #tpu.memory_space<hbm>>
        tpu.enqueue_indirect_dma source(%arg32 : memref<80x128xf32, #tpu.memory_space<vmem>>) target(%dma_start3A_92 : memref<320000x128xf32, #tpu.memory_space<hbm>>) offsets(%arg24 : memref<80xi32, #tpu.memory_space<vmem>>) semaphore(%arg36 : memref<!tpu.dma_semaphore, #tpu.memory_space<semaphore_mem>>)
      } else {
      }
    }
    %scan3A_7 = arith.constant 63 : i32
    %add3A_8 = arith.constant 9920 : i32
    %add3A_9 = arith.addi %mul3A_2, %add3A_8 : i32
    %dma_wait3A = arith.constant 0 : i32
    %dma_wait3A_10 = arith.constant 0 : i32
    %dma_wait3A_11 = tpu.memref_slice %arg11[%dma_wait3A, %dma_wait3A_10] : memref<320000x128xf32, #tpu.memory_space<hbm>> -> memref<320000x128xf32, #tpu.memory_space<hbm>>
    tpu.wait_indirect_dma semaphore(%arg35 : memref<!tpu.dma_semaphore, #tpu.memory_space<semaphore_mem>>) src(%arg25 : memref<80x128xf32, #tpu.memory_space<vmem>>) dst(%dma_wait3A_11 : memref<320000x128xf32, #tpu.memory_space<hbm>>)
    %dma_wait3A_12 = arith.constant 0 : i32
    %dma_wait3A_13 = arith.constant 0 : i32
    %dma_wait3A_14 = tpu.memref_slice %arg12[%dma_wait3A_12, %dma_wait3A_13] : memref<320000x128xf32, #tpu.memory_space<hbm>> -> memref<320000x128xf32, #tpu.memory_space<hbm>>
    tpu.wait_indirect_dma semaphore(%arg35 : memref<!tpu.dma_semaphore, #tpu.memory_space<semaphore_mem>>) src(%arg26 : memref<80x128xf32, #tpu.memory_space<vmem>>) dst(%dma_wait3A_14 : memref<320000x128xf32, #tpu.memory_space<hbm>>)
    %dma_wait3A_15 = arith.constant 0 : i32
    %dma_wait3A_16 = arith.constant 0 : i32
    %dma_wait3A_17 = tpu.memref_slice %arg13[%dma_wait3A_15, %dma_wait3A_16] : memref<320000x128xf32, #tpu.memory_space<hbm>> -> memref<320000x128xf32, #tpu.memory_space<hbm>>
    tpu.wait_indirect_dma semaphore(%arg35 : memref<!tpu.dma_semaphore, #tpu.memory_space<semaphore_mem>>) src(%arg27 : memref<80x128xf32, #tpu.memory_space<vmem>>) dst(%dma_wait3A_17 : memref<320000x128xf32, #tpu.memory_space<hbm>>)
    %dma_wait3A_18 = arith.constant 0 : i32
    %dma_wait3A_19 = arith.constant 0 : i32
    %dma_wait3A_20 = tpu.memref_slice %arg14[%dma_wait3A_18, %dma_wait3A_19] : memref<320000x128xf32, #tpu.memory_space<hbm>> -> memref<320000x128xf32, #tpu.memory_space<hbm>>
    tpu.wait_indirect_dma semaphore(%arg35 : memref<!tpu.dma_semaphore, #tpu.memory_space<semaphore_mem>>) src(%arg28 : memref<80x128xf32, #tpu.memory_space<vmem>>) dst(%dma_wait3A_20 : memref<320000x128xf32, #tpu.memory_space<hbm>>)
    %add3A_21 = arith.constant 9840 : i32
    %add3A_22 = arith.addi %mul3A_2, %add3A_21 : i32
    %dma_wait3A_23 = arith.constant 0 : i32
    %dma_wait3A_24 = arith.constant 0 : i32
    %dma_wait3A_25 = tpu.memref_slice %arg11[%dma_wait3A_23, %dma_wait3A_24] : memref<320000x128xf32, #tpu.memory_space<hbm>> -> memref<320000x128xf32, #tpu.memory_space<hbm>>
    tpu.wait_indirect_dma semaphore(%arg36 : memref<!tpu.dma_semaphore, #tpu.memory_space<semaphore_mem>>) src(%arg29 : memref<80x128xf32, #tpu.memory_space<vmem>>) dst(%dma_wait3A_25 : memref<320000x128xf32, #tpu.memory_space<hbm>>)
    %dma_wait3A_26 = arith.constant 0 : i32
    %dma_wait3A_27 = arith.constant 0 : i32
    %dma_wait3A_28 = tpu.memref_slice %arg12[%dma_wait3A_26, %dma_wait3A_27] : memref<320000x128xf32, #tpu.memory_space<hbm>> -> memref<320000x128xf32, #tpu.memory_space<hbm>>
    tpu.wait_indirect_dma semaphore(%arg36 : memref<!tpu.dma_semaphore, #tpu.memory_space<semaphore_mem>>) src(%arg30 : memref<80x128xf32, #tpu.memory_space<vmem>>) dst(%dma_wait3A_28 : memref<320000x128xf32, #tpu.memory_space<hbm>>)
    %dma_wait3A_29 = arith.constant 0 : i32
    %dma_wait3A_30 = arith.constant 0 : i32
    %dma_wait3A_31 = tpu.memref_slice %arg13[%dma_wait3A_29, %dma_wait3A_30] : memref<320000x128xf32, #tpu.memory_space<hbm>> -> memref<320000x128xf32, #tpu.memory_space<hbm>>
    tpu.wait_indirect_dma semaphore(%arg36 : memref<!tpu.dma_semaphore, #tpu.memory_space<semaphore_mem>>) src(%arg31 : memref<80x128xf32, #tpu.memory_space<vmem>>) dst(%dma_wait3A_31 : memref<320000x128xf32, #tpu.memory_space<hbm>>)
    %dma_wait3A_32 = arith.constant 0 : i32
    %dma_wait3A_33 = arith.constant 0 : i32
    %dma_wait3A_34 = tpu.memref_slice %arg14[%dma_wait3A_32, %dma_wait3A_33] : memref<320000x128xf32, #tpu.memory_space<hbm>> -> memref<320000x128xf32, #tpu.memory_space<hbm>>
    tpu.wait_indirect_dma semaphore(%arg36 : memref<!tpu.dma_semaphore, #tpu.memory_space<semaphore_mem>>) src(%arg32 : memref<80x128xf32, #tpu.memory_space<vmem>>) dst(%dma_wait3A_34 : memref<320000x128xf32, #tpu.memory_space<hbm>>)
    return
  }
}

module attributes {stable_mosaic.version = 14 : i64} {
  func.func @_segmean_body(%arg0: i32, %arg1: memref<512x128xf32, #tpu.memory_space<vmem>>, %arg2: memref<1x1x512xi32, #tpu.memory_space<vmem>>, %arg3: memref<1x1x512xi32, #tpu.memory_space<vmem>>, %arg4: memref<1x1x512xi32, #tpu.memory_space<vmem>>, %arg5: memref<1x1x512xi32, #tpu.memory_space<vmem>>, %arg6: memref<1x1x1xi32, #tpu.memory_space<smem>>, %arg7: memref<1x1x1xi32, #tpu.memory_space<smem>>, %arg8: memref<1x1x1xi32, #tpu.memory_space<smem>>, %arg9: memref<1x1x1xi32, #tpu.memory_space<smem>>, %arg10: memref<1x1x1xi32, #tpu.memory_space<smem>>, %arg11: memref<1x1x1xi32, #tpu.memory_space<smem>>, %arg12: memref<1x1x1xi32, #tpu.memory_space<smem>>, %arg13: memref<1x1x1xi32, #tpu.memory_space<smem>>, %arg14: memref<512x128xf32, #tpu.memory_space<vmem>>, %arg15: memref<512x128xf32, #tpu.memory_space<vmem>>, %arg16: memref<512x128xf32, #tpu.memory_space<vmem>>, %arg17: memref<512x128xf32, #tpu.memory_space<vmem>>, %arg18: memref<4x8x128xf32, #tpu.memory_space<vmem>>) attributes {dimension_semantics = [#tpu.dimension_semantics<arbitrary>], iteration_bounds = array<i64: 625>, scalar_prefetch = 0 : i64, scratch_operands = 1 : i64, tpu.core_type = #tpu.core_type<tc>, window_params = [{transform_indices = @transform_0, window_bounds = array<i64: 512, 128>}, {transform_indices = @transform_1, window_bounds = array<i64: 1, 1, 512>}, {transform_indices = @transform_2, window_bounds = array<i64: 1, 1, 512>}, {transform_indices = @transform_3, window_bounds = array<i64: 1, 1, 512>}, {transform_indices = @transform_4, window_bounds = array<i64: 1, 1, 512>}, {transform_indices = @transform_5, window_bounds = array<i64: 1, 1, 1>}, {transform_indices = @transform_6, window_bounds = array<i64: 1, 1, 1>}, {transform_indices = @transform_7, window_bounds = array<i64: 1, 1, 1>}, {transform_indices = @transform_8, window_bounds = array<i64: 1, 1, 1>}, {transform_indices = @transform_9, window_bounds = array<i64: 1, 1, 1>}, {transform_indices = @transform_10, window_bounds = array<i64: 1, 1, 1>}, {transform_indices = @transform_11, window_bounds = array<i64: 1, 1, 1>}, {transform_indices = @transform_12, window_bounds = array<i64: 1, 1, 1>}, {transform_indices = @transform_13, window_bounds = array<i64: 512, 128>}, {transform_indices = @transform_14, window_bounds = array<i64: 512, 128>}, {transform_indices = @transform_15, window_bounds = array<i64: 512, 128>}, {transform_indices = @transform_16, window_bounds = array<i64: 512, 128>}]} {
    %get3A = arith.constant 0 : index
    %get3A_0 = arith.constant 0 : index
    %get3A_1 = vector.load %arg1[%get3A, %get3A_0] : memref<512x128xf32, #tpu.memory_space<vmem>>, vector<512x128xf32>
    %iota3A = tpu.iota {dimensions = array<i32: 0>} : vector<512x128xi32>
    %iota3A_2 = tpu.iota {dimensions = array<i32: 0>} : vector<512x512xi32>
    %convert_element_type3A = arith.truncf %get3A_1 : vector<512x128xf32> to vector<512x128xbf16>
    %convert_element_type3A_3 = arith.extf %convert_element_type3A : vector<512x128xbf16> to vector<512x128xf32>
    %sub3A = arith.subf %get3A_1, %convert_element_type3A_3 : vector<512x128xf32>
    %convert_element_type3A_4 = arith.truncf %sub3A : vector<512x128xf32> to vector<512x128xbf16>
    %broadcast_in_dim3A = arith.constant 1.000000e+00 : bf16
    %broadcast_in_dim3A_5 = vector.broadcast %broadcast_in_dim3A : bf16 to vector<512x128xbf16>
    %concatenate3A = tpu.concatenate %convert_element_type3A, %convert_element_type3A_4, %broadcast_in_dim3A_5 in 1 : vector<512x128xbf16>, vector<512x128xbf16>, vector<512x128xbf16> -> vector<512x384xbf16>
    %get3A_6 = arith.constant 0 : index
    %get3A_7 = arith.constant 0 : index
    %get3A_8 = arith.constant 0 : index
    %get3A_9 = vector.load %arg2[%get3A_6, %get3A_7, %get3A_8] : memref<1x1x512xi32, #tpu.memory_space<vmem>>, vector<1x1x512xi32>
    %get3A_10 = vector.shape_cast %get3A_9 : vector<1x1x512xi32> to vector<1x512xi32>
    %eq3A = vector.broadcast %get3A_10 : vector<1x512xi32> to vector<512x512xi32>
    %eq3A_11 = arith.cmpi eq, %iota3A_2, %eq3A : vector<512x512xi32>
    %convert_element_type3A_12 = arith.extui %eq3A_11 : vector<512x512xi1> to vector<512x512xi32>
    %convert_element_type3A_13 = arith.sitofp %convert_element_type3A_12 : vector<512x512xi32> to vector<512x512xf32>
    %convert_element_type3A_14 = arith.truncf %convert_element_type3A_13 : vector<512x512xf32> to vector<512x512xbf16>
    %dot_general3A = arith.constant dense<0.000000e+00> : vector<512x384xf32>
    %dot_general3A_15 = tpu.matmul %convert_element_type3A_14, %concatenate3A, %dot_general3A {dimension_numbers = #tpu.dot_dimension_numbers<[1], [0], [0], [1], [0, 0, 1, 1], [], []>, transpose_lhs_hint = false} : vector<512x512xbf16>, vector<512x384xbf16>, vector<512x384xf32> -> vector<512x384xf32>
    %slice3A = vector.extract_strided_slice %dot_general3A_15 {offsets = [0, 0], sizes = [512, 128], strides = [1, 1]} : vector<512x384xf32> to vector<512x128xf32>
    %slice3A_16 = vector.extract_strided_slice %dot_general3A_15 {offsets = [0, 128], sizes = [512, 128], strides = [1, 1]} : vector<512x384xf32> to vector<512x128xf32>
    %add3A = arith.addf %slice3A, %slice3A_16 : vector<512x128xf32>
    %slice3A_17 = vector.extract_strided_slice %dot_general3A_15 {offsets = [0, 256], sizes = [512, 128], strides = [1, 1]} : vector<512x384xf32> to vector<512x128xf32>
    %get3A_18 = arith.constant 0 : index
    %get3A_19 = arith.constant 0 : index
    %get3A_20 = arith.constant 0 : index
    %get3A_21 = memref.load %arg6[%get3A_18, %get3A_19, %get3A_20] : memref<1x1x1xi32, #tpu.memory_space<smem>>
    %eq3A_22 = arith.constant 0 : i32
    %eq3A_23 = vector.broadcast %eq3A_22 : i32 to vector<512x128xi32>
    %eq3A_24 = arith.cmpi eq, %iota3A, %eq3A_23 : vector<512x128xi32>
    %eq3A_25 = arith.constant 1 : i32
    %eq3A_26 = arith.cmpi eq, %get3A_21, %eq3A_25 : i32
    %and3A = vector.broadcast %eq3A_26 : i1 to vector<512x128xi1>
    %and3A_27 = arith.andi %eq3A_24, %and3A : vector<512x128xi1>
    %get3A_28 = arith.constant 0 : index
    %get3A_29 = arith.constant 0 : index
    %get3A_30 = arith.constant 0 : index
    %get3A_31 = vector.load %arg18[%get3A_28, %get3A_29, %get3A_30] : memref<4x8x128xf32, #tpu.memory_space<vmem>>, vector<1x1x128xf32>
    %get3A_32 = vector.shape_cast %get3A_31 : vector<1x1x128xf32> to vector<1x128xf32>
    %jit3A = arith.constant 0.000000e+00 : f32
    %broadcast_in_dim3A_33 = vector.shape_cast %get3A_32 : vector<1x128xf32> to vector<1x128xf32>
    %broadcast_in_dim3A_34 = vector.broadcast %broadcast_in_dim3A_33 : vector<1x128xf32> to vector<512x128xf32>
    %broadcast_in_dim3A_35 = vector.broadcast %jit3A : f32 to vector<512x128xf32>
    %select_n3A = arith.select %and3A_27, %broadcast_in_dim3A_34, %broadcast_in_dim3A_35 : vector<512x128xi1>, vector<512x128xf32>
    %add3A_36 = arith.addf %add3A, %select_n3A : vector<512x128xf32>
    %get3A_37 = arith.constant 0 : index
    %get3A_38 = arith.constant 1 : index
    %get3A_39 = arith.constant 0 : index
    %get3A_40 = vector.load %arg18[%get3A_37, %get3A_38, %get3A_39] : memref<4x8x128xf32, #tpu.memory_space<vmem>>, vector<1x1x128xf32>
    %get3A_41 = vector.shape_cast %get3A_40 : vector<1x1x128xf32> to vector<1x128xf32>
    %jit3A_42 = arith.constant 0.000000e+00 : f32
    %broadcast_in_dim3A_43 = vector.shape_cast %get3A_41 : vector<1x128xf32> to vector<1x128xf32>
    %broadcast_in_dim3A_44 = vector.broadcast %broadcast_in_dim3A_43 : vector<1x128xf32> to vector<512x128xf32>
    %broadcast_in_dim3A_45 = vector.broadcast %jit3A_42 : f32 to vector<512x128xf32>
    %select_n3A_46 = arith.select %and3A_27, %broadcast_in_dim3A_44, %broadcast_in_dim3A_45 : vector<512x128xi1>, vector<512x128xf32>
    %add3A_47 = arith.addf %slice3A_17, %select_n3A_46 : vector<512x128xf32>
    %get3A_48 = arith.constant 0 : index
    %get3A_49 = arith.constant 0 : index
    %get3A_50 = arith.constant 0 : index
    %get3A_51 = memref.load %arg10[%get3A_48, %get3A_49, %get3A_50] : memref<1x1x1xi32, #tpu.memory_space<smem>>
    %eq3A_52 = vector.broadcast %get3A_51 : i32 to vector<512x128xi32>
    %eq3A_53 = arith.cmpi eq, %iota3A, %eq3A_52 : vector<512x128xi32>
    %jit3A_54 = arith.constant 0.000000e+00 : f32
    %broadcast_in_dim3A_55 = vector.broadcast %jit3A_54 : f32 to vector<512x128xf32>
    %select_n3A_56 = arith.select %eq3A_53, %add3A_36, %broadcast_in_dim3A_55 : vector<512x128xi1>, vector<512x128xf32>
    %reduce_sum3A = arith.constant dense<0.000000e+00> : vector<128xf32>
    %reduce_sum3A_57 = vector.multi_reduction <add>, %select_n3A_56, %reduce_sum3A [0] : vector<512x128xf32> to vector<128xf32>
    %broadcast_in_dim3A_58 = vector.shape_cast %reduce_sum3A_57 : vector<128xf32> to vector<1x128xf32>
    %swap3A = arith.constant 0 : index
    %swap3A_59 = arith.constant 0 : index
    %swap3A_60 = arith.constant 0 : index
    %swap3A_61 = vector.load %arg18[%swap3A, %swap3A_59, %swap3A_60] : memref<4x8x128xf32, #tpu.memory_space<vmem>>, vector<1x1x128xf32>
    %swap3A_62 = vector.shape_cast %swap3A_61 : vector<1x1x128xf32> to vector<1x128xf32>
    %swap3A_63 = vector.shape_cast %broadcast_in_dim3A_58 : vector<1x128xf32> to vector<1x1x128xf32>
    tpu.vector_store %arg18[%swap3A, %swap3A_59, %swap3A_60], %swap3A_63 {strides = array<i32>} : memref<4x8x128xf32, #tpu.memory_space<vmem>>, vector<1x1x128xf32>,
    %jit3A_64 = arith.constant 0.000000e+00 : f32
    %broadcast_in_dim3A_65 = vector.broadcast %jit3A_64 : f32 to vector<512x128xf32>
    %select_n3A_66 = arith.select %eq3A_53, %add3A_47, %broadcast_in_dim3A_65 : vector<512x128xi1>, vector<512x128xf32>
    %reduce_sum3A_67 = arith.constant dense<0.000000e+00> : vector<128xf32>
    %reduce_sum3A_68 = vector.multi_reduction <add>, %select_n3A_66, %reduce_sum3A_67 [0] : vector<512x128xf32> to vector<128xf32>
    %broadcast_in_dim3A_69 = vector.shape_cast %reduce_sum3A_68 : vector<128xf32> to vector<1x128xf32>
    %swap3A_70 = arith.constant 0 : index
    %swap3A_71 = arith.constant 1 : index
    %swap3A_72 = arith.constant 0 : index
    %swap3A_73 = vector.load %arg18[%swap3A_70, %swap3A_71, %swap3A_72] : memref<4x8x128xf32, #tpu.memory_space<vmem>>, vector<1x1x128xf32>
    %swap3A_74 = vector.shape_cast %swap3A_73 : vector<1x1x128xf32> to vector<1x128xf32>
    %swap3A_75 = vector.shape_cast %broadcast_in_dim3A_69 : vector<1x128xf32> to vector<1x1x128xf32>
    tpu.vector_store %arg18[%swap3A_70, %swap3A_71, %swap3A_72], %swap3A_75 {strides = array<i32>} : memref<4x8x128xf32, #tpu.memory_space<vmem>>, vector<1x1x128xf32>,
    %max3A = arith.constant 1.000000e+00 : f32
    %max3A_76 = vector.broadcast %max3A : f32 to vector<512x128xf32>
    %max3A_77 = arith.maximumf %add3A_47, %max3A_76 : vector<512x128xf32>
    %div3A = arith.divf %add3A_36, %max3A_77 : vector<512x128xf32>
    %swap3A_78 = arith.constant 0 : index
    %swap3A_79 = arith.constant 0 : index
    %swap3A_80 = vector.load %arg14[%swap3A_78, %swap3A_79] : memref<512x128xf32, #tpu.memory_space<vmem>>, vector<512x128xf32>
    tpu.vector_store %arg14[%swap3A_78, %swap3A_79], %div3A {strides = array<i32>} : memref<512x128xf32, #tpu.memory_space<vmem>>, vector<512x128xf32>,
    %get3A_81 = arith.constant 0 : index
    %get3A_82 = arith.constant 0 : index
    %get3A_83 = arith.constant 0 : index
    %get3A_84 = vector.load %arg3[%get3A_81, %get3A_82, %get3A_83] : memref<1x1x512xi32, #tpu.memory_space<vmem>>, vector<1x1x512xi32>
    %get3A_85 = vector.shape_cast %get3A_84 : vector<1x1x512xi32> to vector<1x512xi32>
    %eq3A_86 = vector.broadcast %get3A_85 : vector<1x512xi32> to vector<512x512xi32>
    %eq3A_87 = arith.cmpi eq, %iota3A_2, %eq3A_86 : vector<512x512xi32>
    %convert_element_type3A_88 = arith.extui %eq3A_87 : vector<512x512xi1> to vector<512x512xi32>
    %convert_element_type3A_89 = arith.sitofp %convert_element_type3A_88 : vector<512x512xi32> to vector<512x512xf32>
    %convert_element_type3A_90 = arith.truncf %convert_element_type3A_89 : vector<512x512xf32> to vector<512x512xbf16>
    %dot_general3A_91 = arith.constant dense<0.000000e+00> : vector<512x384xf32>
    %dot_general3A_92 = tpu.matmul %convert_element_type3A_90, %concatenate3A, %dot_general3A_91 {dimension_numbers = #tpu.dot_dimension_numbers<[1], [0], [0], [1], [0, 0, 1, 1], [], []>, transpose_lhs_hint = false} : vector<512x512xbf16>, vector<512x384xbf16>, vector<512x384xf32> -> vector<512x384xf32>
    %slice3A_93 = vector.extract_strided_slice %dot_general3A_92 {offsets = [0, 0], sizes = [512, 128], strides = [1, 1]} : vector<512x384xf32> to vector<512x128xf32>
    %slice3A_94 = vector.extract_strided_slice %dot_general3A_92 {offsets = [0, 128], sizes = [512, 128], strides = [1, 1]} : vector<512x384xf32> to vector<512x128xf32>
    %add3A_95 = arith.addf %slice3A_93, %slice3A_94 : vector<512x128xf32>
    %slice3A_96 = vector.extract_strided_slice %dot_general3A_92 {offsets = [0, 256], sizes = [512, 128], strides = [1, 1]} : vector<512x384xf32> to vector<512x128xf32>
    %get3A_97 = arith.constant 0 : index
    %get3A_98 = arith.constant 0 : index
    %get3A_99 = arith.constant 0 : index
    %get3A_100 = memref.load %arg7[%get3A_97, %get3A_98, %get3A_99] : memref<1x1x1xi32, #tpu.memory_space<smem>>
    %eq3A_101 = arith.constant 0 : i32
    %eq3A_102 = vector.broadcast %eq3A_101 : i32 to vector<512x128xi32>
    %eq3A_103 = arith.cmpi eq, %iota3A, %eq3A_102 : vector<512x128xi32>
    %eq3A_104 = arith.constant 1 : i32
    %eq3A_105 = arith.cmpi eq, %get3A_100, %eq3A_104 : i32
    %and3A_106 = vector.broadcast %eq3A_105 : i1 to vector<512x128xi1>
    %and3A_107 = arith.andi %eq3A_103, %and3A_106 : vector<512x128xi1>
    %get3A_108 = arith.constant 1 : index
    %get3A_109 = arith.constant 0 : index
    %get3A_110 = arith.constant 0 : index
    %get3A_111 = vector.load %arg18[%get3A_108, %get3A_109, %get3A_110] : memref<4x8x128xf32, #tpu.memory_space<vmem>>, vector<1x1x128xf32>
    %get3A_112 = vector.shape_cast %get3A_111 : vector<1x1x128xf32> to vector<1x128xf32>
    %jit3A_113 = arith.constant 0.000000e+00 : f32
    %broadcast_in_dim3A_114 = vector.shape_cast %get3A_112 : vector<1x128xf32> to vector<1x128xf32>
    %broadcast_in_dim3A_115 = vector.broadcast %broadcast_in_dim3A_114 : vector<1x128xf32> to vector<512x128xf32>
    %broadcast_in_dim3A_116 = vector.broadcast %jit3A_113 : f32 to vector<512x128xf32>
    %select_n3A_117 = arith.select %and3A_107, %broadcast_in_dim3A_115, %broadcast_in_dim3A_116 : vector<512x128xi1>, vector<512x128xf32>
    %add3A_118 = arith.addf %add3A_95, %select_n3A_117 : vector<512x128xf32>
    %get3A_119 = arith.constant 1 : index
    %get3A_120 = arith.constant 1 : index
    %get3A_121 = arith.constant 0 : index
    %get3A_122 = vector.load %arg18[%get3A_119, %get3A_120, %get3A_121] : memref<4x8x128xf32, #tpu.memory_space<vmem>>, vector<1x1x128xf32>
    %get3A_123 = vector.shape_cast %get3A_122 : vector<1x1x128xf32> to vector<1x128xf32>
    %jit3A_124 = arith.constant 0.000000e+00 : f32
    %broadcast_in_dim3A_125 = vector.shape_cast %get3A_123 : vector<1x128xf32> to vector<1x128xf32>
    %broadcast_in_dim3A_126 = vector.broadcast %broadcast_in_dim3A_125 : vector<1x128xf32> to vector<512x128xf32>
    %broadcast_in_dim3A_127 = vector.broadcast %jit3A_124 : f32 to vector<512x128xf32>
    %select_n3A_128 = arith.select %and3A_107, %broadcast_in_dim3A_126, %broadcast_in_dim3A_127 : vector<512x128xi1>, vector<512x128xf32>
    %add3A_129 = arith.addf %slice3A_96, %select_n3A_128 : vector<512x128xf32>
    %get3A_130 = arith.constant 0 : index
    %get3A_131 = arith.constant 0 : index
    %get3A_132 = arith.constant 0 : index
    %get3A_133 = memref.load %arg11[%get3A_130, %get3A_131, %get3A_132] : memref<1x1x1xi32, #tpu.memory_space<smem>>
    %eq3A_134 = vector.broadcast %get3A_133 : i32 to vector<512x128xi32>
    %eq3A_135 = arith.cmpi eq, %iota3A, %eq3A_134 : vector<512x128xi32>
    %jit3A_136 = arith.constant 0.000000e+00 : f32
    %broadcast_in_dim3A_137 = vector.broadcast %jit3A_136 : f32 to vector<512x128xf32>
    %select_n3A_138 = arith.select %eq3A_135, %add3A_118, %broadcast_in_dim3A_137 : vector<512x128xi1>, vector<512x128xf32>
    %reduce_sum3A_139 = arith.constant dense<0.000000e+00> : vector<128xf32>
    %reduce_sum3A_140 = vector.multi_reduction <add>, %select_n3A_138, %reduce_sum3A_139 [0] : vector<512x128xf32> to vector<128xf32>
    %broadcast_in_dim3A_141 = vector.shape_cast %reduce_sum3A_140 : vector<128xf32> to vector<1x128xf32>
    %swap3A_142 = arith.constant 1 : index
    %swap3A_143 = arith.constant 0 : index
    %swap3A_144 = arith.constant 0 : index
    %swap3A_145 = vector.load %arg18[%swap3A_142, %swap3A_143, %swap3A_144] : memref<4x8x128xf32, #tpu.memory_space<vmem>>, vector<1x1x128xf32>
    %swap3A_146 = vector.shape_cast %swap3A_145 : vector<1x1x128xf32> to vector<1x128xf32>
    %swap3A_147 = vector.shape_cast %broadcast_in_dim3A_141 : vector<1x128xf32> to vector<1x1x128xf32>
    tpu.vector_store %arg18[%swap3A_142, %swap3A_143, %swap3A_144], %swap3A_147 {strides = array<i32>} : memref<4x8x128xf32, #tpu.memory_space<vmem>>, vector<1x1x128xf32>,
    %jit3A_148 = arith.constant 0.000000e+00 : f32
    %broadcast_in_dim3A_149 = vector.broadcast %jit3A_148 : f32 to vector<512x128xf32>
    %select_n3A_150 = arith.select %eq3A_135, %add3A_129, %broadcast_in_dim3A_149 : vector<512x128xi1>, vector<512x128xf32>
    %reduce_sum3A_151 = arith.constant dense<0.000000e+00> : vector<128xf32>
    %reduce_sum3A_152 = vector.multi_reduction <add>, %select_n3A_150, %reduce_sum3A_151 [0] : vector<512x128xf32> to vector<128xf32>
    %broadcast_in_dim3A_153 = vector.shape_cast %reduce_sum3A_152 : vector<128xf32> to vector<1x128xf32>
    %swap3A_154 = arith.constant 1 : index
    %swap3A_155 = arith.constant 1 : index
    %swap3A_156 = arith.constant 0 : index
    %swap3A_157 = vector.load %arg18[%swap3A_154, %swap3A_155, %swap3A_156] : memref<4x8x128xf32, #tpu.memory_space<vmem>>, vector<1x1x128xf32>
    %swap3A_158 = vector.shape_cast %swap3A_157 : vector<1x1x128xf32> to vector<1x128xf32>
    %swap3A_159 = vector.shape_cast %broadcast_in_dim3A_153 : vector<1x128xf32> to vector<1x1x128xf32>
    tpu.vector_store %arg18[%swap3A_154, %swap3A_155, %swap3A_156], %swap3A_159 {strides = array<i32>} : memref<4x8x128xf32, #tpu.memory_space<vmem>>, vector<1x1x128xf32>,
    %max3A_160 = arith.constant 1.000000e+00 : f32
    %max3A_161 = vector.broadcast %max3A_160 : f32 to vector<512x128xf32>
    %max3A_162 = arith.maximumf %add3A_129, %max3A_161 : vector<512x128xf32>
    %div3A_163 = arith.divf %add3A_118, %max3A_162 : vector<512x128xf32>
    %swap3A_164 = arith.constant 0 : index
    %swap3A_165 = arith.constant 0 : index
    %swap3A_166 = vector.load %arg15[%swap3A_164, %swap3A_165] : memref<512x128xf32, #tpu.memory_space<vmem>>, vector<512x128xf32>
    tpu.vector_store %arg15[%swap3A_164, %swap3A_165], %div3A_163 {strides = array<i32>} : memref<512x128xf32, #tpu.memory_space<vmem>>, vector<512x128xf32>,
    %get3A_167 = arith.constant 0 : index
    %get3A_168 = arith.constant 0 : index
    %get3A_169 = arith.constant 0 : index
    %get3A_170 = vector.load %arg4[%get3A_167, %get3A_168, %get3A_169] : memref<1x1x512xi32, #tpu.memory_space<vmem>>, vector<1x1x512xi32>
    %get3A_171 = vector.shape_cast %get3A_170 : vector<1x1x512xi32> to vector<1x512xi32>
    %eq3A_172 = vector.broadcast %get3A_171 : vector<1x512xi32> to vector<512x512xi32>
    %eq3A_173 = arith.cmpi eq, %iota3A_2, %eq3A_172 : vector<512x512xi32>
    %convert_element_type3A_174 = arith.extui %eq3A_173 : vector<512x512xi1> to vector<512x512xi32>
    %convert_element_type3A_175 = arith.sitofp %convert_element_type3A_174 : vector<512x512xi32> to vector<512x512xf32>
    %convert_element_type3A_176 = arith.truncf %convert_element_type3A_175 : vector<512x512xf32> to vector<512x512xbf16>
    %dot_general3A_177 = arith.constant dense<0.000000e+00> : vector<512x384xf32>
    %dot_general3A_178 = tpu.matmul %convert_element_type3A_176, %concatenate3A, %dot_general3A_177 {dimension_numbers = #tpu.dot_dimension_numbers<[1], [0], [0], [1], [0, 0, 1, 1], [], []>, transpose_lhs_hint = false} : vector<512x512xbf16>, vector<512x384xbf16>, vector<512x384xf32> -> vector<512x384xf32>
    %slice3A_179 = vector.extract_strided_slice %dot_general3A_178 {offsets = [0, 0], sizes = [512, 128], strides = [1, 1]} : vector<512x384xf32> to vector<512x128xf32>
    %slice3A_180 = vector.extract_strided_slice %dot_general3A_178 {offsets = [0, 128], sizes = [512, 128], strides = [1, 1]} : vector<512x384xf32> to vector<512x128xf32>
    %add3A_181 = arith.addf %slice3A_179, %slice3A_180 : vector<512x128xf32>
    %slice3A_182 = vector.extract_strided_slice %dot_general3A_178 {offsets = [0, 256], sizes = [512, 128], strides = [1, 1]} : vector<512x384xf32> to vector<512x128xf32>
    %get3A_183 = arith.constant 0 : index
    %get3A_184 = arith.constant 0 : index
    %get3A_185 = arith.constant 0 : index
    %get3A_186 = memref.load %arg8[%get3A_183, %get3A_184, %get3A_185] : memref<1x1x1xi32, #tpu.memory_space<smem>>
    %eq3A_187 = arith.constant 0 : i32
    %eq3A_188 = vector.broadcast %eq3A_187 : i32 to vector<512x128xi32>
    %eq3A_189 = arith.cmpi eq, %iota3A, %eq3A_188 : vector<512x128xi32>
    %eq3A_190 = arith.constant 1 : i32
    %eq3A_191 = arith.cmpi eq, %get3A_186, %eq3A_190 : i32
    %and3A_192 = vector.broadcast %eq3A_191 : i1 to vector<512x128xi1>
    %and3A_193 = arith.andi %eq3A_189, %and3A_192 : vector<512x128xi1>
    %get3A_194 = arith.constant 2 : index
    %get3A_195 = arith.constant 0 : index
    %get3A_196 = arith.constant 0 : index
    %get3A_197 = vector.load %arg18[%get3A_194, %get3A_195, %get3A_196] : memref<4x8x128xf32, #tpu.memory_space<vmem>>, vector<1x1x128xf32>
    %get3A_198 = vector.shape_cast %get3A_197 : vector<1x1x128xf32> to vector<1x128xf32>
    %jit3A_199 = arith.constant 0.000000e+00 : f32
    %broadcast_in_dim3A_200 = vector.shape_cast %get3A_198 : vector<1x128xf32> to vector<1x128xf32>
    %broadcast_in_dim3A_201 = vector.broadcast %broadcast_in_dim3A_200 : vector<1x128xf32> to vector<512x128xf32>
    %broadcast_in_dim3A_202 = vector.broadcast %jit3A_199 : f32 to vector<512x128xf32>
    %select_n3A_203 = arith.select %and3A_193, %broadcast_in_dim3A_201, %broadcast_in_dim3A_202 : vector<512x128xi1>, vector<512x128xf32>
    %add3A_204 = arith.addf %add3A_181, %select_n3A_203 : vector<512x128xf32>
    %get3A_205 = arith.constant 2 : index
    %get3A_206 = arith.constant 1 : index
    %get3A_207 = arith.constant 0 : index
    %get3A_208 = vector.load %arg18[%get3A_205, %get3A_206, %get3A_207] : memref<4x8x128xf32, #tpu.memory_space<vmem>>, vector<1x1x128xf32>
    %get3A_209 = vector.shape_cast %get3A_208 : vector<1x1x128xf32> to vector<1x128xf32>
    %jit3A_210 = arith.constant 0.000000e+00 : f32
    %broadcast_in_dim3A_211 = vector.shape_cast %get3A_209 : vector<1x128xf32> to vector<1x128xf32>
    %broadcast_in_dim3A_212 = vector.broadcast %broadcast_in_dim3A_211 : vector<1x128xf32> to vector<512x128xf32>
    %broadcast_in_dim3A_213 = vector.broadcast %jit3A_210 : f32 to vector<512x128xf32>
    %select_n3A_214 = arith.select %and3A_193, %broadcast_in_dim3A_212, %broadcast_in_dim3A_213 : vector<512x128xi1>, vector<512x128xf32>
    %add3A_215 = arith.addf %slice3A_182, %select_n3A_214 : vector<512x128xf32>
    %get3A_216 = arith.constant 0 : index
    %get3A_217 = arith.constant 0 : index
    %get3A_218 = arith.constant 0 : index
    %get3A_219 = memref.load %arg12[%get3A_216, %get3A_217, %get3A_218] : memref<1x1x1xi32, #tpu.memory_space<smem>>
    %eq3A_220 = vector.broadcast %get3A_219 : i32 to vector<512x128xi32>
    %eq3A_221 = arith.cmpi eq, %iota3A, %eq3A_220 : vector<512x128xi32>
    %jit3A_222 = arith.constant 0.000000e+00 : f32
    %broadcast_in_dim3A_223 = vector.broadcast %jit3A_222 : f32 to vector<512x128xf32>
    %select_n3A_224 = arith.select %eq3A_221, %add3A_204, %broadcast_in_dim3A_223 : vector<512x128xi1>, vector<512x128xf32>
    %reduce_sum3A_225 = arith.constant dense<0.000000e+00> : vector<128xf32>
    %reduce_sum3A_226 = vector.multi_reduction <add>, %select_n3A_224, %reduce_sum3A_225 [0] : vector<512x128xf32> to vector<128xf32>
    %broadcast_in_dim3A_227 = vector.shape_cast %reduce_sum3A_226 : vector<128xf32> to vector<1x128xf32>
    %swap3A_228 = arith.constant 2 : index
    %swap3A_229 = arith.constant 0 : index
    %swap3A_230 = arith.constant 0 : index
    %swap3A_231 = vector.load %arg18[%swap3A_228, %swap3A_229, %swap3A_230] : memref<4x8x128xf32, #tpu.memory_space<vmem>>, vector<1x1x128xf32>
    %swap3A_232 = vector.shape_cast %swap3A_231 : vector<1x1x128xf32> to vector<1x128xf32>
    %swap3A_233 = vector.shape_cast %broadcast_in_dim3A_227 : vector<1x128xf32> to vector<1x1x128xf32>
    tpu.vector_store %arg18[%swap3A_228, %swap3A_229, %swap3A_230], %swap3A_233 {strides = array<i32>} : memref<4x8x128xf32, #tpu.memory_space<vmem>>, vector<1x1x128xf32>,
    %jit3A_234 = arith.constant 0.000000e+00 : f32
    %broadcast_in_dim3A_235 = vector.broadcast %jit3A_234 : f32 to vector<512x128xf32>
    %select_n3A_236 = arith.select %eq3A_221, %add3A_215, %broadcast_in_dim3A_235 : vector<512x128xi1>, vector<512x128xf32>
    %reduce_sum3A_237 = arith.constant dense<0.000000e+00> : vector<128xf32>
    %reduce_sum3A_238 = vector.multi_reduction <add>, %select_n3A_236, %reduce_sum3A_237 [0] : vector<512x128xf32> to vector<128xf32>
    %broadcast_in_dim3A_239 = vector.shape_cast %reduce_sum3A_238 : vector<128xf32> to vector<1x128xf32>
    %swap3A_240 = arith.constant 2 : index
    %swap3A_241 = arith.constant 1 : index
    %swap3A_242 = arith.constant 0 : index
    %swap3A_243 = vector.load %arg18[%swap3A_240, %swap3A_241, %swap3A_242] : memref<4x8x128xf32, #tpu.memory_space<vmem>>, vector<1x1x128xf32>
    %swap3A_244 = vector.shape_cast %swap3A_243 : vector<1x1x128xf32> to vector<1x128xf32>
    %swap3A_245 = vector.shape_cast %broadcast_in_dim3A_239 : vector<1x128xf32> to vector<1x1x128xf32>
    tpu.vector_store %arg18[%swap3A_240, %swap3A_241, %swap3A_242], %swap3A_245 {strides = array<i32>} : memref<4x8x128xf32, #tpu.memory_space<vmem>>, vector<1x1x128xf32>,
    %max3A_246 = arith.constant 1.000000e+00 : f32
    %max3A_247 = vector.broadcast %max3A_246 : f32 to vector<512x128xf32>
    %max3A_248 = arith.maximumf %add3A_215, %max3A_247 : vector<512x128xf32>
    %div3A_249 = arith.divf %add3A_204, %max3A_248 : vector<512x128xf32>
    %swap3A_250 = arith.constant 0 : index
    %swap3A_251 = arith.constant 0 : index
    %swap3A_252 = vector.load %arg16[%swap3A_250, %swap3A_251] : memref<512x128xf32, #tpu.memory_space<vmem>>, vector<512x128xf32>
    tpu.vector_store %arg16[%swap3A_250, %swap3A_251], %div3A_249 {strides = array<i32>} : memref<512x128xf32, #tpu.memory_space<vmem>>, vector<512x128xf32>,
    %get3A_253 = arith.constant 0 : index
    %get3A_254 = arith.constant 0 : index
    %get3A_255 = arith.constant 0 : index
    %get3A_256 = vector.load %arg5[%get3A_253, %get3A_254, %get3A_255] : memref<1x1x512xi32, #tpu.memory_space<vmem>>, vector<1x1x512xi32>
    %get3A_257 = vector.shape_cast %get3A_256 : vector<1x1x512xi32> to vector<1x512xi32>
    %eq3A_258 = vector.broadcast %get3A_257 : vector<1x512xi32> to vector<512x512xi32>
    %eq3A_259 = arith.cmpi eq, %iota3A_2, %eq3A_258 : vector<512x512xi32>
    %convert_element_type3A_260 = arith.extui %eq3A_259 : vector<512x512xi1> to vector<512x512xi32>
    %convert_element_type3A_261 = arith.sitofp %convert_element_type3A_260 : vector<512x512xi32> to vector<512x512xf32>
    %convert_element_type3A_262 = arith.truncf %convert_element_type3A_261 : vector<512x512xf32> to vector<512x512xbf16>
    %dot_general3A_263 = arith.constant dense<0.000000e+00> : vector<512x384xf32>
    %dot_general3A_264 = tpu.matmul %convert_element_type3A_262, %concatenate3A, %dot_general3A_263 {dimension_numbers = #tpu.dot_dimension_numbers<[1], [0], [0], [1], [0, 0, 1, 1], [], []>, transpose_lhs_hint = false} : vector<512x512xbf16>, vector<512x384xbf16>, vector<512x384xf32> -> vector<512x384xf32>
    %slice3A_265 = vector.extract_strided_slice %dot_general3A_264 {offsets = [0, 0], sizes = [512, 128], strides = [1, 1]} : vector<512x384xf32> to vector<512x128xf32>
    %slice3A_266 = vector.extract_strided_slice %dot_general3A_264 {offsets = [0, 128], sizes = [512, 128], strides = [1, 1]} : vector<512x384xf32> to vector<512x128xf32>
    %add3A_267 = arith.addf %slice3A_265, %slice3A_266 : vector<512x128xf32>
    %slice3A_268 = vector.extract_strided_slice %dot_general3A_264 {offsets = [0, 256], sizes = [512, 128], strides = [1, 1]} : vector<512x384xf32> to vector<512x128xf32>
    %get3A_269 = arith.constant 0 : index
    %get3A_270 = arith.constant 0 : index
    %get3A_271 = arith.constant 0 : index
    %get3A_272 = memref.load %arg9[%get3A_269, %get3A_270, %get3A_271] : memref<1x1x1xi32, #tpu.memory_space<smem>>
    %eq3A_273 = arith.constant 0 : i32
    %eq3A_274 = vector.broadcast %eq3A_273 : i32 to vector<512x128xi32>
    %eq3A_275 = arith.cmpi eq, %iota3A, %eq3A_274 : vector<512x128xi32>
    %eq3A_276 = arith.constant 1 : i32
    %eq3A_277 = arith.cmpi eq, %get3A_272, %eq3A_276 : i32
    %and3A_278 = vector.broadcast %eq3A_277 : i1 to vector<512x128xi1>
    %and3A_279 = arith.andi %eq3A_275, %and3A_278 : vector<512x128xi1>
    %get3A_280 = arith.constant 3 : index
    %get3A_281 = arith.constant 0 : index
    %get3A_282 = arith.constant 0 : index
    %get3A_283 = vector.load %arg18[%get3A_280, %get3A_281, %get3A_282] : memref<4x8x128xf32, #tpu.memory_space<vmem>>, vector<1x1x128xf32>
    %get3A_284 = vector.shape_cast %get3A_283 : vector<1x1x128xf32> to vector<1x128xf32>
    %jit3A_285 = arith.constant 0.000000e+00 : f32
    %broadcast_in_dim3A_286 = vector.shape_cast %get3A_284 : vector<1x128xf32> to vector<1x128xf32>
    %broadcast_in_dim3A_287 = vector.broadcast %broadcast_in_dim3A_286 : vector<1x128xf32> to vector<512x128xf32>
    %broadcast_in_dim3A_288 = vector.broadcast %jit3A_285 : f32 to vector<512x128xf32>
    %select_n3A_289 = arith.select %and3A_279, %broadcast_in_dim3A_287, %broadcast_in_dim3A_288 : vector<512x128xi1>, vector<512x128xf32>
    %add3A_290 = arith.addf %add3A_267, %select_n3A_289 : vector<512x128xf32>
    %get3A_291 = arith.constant 3 : index
    %get3A_292 = arith.constant 1 : index
    %get3A_293 = arith.constant 0 : index
    %get3A_294 = vector.load %arg18[%get3A_291, %get3A_292, %get3A_293] : memref<4x8x128xf32, #tpu.memory_space<vmem>>, vector<1x1x128xf32>
    %get3A_295 = vector.shape_cast %get3A_294 : vector<1x1x128xf32> to vector<1x128xf32>
    %jit3A_296 = arith.constant 0.000000e+00 : f32
    %broadcast_in_dim3A_297 = vector.shape_cast %get3A_295 : vector<1x128xf32> to vector<1x128xf32>
    %broadcast_in_dim3A_298 = vector.broadcast %broadcast_in_dim3A_297 : vector<1x128xf32> to vector<512x128xf32>
    %broadcast_in_dim3A_299 = vector.broadcast %jit3A_296 : f32 to vector<512x128xf32>
    %select_n3A_300 = arith.select %and3A_279, %broadcast_in_dim3A_298, %broadcast_in_dim3A_299 : vector<512x128xi1>, vector<512x128xf32>
    %add3A_301 = arith.addf %slice3A_268, %select_n3A_300 : vector<512x128xf32>
    %get3A_302 = arith.constant 0 : index
    %get3A_303 = arith.constant 0 : index
    %get3A_304 = arith.constant 0 : index
    %get3A_305 = memref.load %arg13[%get3A_302, %get3A_303, %get3A_304] : memref<1x1x1xi32, #tpu.memory_space<smem>>
    %eq3A_306 = vector.broadcast %get3A_305 : i32 to vector<512x128xi32>
    %eq3A_307 = arith.cmpi eq, %iota3A, %eq3A_306 : vector<512x128xi32>
    %jit3A_308 = arith.constant 0.000000e+00 : f32
    %broadcast_in_dim3A_309 = vector.broadcast %jit3A_308 : f32 to vector<512x128xf32>
    %select_n3A_310 = arith.select %eq3A_307, %add3A_290, %broadcast_in_dim3A_309 : vector<512x128xi1>, vector<512x128xf32>
    %reduce_sum3A_311 = arith.constant dense<0.000000e+00> : vector<128xf32>
    %reduce_sum3A_312 = vector.multi_reduction <add>, %select_n3A_310, %reduce_sum3A_311 [0] : vector<512x128xf32> to vector<128xf32>
    %broadcast_in_dim3A_313 = vector.shape_cast %reduce_sum3A_312 : vector<128xf32> to vector<1x128xf32>
    %swap3A_314 = arith.constant 3 : index
    %swap3A_315 = arith.constant 0 : index
    %swap3A_316 = arith.constant 0 : index
    %swap3A_317 = vector.load %arg18[%swap3A_314, %swap3A_315, %swap3A_316] : memref<4x8x128xf32, #tpu.memory_space<vmem>>, vector<1x1x128xf32>
    %swap3A_318 = vector.shape_cast %swap3A_317 : vector<1x1x128xf32> to vector<1x128xf32>
    %swap3A_319 = vector.shape_cast %broadcast_in_dim3A_313 : vector<1x128xf32> to vector<1x1x128xf32>
    tpu.vector_store %arg18[%swap3A_314, %swap3A_315, %swap3A_316], %swap3A_319 {strides = array<i32>} : memref<4x8x128xf32, #tpu.memory_space<vmem>>, vector<1x1x128xf32>,
    %jit3A_320 = arith.constant 0.000000e+00 : f32
    %broadcast_in_dim3A_321 = vector.broadcast %jit3A_320 : f32 to vector<512x128xf32>
    %select_n3A_322 = arith.select %eq3A_307, %add3A_301, %broadcast_in_dim3A_321 : vector<512x128xi1>, vector<512x128xf32>
    %reduce_sum3A_323 = arith.constant dense<0.000000e+00> : vector<128xf32>
    %reduce_sum3A_324 = vector.multi_reduction <add>, %select_n3A_322, %reduce_sum3A_323 [0] : vector<512x128xf32> to vector<128xf32>
    %broadcast_in_dim3A_325 = vector.shape_cast %reduce_sum3A_324 : vector<128xf32> to vector<1x128xf32>
    %swap3A_326 = arith.constant 3 : index
    %swap3A_327 = arith.constant 1 : index
    %swap3A_328 = arith.constant 0 : index
    %swap3A_329 = vector.load %arg18[%swap3A_326, %swap3A_327, %swap3A_328] : memref<4x8x128xf32, #tpu.memory_space<vmem>>, vector<1x1x128xf32>
    %swap3A_330 = vector.shape_cast %swap3A_329 : vector<1x1x128xf32> to vector<1x128xf32>
    %swap3A_331 = vector.shape_cast %broadcast_in_dim3A_325 : vector<1x128xf32> to vector<1x1x128xf32>
    tpu.vector_store %arg18[%swap3A_326, %swap3A_327, %swap3A_328], %swap3A_331 {strides = array<i32>} : memref<4x8x128xf32, #tpu.memory_space<vmem>>, vector<1x1x128xf32>,
    %max3A_332 = arith.constant 1.000000e+00 : f32
    %max3A_333 = vector.broadcast %max3A_332 : f32 to vector<512x128xf32>
    %max3A_334 = arith.maximumf %add3A_301, %max3A_333 : vector<512x128xf32>
    %div3A_335 = arith.divf %add3A_290, %max3A_334 : vector<512x128xf32>
    %swap3A_336 = arith.constant 0 : index
    %swap3A_337 = arith.constant 0 : index
    %swap3A_338 = vector.load %arg17[%swap3A_336, %swap3A_337] : memref<512x128xf32, #tpu.memory_space<vmem>>, vector<512x128xf32>
    tpu.vector_store %arg17[%swap3A_336, %swap3A_337], %div3A_335 {strides = array<i32>} : memref<512x128xf32, #tpu.memory_space<vmem>>, vector<512x128xf32>,
    return
  }
  func.func @transform_0(%arg0: i32) -> (i32, i32) {
    %c0_i32 = arith.constant 0 : i32
    %c0_i32_0 = arith.constant 0 : i32
    return %arg0, %c0_i32 : i32, i32
  }
  func.func @transform_1(%arg0: i32) -> (i32, i32, i32) {
    %c0_i32 = arith.constant 0 : i32
    %c0_i32_0 = arith.constant 0 : i32
    %c0_i32_1 = arith.constant 0 : i32
    return %arg0, %c0_i32, %c0_i32_0 : i32, i32, i32
  }
  func.func @transform_2(%arg0: i32) -> (i32, i32, i32) {
    %c0_i32 = arith.constant 0 : i32
    %c0_i32_0 = arith.constant 0 : i32
    %c0_i32_1 = arith.constant 0 : i32
    return %arg0, %c0_i32, %c0_i32_0 : i32, i32, i32
  }
  func.func @transform_3(%arg0: i32) -> (i32, i32, i32) {
    %c0_i32 = arith.constant 0 : i32
    %c0_i32_0 = arith.constant 0 : i32
    %c0_i32_1 = arith.constant 0 : i32
    return %arg0, %c0_i32, %c0_i32_0 : i32, i32, i32
  }
  func.func @transform_4(%arg0: i32) -> (i32, i32, i32) {
    %c0_i32 = arith.constant 0 : i32
    %c0_i32_0 = arith.constant 0 : i32
    %c0_i32_1 = arith.constant 0 : i32
    return %arg0, %c0_i32, %c0_i32_0 : i32, i32, i32
  }
  func.func @transform_5(%arg0: i32) -> (i32, i32, i32) {
    %c0_i32 = arith.constant 0 : i32
    %c0_i32_0 = arith.constant 0 : i32
    %c0_i32_1 = arith.constant 0 : i32
    return %arg0, %c0_i32, %c0_i32_0 : i32, i32, i32
  }
  func.func @transform_6(%arg0: i32) -> (i32, i32, i32) {
    %c0_i32 = arith.constant 0 : i32
    %c0_i32_0 = arith.constant 0 : i32
    %c0_i32_1 = arith.constant 0 : i32
    return %arg0, %c0_i32, %c0_i32_0 : i32, i32, i32
  }
  func.func @transform_7(%arg0: i32) -> (i32, i32, i32) {
    %c0_i32 = arith.constant 0 : i32
    %c0_i32_0 = arith.constant 0 : i32
    %c0_i32_1 = arith.constant 0 : i32
    return %arg0, %c0_i32, %c0_i32_0 : i32, i32, i32
  }
  func.func @transform_8(%arg0: i32) -> (i32, i32, i32) {
    %c0_i32 = arith.constant 0 : i32
    %c0_i32_0 = arith.constant 0 : i32
    %c0_i32_1 = arith.constant 0 : i32
    return %arg0, %c0_i32, %c0_i32_0 : i32, i32, i32
  }
  func.func @transform_9(%arg0: i32) -> (i32, i32, i32) {
    %c0_i32 = arith.constant 0 : i32
    %c0_i32_0 = arith.constant 0 : i32
    %c0_i32_1 = arith.constant 0 : i32
    return %arg0, %c0_i32, %c0_i32_0 : i32, i32, i32
  }
  func.func @transform_10(%arg0: i32) -> (i32, i32, i32) {
    %c0_i32 = arith.constant 0 : i32
    %c0_i32_0 = arith.constant 0 : i32
    %c0_i32_1 = arith.constant 0 : i32
    return %arg0, %c0_i32, %c0_i32_0 : i32, i32, i32
  }
  func.func @transform_11(%arg0: i32) -> (i32, i32, i32) {
    %c0_i32 = arith.constant 0 : i32
    %c0_i32_0 = arith.constant 0 : i32
    %c0_i32_1 = arith.constant 0 : i32
    return %arg0, %c0_i32, %c0_i32_0 : i32, i32, i32
  }
  func.func @transform_12(%arg0: i32) -> (i32, i32, i32) {
    %c0_i32 = arith.constant 0 : i32
    %c0_i32_0 = arith.constant 0 : i32
    %c0_i32_1 = arith.constant 0 : i32
    return %arg0, %c0_i32, %c0_i32_0 : i32, i32, i32
  }
  func.func @transform_13(%arg0: i32) -> (i32, i32) {
    %c0_i32 = arith.constant 0 : i32
    %c0_i32_0 = arith.constant 0 : i32
    return %arg0, %c0_i32 : i32, i32
  }
  func.func @transform_14(%arg0: i32) -> (i32, i32) {
    %c0_i32 = arith.constant 0 : i32
    %c0_i32_0 = arith.constant 0 : i32
    return %arg0, %c0_i32 : i32, i32
  }
  func.func @transform_15(%arg0: i32) -> (i32, i32) {
    %c0_i32 = arith.constant 0 : i32
    %c0_i32_0 = arith.constant 0 : i32
    return %arg0, %c0_i32 : i32, i32
  }
  func.func @transform_16(%arg0: i32) -> (i32, i32) {
    %c0_i32 = arith.constant 0 : i32
    %c0_i32_0 = arith.constant 0 : i32
    return %arg0, %c0_i32 : i32, i32
  }
}

module attributes {stable_mosaic.version = 14 : i64} {
  func.func @_stats_body(%arg0: i32, %arg1: memref<512x128xf32, #tpu.memory_space<vmem>>, %arg2: memref<512x128xf32, #tpu.memory_space<vmem>>, %arg3: memref<512x128xf32, #tpu.memory_space<vmem>>, %arg4: memref<512x128xf32, #tpu.memory_space<vmem>>, %arg5: memref<512x128xf32, #tpu.memory_space<vmem>>, %arg6: memref<4x128x128xf32, #tpu.memory_space<vmem>>, %arg7: memref<4x128xf32, #tpu.memory_space<vmem>>, %arg8: memref<4x8x128xf32, #tpu.memory_space<vmem>>, %arg9: memref<4x8x128xf32, #tpu.memory_space<vmem>>) attributes {dimension_semantics = [#tpu.dimension_semantics<arbitrary>], iteration_bounds = array<i64: 625>, scalar_prefetch = 0 : i64, scratch_operands = 1 : i64, tpu.core_type = #tpu.core_type<tc>, window_params = [{transform_indices = @transform_0, window_bounds = array<i64: 512, 128>}, {transform_indices = @transform_1, window_bounds = array<i64: 512, 128>}, {transform_indices = @transform_2, window_bounds = array<i64: 512, 128>}, {transform_indices = @transform_3, window_bounds = array<i64: 512, 128>}, {transform_indices = @transform_4, window_bounds = array<i64: 512, 128>}, {pipeline_mode = #tpu.pipeline_mode<synchronous>, transform_indices = @transform_5, window_bounds = array<i64: 4, 128, 128>}, {pipeline_mode = #tpu.pipeline_mode<synchronous>, transform_indices = @transform_6, window_bounds = array<i64: 4, 128>}, {pipeline_mode = #tpu.pipeline_mode<synchronous>, transform_indices = @transform_7, window_bounds = array<i64: 4, 8, 128>}]} {
    %eq3A = arith.constant 0 : i32
    %eq3A_0 = arith.cmpi eq, %arg0, %eq3A : i32
    %convert_element_type3A = arith.extui %eq3A_0 : i1 to i32
    %cond3A = arith.constant 0 : i32
    %cond3A_1 = arith.cmpi ne, %convert_element_type3A, %cond3A : i32
    scf.if %cond3A_1 {
      %broadcast_in_dim3A_197 = arith.constant 0.000000e+00 : f32
      %broadcast_in_dim3A_198 = vector.broadcast %broadcast_in_dim3A_197 : f32 to vector<4x8x128xf32>
      %swap3A_199 = arith.constant 0 : index
      %swap3A_200 = arith.constant 0 : index
      %swap3A_201 = arith.constant 0 : index
      %swap3A_202 = vector.load %arg9[%swap3A_199, %swap3A_200, %swap3A_201] : memref<4x8x128xf32, #tpu.memory_space<vmem>>, vector<4x8x128xf32>
      tpu.vector_store %arg9[%swap3A_199, %swap3A_200, %swap3A_201], %broadcast_in_dim3A_198 {strides = array<i32>} : memref<4x8x128xf32, #tpu.memory_space<vmem>>, vector<4x8x128xf32>,
    } else {
    }
    %get3A = arith.constant 0 : index
    %get3A_2 = arith.constant 0 : index
    %get3A_3 = vector.load %arg1[%get3A, %get3A_2] : memref<512x128xf32, #tpu.memory_space<vmem>>, vector<512x128xf32>
    %get3A_4 = arith.constant 0 : index
    %get3A_5 = arith.constant 0 : index
    %get3A_6 = vector.load %arg2[%get3A_4, %get3A_5] : memref<512x128xf32, #tpu.memory_space<vmem>>, vector<512x128xf32>
    %sub3A = arith.subf %get3A_3, %get3A_6 : vector<512x128xf32>
    %mul3A = arith.mulf %sub3A, %get3A_3 : vector<512x128xf32>
    %get3A_7 = arith.constant 0 : index
    %get3A_8 = arith.constant 0 : index
    %get3A_9 = arith.constant 0 : index
    %get3A_10 = vector.load %arg6[%get3A_7, %get3A_8, %get3A_9] : memref<4x128x128xf32, #tpu.memory_space<vmem>>, vector<1x128x128xf32>
    %get3A_11 = vector.shape_cast %get3A_10 : vector<1x128x128xf32> to vector<128x128xf32>
    %dot_general3A = arith.constant dense<0.000000e+00> : vector<512x128xf32>
    %dot_general3A_12 = tpu.matmul %mul3A, %get3A_11, %dot_general3A {dimension_numbers = #tpu.dot_dimension_numbers<[1], [0], [0], [1], [0, 0, 1, 1], [], []>, transpose_lhs_hint = false} : vector<512x128xf32>, vector<128x128xf32>, vector<512x128xf32> -> vector<512x128xf32>
    %get3A_13 = arith.constant 0 : index
    %get3A_14 = arith.constant 0 : index
    %get3A_15 = vector.load %arg7[%get3A_13, %get3A_14] : memref<4x128xf32, #tpu.memory_space<vmem>>, vector<1x128xf32>
    %add3A = vector.broadcast %get3A_15 : vector<1x128xf32> to vector<512x128xf32>
    %add3A_16 = arith.addf %dot_general3A_12, %add3A : vector<512x128xf32>
    %get3A_17 = arith.constant 0 : index
    %get3A_18 = arith.constant 0 : index
    %get3A_19 = arith.constant 0 : index
    %get3A_20 = vector.load %arg9[%get3A_17, %get3A_18, %get3A_19] : memref<4x8x128xf32, #tpu.memory_space<vmem>>, vector<1x1x128xf32>
    %get3A_21 = vector.shape_cast %get3A_20 : vector<1x1x128xf32> to vector<1x128xf32>
    %reduce_sum3A = arith.constant dense<0.000000e+00> : vector<128xf32>
    %reduce_sum3A_22 = vector.multi_reduction <add>, %add3A_16, %reduce_sum3A [0] : vector<512x128xf32> to vector<128xf32>
    %broadcast_in_dim3A = vector.shape_cast %reduce_sum3A_22 : vector<128xf32> to vector<1x128xf32>
    %add3A_23 = arith.addf %get3A_21, %broadcast_in_dim3A : vector<1x128xf32>
    %swap3A = arith.constant 0 : index
    %swap3A_24 = arith.constant 0 : index
    %swap3A_25 = arith.constant 0 : index
    %swap3A_26 = vector.load %arg9[%swap3A, %swap3A_24, %swap3A_25] : memref<4x8x128xf32, #tpu.memory_space<vmem>>, vector<1x1x128xf32>
    %swap3A_27 = vector.shape_cast %swap3A_26 : vector<1x1x128xf32> to vector<1x128xf32>
    %swap3A_28 = vector.shape_cast %add3A_23 : vector<1x128xf32> to vector<1x1x128xf32>
    tpu.vector_store %arg9[%swap3A, %swap3A_24, %swap3A_25], %swap3A_28 {strides = array<i32>} : memref<4x8x128xf32, #tpu.memory_space<vmem>>, vector<1x1x128xf32>,
    %get3A_29 = arith.constant 0 : index
    %get3A_30 = arith.constant 1 : index
    %get3A_31 = arith.constant 0 : index
    %get3A_32 = vector.load %arg9[%get3A_29, %get3A_30, %get3A_31] : memref<4x8x128xf32, #tpu.memory_space<vmem>>, vector<1x1x128xf32>
    %get3A_33 = vector.shape_cast %get3A_32 : vector<1x1x128xf32> to vector<1x128xf32>
    %mul3A_34 = arith.mulf %add3A_16, %add3A_16 : vector<512x128xf32>
    %reduce_sum3A_35 = arith.constant dense<0.000000e+00> : vector<128xf32>
    %reduce_sum3A_36 = vector.multi_reduction <add>, %mul3A_34, %reduce_sum3A_35 [0] : vector<512x128xf32> to vector<128xf32>
    %broadcast_in_dim3A_37 = vector.shape_cast %reduce_sum3A_36 : vector<128xf32> to vector<1x128xf32>
    %add3A_38 = arith.addf %get3A_33, %broadcast_in_dim3A_37 : vector<1x128xf32>
    %swap3A_39 = arith.constant 0 : index
    %swap3A_40 = arith.constant 1 : index
    %swap3A_41 = arith.constant 0 : index
    %swap3A_42 = vector.load %arg9[%swap3A_39, %swap3A_40, %swap3A_41] : memref<4x8x128xf32, #tpu.memory_space<vmem>>, vector<1x1x128xf32>
    %swap3A_43 = vector.shape_cast %swap3A_42 : vector<1x1x128xf32> to vector<1x128xf32>
    %swap3A_44 = vector.shape_cast %add3A_38 : vector<1x128xf32> to vector<1x1x128xf32>
    tpu.vector_store %arg9[%swap3A_39, %swap3A_40, %swap3A_41], %swap3A_44 {strides = array<i32>} : memref<4x8x128xf32, #tpu.memory_space<vmem>>, vector<1x1x128xf32>,
    %get3A_45 = arith.constant 0 : index
    %get3A_46 = arith.constant 0 : index
    %get3A_47 = vector.load %arg3[%get3A_45, %get3A_46] : memref<512x128xf32, #tpu.memory_space<vmem>>, vector<512x128xf32>
    %sub3A_48 = arith.subf %get3A_3, %get3A_47 : vector<512x128xf32>
    %mul3A_49 = arith.mulf %sub3A_48, %get3A_3 : vector<512x128xf32>
    %get3A_50 = arith.constant 1 : index
    %get3A_51 = arith.constant 0 : index
    %get3A_52 = arith.constant 0 : index
    %get3A_53 = vector.load %arg6[%get3A_50, %get3A_51, %get3A_52] : memref<4x128x128xf32, #tpu.memory_space<vmem>>, vector<1x128x128xf32>
    %get3A_54 = vector.shape_cast %get3A_53 : vector<1x128x128xf32> to vector<128x128xf32>
    %dot_general3A_55 = arith.constant dense<0.000000e+00> : vector<512x128xf32>
    %dot_general3A_56 = tpu.matmul %mul3A_49, %get3A_54, %dot_general3A_55 {dimension_numbers = #tpu.dot_dimension_numbers<[1], [0], [0], [1], [0, 0, 1, 1], [], []>, transpose_lhs_hint = false} : vector<512x128xf32>, vector<128x128xf32>, vector<512x128xf32> -> vector<512x128xf32>
    %get3A_57 = arith.constant 1 : index
    %get3A_58 = arith.constant 0 : index
    %get3A_59 = vector.load %arg7[%get3A_57, %get3A_58] : memref<4x128xf32, #tpu.memory_space<vmem>>, vector<1x128xf32>
    %add3A_60 = vector.broadcast %get3A_59 : vector<1x128xf32> to vector<512x128xf32>
    %add3A_61 = arith.addf %dot_general3A_56, %add3A_60 : vector<512x128xf32>
    %get3A_62 = arith.constant 1 : index
    %get3A_63 = arith.constant 0 : index
    %get3A_64 = arith.constant 0 : index
    %get3A_65 = vector.load %arg9[%get3A_62, %get3A_63, %get3A_64] : memref<4x8x128xf32, #tpu.memory_space<vmem>>, vector<1x1x128xf32>
    %get3A_66 = vector.shape_cast %get3A_65 : vector<1x1x128xf32> to vector<1x128xf32>
    %reduce_sum3A_67 = arith.constant dense<0.000000e+00> : vector<128xf32>
    %reduce_sum3A_68 = vector.multi_reduction <add>, %add3A_61, %reduce_sum3A_67 [0] : vector<512x128xf32> to vector<128xf32>
    %broadcast_in_dim3A_69 = vector.shape_cast %reduce_sum3A_68 : vector<128xf32> to vector<1x128xf32>
    %add3A_70 = arith.addf %get3A_66, %broadcast_in_dim3A_69 : vector<1x128xf32>
    %swap3A_71 = arith.constant 1 : index
    %swap3A_72 = arith.constant 0 : index
    %swap3A_73 = arith.constant 0 : index
    %swap3A_74 = vector.load %arg9[%swap3A_71, %swap3A_72, %swap3A_73] : memref<4x8x128xf32, #tpu.memory_space<vmem>>, vector<1x1x128xf32>
    %swap3A_75 = vector.shape_cast %swap3A_74 : vector<1x1x128xf32> to vector<1x128xf32>
    %swap3A_76 = vector.shape_cast %add3A_70 : vector<1x128xf32> to vector<1x1x128xf32>
    tpu.vector_store %arg9[%swap3A_71, %swap3A_72, %swap3A_73], %swap3A_76 {strides = array<i32>} : memref<4x8x128xf32, #tpu.memory_space<vmem>>, vector<1x1x128xf32>,
    %get3A_77 = arith.constant 1 : index
    %get3A_78 = arith.constant 1 : index
    %get3A_79 = arith.constant 0 : index
    %get3A_80 = vector.load %arg9[%get3A_77, %get3A_78, %get3A_79] : memref<4x8x128xf32, #tpu.memory_space<vmem>>, vector<1x1x128xf32>
    %get3A_81 = vector.shape_cast %get3A_80 : vector<1x1x128xf32> to vector<1x128xf32>
    %mul3A_82 = arith.mulf %add3A_61, %add3A_61 : vector<512x128xf32>
    %reduce_sum3A_83 = arith.constant dense<0.000000e+00> : vector<128xf32>
    %reduce_sum3A_84 = vector.multi_reduction <add>, %mul3A_82, %reduce_sum3A_83 [0] : vector<512x128xf32> to vector<128xf32>
    %broadcast_in_dim3A_85 = vector.shape_cast %reduce_sum3A_84 : vector<128xf32> to vector<1x128xf32>
    %add3A_86 = arith.addf %get3A_81, %broadcast_in_dim3A_85 : vector<1x128xf32>
    %swap3A_87 = arith.constant 1 : index
    %swap3A_88 = arith.constant 1 : index
    %swap3A_89 = arith.constant 0 : index
    %swap3A_90 = vector.load %arg9[%swap3A_87, %swap3A_88, %swap3A_89] : memref<4x8x128xf32, #tpu.memory_space<vmem>>, vector<1x1x128xf32>
    %swap3A_91 = vector.shape_cast %swap3A_90 : vector<1x1x128xf32> to vector<1x128xf32>
    %swap3A_92 = vector.shape_cast %add3A_86 : vector<1x128xf32> to vector<1x1x128xf32>
    tpu.vector_store %arg9[%swap3A_87, %swap3A_88, %swap3A_89], %swap3A_92 {strides = array<i32>} : memref<4x8x128xf32, #tpu.memory_space<vmem>>, vector<1x1x128xf32>,
    %get3A_93 = arith.constant 0 : index
    %get3A_94 = arith.constant 0 : index
    %get3A_95 = vector.load %arg4[%get3A_93, %get3A_94] : memref<512x128xf32, #tpu.memory_space<vmem>>, vector<512x128xf32>
    %sub3A_96 = arith.subf %get3A_3, %get3A_95 : vector<512x128xf32>
    %mul3A_97 = arith.mulf %sub3A_96, %get3A_3 : vector<512x128xf32>
    %get3A_98 = arith.constant 2 : index
    %get3A_99 = arith.constant 0 : index
    %get3A_100 = arith.constant 0 : index
    %get3A_101 = vector.load %arg6[%get3A_98, %get3A_99, %get3A_100] : memref<4x128x128xf32, #tpu.memory_space<vmem>>, vector<1x128x128xf32>
    %get3A_102 = vector.shape_cast %get3A_101 : vector<1x128x128xf32> to vector<128x128xf32>
    %dot_general3A_103 = arith.constant dense<0.000000e+00> : vector<512x128xf32>
    %dot_general3A_104 = tpu.matmul %mul3A_97, %get3A_102, %dot_general3A_103 {dimension_numbers = #tpu.dot_dimension_numbers<[1], [0], [0], [1], [0, 0, 1, 1], [], []>, transpose_lhs_hint = false} : vector<512x128xf32>, vector<128x128xf32>, vector<512x128xf32> -> vector<512x128xf32>
    %get3A_105 = arith.constant 2 : index
    %get3A_106 = arith.constant 0 : index
    %get3A_107 = vector.load %arg7[%get3A_105, %get3A_106] : memref<4x128xf32, #tpu.memory_space<vmem>>, vector<1x128xf32>
    %add3A_108 = vector.broadcast %get3A_107 : vector<1x128xf32> to vector<512x128xf32>
    %add3A_109 = arith.addf %dot_general3A_104, %add3A_108 : vector<512x128xf32>
    %get3A_110 = arith.constant 2 : index
    %get3A_111 = arith.constant 0 : index
    %get3A_112 = arith.constant 0 : index
    %get3A_113 = vector.load %arg9[%get3A_110, %get3A_111, %get3A_112] : memref<4x8x128xf32, #tpu.memory_space<vmem>>, vector<1x1x128xf32>
    %get3A_114 = vector.shape_cast %get3A_113 : vector<1x1x128xf32> to vector<1x128xf32>
    %reduce_sum3A_115 = arith.constant dense<0.000000e+00> : vector<128xf32>
    %reduce_sum3A_116 = vector.multi_reduction <add>, %add3A_109, %reduce_sum3A_115 [0] : vector<512x128xf32> to vector<128xf32>
    %broadcast_in_dim3A_117 = vector.shape_cast %reduce_sum3A_116 : vector<128xf32> to vector<1x128xf32>
    %add3A_118 = arith.addf %get3A_114, %broadcast_in_dim3A_117 : vector<1x128xf32>
    %swap3A_119 = arith.constant 2 : index
    %swap3A_120 = arith.constant 0 : index
    %swap3A_121 = arith.constant 0 : index
    %swap3A_122 = vector.load %arg9[%swap3A_119, %swap3A_120, %swap3A_121] : memref<4x8x128xf32, #tpu.memory_space<vmem>>, vector<1x1x128xf32>
    %swap3A_123 = vector.shape_cast %swap3A_122 : vector<1x1x128xf32> to vector<1x128xf32>
    %swap3A_124 = vector.shape_cast %add3A_118 : vector<1x128xf32> to vector<1x1x128xf32>
    tpu.vector_store %arg9[%swap3A_119, %swap3A_120, %swap3A_121], %swap3A_124 {strides = array<i32>} : memref<4x8x128xf32, #tpu.memory_space<vmem>>, vector<1x1x128xf32>,
    %get3A_125 = arith.constant 2 : index
    %get3A_126 = arith.constant 1 : index
    %get3A_127 = arith.constant 0 : index
    %get3A_128 = vector.load %arg9[%get3A_125, %get3A_126, %get3A_127] : memref<4x8x128xf32, #tpu.memory_space<vmem>>, vector<1x1x128xf32>
    %get3A_129 = vector.shape_cast %get3A_128 : vector<1x1x128xf32> to vector<1x128xf32>
    %mul3A_130 = arith.mulf %add3A_109, %add3A_109 : vector<512x128xf32>
    %reduce_sum3A_131 = arith.constant dense<0.000000e+00> : vector<128xf32>
    %reduce_sum3A_132 = vector.multi_reduction <add>, %mul3A_130, %reduce_sum3A_131 [0] : vector<512x128xf32> to vector<128xf32>
    %broadcast_in_dim3A_133 = vector.shape_cast %reduce_sum3A_132 : vector<128xf32> to vector<1x128xf32>
    %add3A_134 = arith.addf %get3A_129, %broadcast_in_dim3A_133 : vector<1x128xf32>
    %swap3A_135 = arith.constant 2 : index
    %swap3A_136 = arith.constant 1 : index
    %swap3A_137 = arith.constant 0 : index
    %swap3A_138 = vector.load %arg9[%swap3A_135, %swap3A_136, %swap3A_137] : memref<4x8x128xf32, #tpu.memory_space<vmem>>, vector<1x1x128xf32>
    %swap3A_139 = vector.shape_cast %swap3A_138 : vector<1x1x128xf32> to vector<1x128xf32>
    %swap3A_140 = vector.shape_cast %add3A_134 : vector<1x128xf32> to vector<1x1x128xf32>
    tpu.vector_store %arg9[%swap3A_135, %swap3A_136, %swap3A_137], %swap3A_140 {strides = array<i32>} : memref<4x8x128xf32, #tpu.memory_space<vmem>>, vector<1x1x128xf32>,
    %get3A_141 = arith.constant 0 : index
    %get3A_142 = arith.constant 0 : index
    %get3A_143 = vector.load %arg5[%get3A_141, %get3A_142] : memref<512x128xf32, #tpu.memory_space<vmem>>, vector<512x128xf32>
    %sub3A_144 = arith.subf %get3A_3, %get3A_143 : vector<512x128xf32>
    %mul3A_145 = arith.mulf %sub3A_144, %get3A_3 : vector<512x128xf32>
    %get3A_146 = arith.constant 3 : index
    %get3A_147 = arith.constant 0 : index
    %get3A_148 = arith.constant 0 : index
    %get3A_149 = vector.load %arg6[%get3A_146, %get3A_147, %get3A_148] : memref<4x128x128xf32, #tpu.memory_space<vmem>>, vector<1x128x128xf32>
    %get3A_150 = vector.shape_cast %get3A_149 : vector<1x128x128xf32> to vector<128x128xf32>
    %dot_general3A_151 = arith.constant dense<0.000000e+00> : vector<512x128xf32>
    %dot_general3A_152 = tpu.matmul %mul3A_145, %get3A_150, %dot_general3A_151 {dimension_numbers = #tpu.dot_dimension_numbers<[1], [0], [0], [1], [0, 0, 1, 1], [], []>, transpose_lhs_hint = false} : vector<512x128xf32>, vector<128x128xf32>, vector<512x128xf32> -> vector<512x128xf32>
    %get3A_153 = arith.constant 3 : index
    %get3A_154 = arith.constant 0 : index
    %get3A_155 = vector.load %arg7[%get3A_153, %get3A_154] : memref<4x128xf32, #tpu.memory_space<vmem>>, vector<1x128xf32>
    %add3A_156 = vector.broadcast %get3A_155 : vector<1x128xf32> to vector<512x128xf32>
    %add3A_157 = arith.addf %dot_general3A_152, %add3A_156 : vector<512x128xf32>
    %get3A_158 = arith.constant 3 : index
    %get3A_159 = arith.constant 0 : index
    %get3A_160 = arith.constant 0 : index
    %get3A_161 = vector.load %arg9[%get3A_158, %get3A_159, %get3A_160] : memref<4x8x128xf32, #tpu.memory_space<vmem>>, vector<1x1x128xf32>
    %get3A_162 = vector.shape_cast %get3A_161 : vector<1x1x128xf32> to vector<1x128xf32>
    %reduce_sum3A_163 = arith.constant dense<0.000000e+00> : vector<128xf32>
    %reduce_sum3A_164 = vector.multi_reduction <add>, %add3A_157, %reduce_sum3A_163 [0] : vector<512x128xf32> to vector<128xf32>
    %broadcast_in_dim3A_165 = vector.shape_cast %reduce_sum3A_164 : vector<128xf32> to vector<1x128xf32>
    %add3A_166 = arith.addf %get3A_162, %broadcast_in_dim3A_165 : vector<1x128xf32>
    %swap3A_167 = arith.constant 3 : index
    %swap3A_168 = arith.constant 0 : index
    %swap3A_169 = arith.constant 0 : index
    %swap3A_170 = vector.load %arg9[%swap3A_167, %swap3A_168, %swap3A_169] : memref<4x8x128xf32, #tpu.memory_space<vmem>>, vector<1x1x128xf32>
    %swap3A_171 = vector.shape_cast %swap3A_170 : vector<1x1x128xf32> to vector<1x128xf32>
    %swap3A_172 = vector.shape_cast %add3A_166 : vector<1x128xf32> to vector<1x1x128xf32>
    tpu.vector_store %arg9[%swap3A_167, %swap3A_168, %swap3A_169], %swap3A_172 {strides = array<i32>} : memref<4x8x128xf32, #tpu.memory_space<vmem>>, vector<1x1x128xf32>,
    %get3A_173 = arith.constant 3 : index
    %get3A_174 = arith.constant 1 : index
    %get3A_175 = arith.constant 0 : index
    %get3A_176 = vector.load %arg9[%get3A_173, %get3A_174, %get3A_175] : memref<4x8x128xf32, #tpu.memory_space<vmem>>, vector<1x1x128xf32>
    %get3A_177 = vector.shape_cast %get3A_176 : vector<1x1x128xf32> to vector<1x128xf32>
    %mul3A_178 = arith.mulf %add3A_157, %add3A_157 : vector<512x128xf32>
    %reduce_sum3A_179 = arith.constant dense<0.000000e+00> : vector<128xf32>
    %reduce_sum3A_180 = vector.multi_reduction <add>, %mul3A_178, %reduce_sum3A_179 [0] : vector<512x128xf32> to vector<128xf32>
    %broadcast_in_dim3A_181 = vector.shape_cast %reduce_sum3A_180 : vector<128xf32> to vector<1x128xf32>
    %add3A_182 = arith.addf %get3A_177, %broadcast_in_dim3A_181 : vector<1x128xf32>
    %swap3A_183 = arith.constant 3 : index
    %swap3A_184 = arith.constant 1 : index
    %swap3A_185 = arith.constant 0 : index
    %swap3A_186 = vector.load %arg9[%swap3A_183, %swap3A_184, %swap3A_185] : memref<4x8x128xf32, #tpu.memory_space<vmem>>, vector<1x1x128xf32>
    %swap3A_187 = vector.shape_cast %swap3A_186 : vector<1x1x128xf32> to vector<1x128xf32>
    %swap3A_188 = vector.shape_cast %add3A_182 : vector<1x128xf32> to vector<1x1x128xf32>
    tpu.vector_store %arg9[%swap3A_183, %swap3A_184, %swap3A_185], %swap3A_188 {strides = array<i32>} : memref<4x8x128xf32, #tpu.memory_space<vmem>>, vector<1x1x128xf32>,
    %get3A_189 = arith.constant 0 : index
    %get3A_190 = arith.constant 0 : index
    %get3A_191 = arith.constant 0 : index
    %get3A_192 = vector.load %arg9[%get3A_189, %get3A_190, %get3A_191] : memref<4x8x128xf32, #tpu.memory_space<vmem>>, vector<4x8x128xf32>
    %swap3A_193 = arith.constant 0 : index
    %swap3A_194 = arith.constant 0 : index
    %swap3A_195 = arith.constant 0 : index
    %swap3A_196 = vector.load %arg8[%swap3A_193, %swap3A_194, %swap3A_195] : memref<4x8x128xf32, #tpu.memory_space<vmem>>, vector<4x8x128xf32>
    tpu.vector_store %arg8[%swap3A_193, %swap3A_194, %swap3A_195], %get3A_192 {strides = array<i32>} : memref<4x8x128xf32, #tpu.memory_space<vmem>>, vector<4x8x128xf32>,
    return
  }
  func.func @transform_0(%arg0: i32) -> (i32, i32) {
    %c0_i32 = arith.constant 0 : i32
    %c0_i32_0 = arith.constant 0 : i32
    return %arg0, %c0_i32 : i32, i32
  }
  func.func @transform_1(%arg0: i32) -> (i32, i32) {
    %c0_i32 = arith.constant 0 : i32
    %c0_i32_0 = arith.constant 0 : i32
    return %arg0, %c0_i32 : i32, i32
  }
  func.func @transform_2(%arg0: i32) -> (i32, i32) {
    %c0_i32 = arith.constant 0 : i32
    %c0_i32_0 = arith.constant 0 : i32
    return %arg0, %c0_i32 : i32, i32
  }
  func.func @transform_3(%arg0: i32) -> (i32, i32) {
    %c0_i32 = arith.constant 0 : i32
    %c0_i32_0 = arith.constant 0 : i32
    return %arg0, %c0_i32 : i32, i32
  }
  func.func @transform_4(%arg0: i32) -> (i32, i32) {
    %c0_i32 = arith.constant 0 : i32
    %c0_i32_0 = arith.constant 0 : i32
    return %arg0, %c0_i32 : i32, i32
  }
  func.func @transform_5(%arg0: i32) -> (i32, i32, i32) {
    %c0_i32 = arith.constant 0 : i32
    %c0_i32_0 = arith.constant 0 : i32
    %c0_i32_1 = arith.constant 0 : i32
    %c0_i32_2 = arith.constant 0 : i32
    return %c0_i32, %c0_i32_0, %c0_i32_1 : i32, i32, i32
  }
  func.func @transform_6(%arg0: i32) -> (i32, i32) {
    %c0_i32 = arith.constant 0 : i32
    %c0_i32_0 = arith.constant 0 : i32
    %c0_i32_1 = arith.constant 0 : i32
    return %c0_i32, %c0_i32_0 : i32, i32
  }
  func.func @transform_7(%arg0: i32) -> (i32, i32, i32) {
    %c0_i32 = arith.constant 0 : i32
    %c0_i32_0 = arith.constant 0 : i32
    %c0_i32_1 = arith.constant 0 : i32
    %c0_i32_2 = arith.constant 0 : i32
    return %c0_i32, %c0_i32_0, %c0_i32_1 : i32, i32, i32
  }
}

module attributes {stable_mosaic.version = 14 : i64} {
  func.func @_emit_body(%arg0: i32, %arg1: memref<512x128xf32, #tpu.memory_space<vmem>>, %arg2: memref<512x128xf32, #tpu.memory_space<vmem>>, %arg3: memref<512x128xf32, #tpu.memory_space<vmem>>, %arg4: memref<512x128xf32, #tpu.memory_space<vmem>>, %arg5: memref<512x128xf32, #tpu.memory_space<vmem>>, %arg6: memref<4x128x128xf32, #tpu.memory_space<vmem>>, %arg7: memref<4x128xf32, #tpu.memory_space<vmem>>, %arg8: memref<4x128xf32, #tpu.memory_space<vmem>>, %arg9: memref<4x128xf32, #tpu.memory_space<vmem>>, %arg10: memref<512x4x128xf32, #tpu.memory_space<vmem>>) attributes {dimension_semantics = [#tpu.dimension_semantics<arbitrary>], iteration_bounds = array<i64: 625>, scalar_prefetch = 0 : i64, scratch_operands = 0 : i64, tpu.core_type = #tpu.core_type<tc>, window_params = [{transform_indices = @transform_0, window_bounds = array<i64: 512, 128>}, {transform_indices = @transform_1, window_bounds = array<i64: 512, 128>}, {transform_indices = @transform_2, window_bounds = array<i64: 512, 128>}, {transform_indices = @transform_3, window_bounds = array<i64: 512, 128>}, {transform_indices = @transform_4, window_bounds = array<i64: 512, 128>}, {pipeline_mode = #tpu.pipeline_mode<synchronous>, transform_indices = @transform_5, window_bounds = array<i64: 4, 128, 128>}, {pipeline_mode = #tpu.pipeline_mode<synchronous>, transform_indices = @transform_6, window_bounds = array<i64: 4, 128>}, {pipeline_mode = #tpu.pipeline_mode<synchronous>, transform_indices = @transform_7, window_bounds = array<i64: 4, 128>}, {pipeline_mode = #tpu.pipeline_mode<synchronous>, transform_indices = @transform_8, window_bounds = array<i64: 4, 128>}, {transform_indices = @transform_9, window_bounds = array<i64: 512, 4, 128>}]} {
    %get3A = arith.constant 0 : index
    %get3A_0 = arith.constant 0 : index
    %get3A_1 = vector.load %arg1[%get3A, %get3A_0] : memref<512x128xf32, #tpu.memory_space<vmem>>, vector<512x128xf32>
    %get3A_2 = arith.constant 0 : index
    %get3A_3 = arith.constant 0 : index
    %get3A_4 = vector.load %arg2[%get3A_2, %get3A_3] : memref<512x128xf32, #tpu.memory_space<vmem>>, vector<512x128xf32>
    %sub3A = arith.subf %get3A_1, %get3A_4 : vector<512x128xf32>
    %mul3A = arith.mulf %sub3A, %get3A_1 : vector<512x128xf32>
    %get3A_5 = arith.constant 0 : index
    %get3A_6 = arith.constant 0 : index
    %get3A_7 = arith.constant 0 : index
    %get3A_8 = vector.load %arg6[%get3A_5, %get3A_6, %get3A_7] : memref<4x128x128xf32, #tpu.memory_space<vmem>>, vector<1x128x128xf32>
    %get3A_9 = vector.shape_cast %get3A_8 : vector<1x128x128xf32> to vector<128x128xf32>
    %dot_general3A = arith.constant dense<0.000000e+00> : vector<512x128xf32>
    %dot_general3A_10 = tpu.matmul %mul3A, %get3A_9, %dot_general3A {dimension_numbers = #tpu.dot_dimension_numbers<[1], [0], [0], [1], [0, 0, 1, 1], [], []>, transpose_lhs_hint = false} : vector<512x128xf32>, vector<128x128xf32>, vector<512x128xf32> -> vector<512x128xf32>
    %get3A_11 = arith.constant 0 : index
    %get3A_12 = arith.constant 0 : index
    %get3A_13 = vector.load %arg7[%get3A_11, %get3A_12] : memref<4x128xf32, #tpu.memory_space<vmem>>, vector<1x128xf32>
    %add3A = vector.broadcast %get3A_13 : vector<1x128xf32> to vector<512x128xf32>
    %add3A_14 = arith.addf %dot_general3A_10, %add3A : vector<512x128xf32>
    %get3A_15 = arith.constant 0 : index
    %get3A_16 = arith.constant 0 : index
    %get3A_17 = vector.load %arg8[%get3A_15, %get3A_16] : memref<4x128xf32, #tpu.memory_space<vmem>>, vector<1x128xf32>
    %mul3A_18 = vector.broadcast %get3A_17 : vector<1x128xf32> to vector<512x128xf32>
    %mul3A_19 = arith.mulf %add3A_14, %mul3A_18 : vector<512x128xf32>
    %get3A_20 = arith.constant 0 : index
    %get3A_21 = arith.constant 0 : index
    %get3A_22 = vector.load %arg9[%get3A_20, %get3A_21] : memref<4x128xf32, #tpu.memory_space<vmem>>, vector<1x128xf32>
    %add3A_23 = vector.broadcast %get3A_22 : vector<1x128xf32> to vector<512x128xf32>
    %add3A_24 = arith.addf %mul3A_19, %add3A_23 : vector<512x128xf32>
    %ge3A = arith.constant 0.000000e+00 : f32
    %ge3A_25 = vector.broadcast %ge3A : f32 to vector<512x128xf32>
    %ge3A_26 = arith.cmpf oge, %add3A_24, %ge3A_25 : vector<512x128xf32>
    %mul3A_27 = arith.constant 0.00999999977 : f32
    %mul3A_28 = vector.broadcast %mul3A_27 : f32 to vector<512x128xf32>
    %mul3A_29 = arith.mulf %mul3A_28, %add3A_24 : vector<512x128xf32>
    %select_n3A = arith.select %ge3A_26, %add3A_24, %mul3A_29 : vector<512x128xi1>, vector<512x128xf32>
    %swap3A = arith.constant 0 : index
    %swap3A_30 = arith.constant 0 : index
    %swap3A_31 = arith.constant 0 : index
    %swap3A_32 = vector.load %arg10[%swap3A, %swap3A_30, %swap3A_31] : memref<512x4x128xf32, #tpu.memory_space<vmem>>, vector<512x1x128xf32>
    %swap3A_33 = vector.shape_cast %swap3A_32 : vector<512x1x128xf32> to vector<512x128xf32>
    %swap3A_34 = vector.shape_cast %select_n3A : vector<512x128xf32> to vector<512x1x128xf32>
    tpu.vector_store %arg10[%swap3A, %swap3A_30, %swap3A_31], %swap3A_34 {strides = array<i32>} : memref<512x4x128xf32, #tpu.memory_space<vmem>>, vector<512x1x128xf32>,
    %get3A_35 = arith.constant 0 : index
    %get3A_36 = arith.constant 0 : index
    %get3A_37 = vector.load %arg3[%get3A_35, %get3A_36] : memref<512x128xf32, #tpu.memory_space<vmem>>, vector<512x128xf32>
    %sub3A_38 = arith.subf %get3A_1, %get3A_37 : vector<512x128xf32>
    %mul3A_39 = arith.mulf %sub3A_38, %get3A_1 : vector<512x128xf32>
    %get3A_40 = arith.constant 1 : index
    %get3A_41 = arith.constant 0 : index
    %get3A_42 = arith.constant 0 : index
    %get3A_43 = vector.load %arg6[%get3A_40, %get3A_41, %get3A_42] : memref<4x128x128xf32, #tpu.memory_space<vmem>>, vector<1x128x128xf32>
    %get3A_44 = vector.shape_cast %get3A_43 : vector<1x128x128xf32> to vector<128x128xf32>
    %dot_general3A_45 = arith.constant dense<0.000000e+00> : vector<512x128xf32>
    %dot_general3A_46 = tpu.matmul %mul3A_39, %get3A_44, %dot_general3A_45 {dimension_numbers = #tpu.dot_dimension_numbers<[1], [0], [0], [1], [0, 0, 1, 1], [], []>, transpose_lhs_hint = false} : vector<512x128xf32>, vector<128x128xf32>, vector<512x128xf32> -> vector<512x128xf32>
    %get3A_47 = arith.constant 1 : index
    %get3A_48 = arith.constant 0 : index
    %get3A_49 = vector.load %arg7[%get3A_47, %get3A_48] : memref<4x128xf32, #tpu.memory_space<vmem>>, vector<1x128xf32>
    %add3A_50 = vector.broadcast %get3A_49 : vector<1x128xf32> to vector<512x128xf32>
    %add3A_51 = arith.addf %dot_general3A_46, %add3A_50 : vector<512x128xf32>
    %get3A_52 = arith.constant 1 : index
    %get3A_53 = arith.constant 0 : index
    %get3A_54 = vector.load %arg8[%get3A_52, %get3A_53] : memref<4x128xf32, #tpu.memory_space<vmem>>, vector<1x128xf32>
    %mul3A_55 = vector.broadcast %get3A_54 : vector<1x128xf32> to vector<512x128xf32>
    %mul3A_56 = arith.mulf %add3A_51, %mul3A_55 : vector<512x128xf32>
    %get3A_57 = arith.constant 1 : index
    %get3A_58 = arith.constant 0 : index
    %get3A_59 = vector.load %arg9[%get3A_57, %get3A_58] : memref<4x128xf32, #tpu.memory_space<vmem>>, vector<1x128xf32>
    %add3A_60 = vector.broadcast %get3A_59 : vector<1x128xf32> to vector<512x128xf32>
    %add3A_61 = arith.addf %mul3A_56, %add3A_60 : vector<512x128xf32>
    %ge3A_62 = arith.constant 0.000000e+00 : f32
    %ge3A_63 = vector.broadcast %ge3A_62 : f32 to vector<512x128xf32>
    %ge3A_64 = arith.cmpf oge, %add3A_61, %ge3A_63 : vector<512x128xf32>
    %mul3A_65 = arith.constant 0.00999999977 : f32
    %mul3A_66 = vector.broadcast %mul3A_65 : f32 to vector<512x128xf32>
    %mul3A_67 = arith.mulf %mul3A_66, %add3A_61 : vector<512x128xf32>
    %select_n3A_68 = arith.select %ge3A_64, %add3A_61, %mul3A_67 : vector<512x128xi1>, vector<512x128xf32>
    %swap3A_69 = arith.constant 0 : index
    %swap3A_70 = arith.constant 1 : index
    %swap3A_71 = arith.constant 0 : index
    %swap3A_72 = vector.load %arg10[%swap3A_69, %swap3A_70, %swap3A_71] : memref<512x4x128xf32, #tpu.memory_space<vmem>>, vector<512x1x128xf32>
    %swap3A_73 = vector.shape_cast %swap3A_72 : vector<512x1x128xf32> to vector<512x128xf32>
    %swap3A_74 = vector.shape_cast %select_n3A_68 : vector<512x128xf32> to vector<512x1x128xf32>
    tpu.vector_store %arg10[%swap3A_69, %swap3A_70, %swap3A_71], %swap3A_74 {strides = array<i32>} : memref<512x4x128xf32, #tpu.memory_space<vmem>>, vector<512x1x128xf32>,
    %get3A_75 = arith.constant 0 : index
    %get3A_76 = arith.constant 0 : index
    %get3A_77 = vector.load %arg4[%get3A_75, %get3A_76] : memref<512x128xf32, #tpu.memory_space<vmem>>, vector<512x128xf32>
    %sub3A_78 = arith.subf %get3A_1, %get3A_77 : vector<512x128xf32>
    %mul3A_79 = arith.mulf %sub3A_78, %get3A_1 : vector<512x128xf32>
    %get3A_80 = arith.constant 2 : index
    %get3A_81 = arith.constant 0 : index
    %get3A_82 = arith.constant 0 : index
    %get3A_83 = vector.load %arg6[%get3A_80, %get3A_81, %get3A_82] : memref<4x128x128xf32, #tpu.memory_space<vmem>>, vector<1x128x128xf32>
    %get3A_84 = vector.shape_cast %get3A_83 : vector<1x128x128xf32> to vector<128x128xf32>
    %dot_general3A_85 = arith.constant dense<0.000000e+00> : vector<512x128xf32>
    %dot_general3A_86 = tpu.matmul %mul3A_79, %get3A_84, %dot_general3A_85 {dimension_numbers = #tpu.dot_dimension_numbers<[1], [0], [0], [1], [0, 0, 1, 1], [], []>, transpose_lhs_hint = false} : vector<512x128xf32>, vector<128x128xf32>, vector<512x128xf32> -> vector<512x128xf32>
    %get3A_87 = arith.constant 2 : index
    %get3A_88 = arith.constant 0 : index
    %get3A_89 = vector.load %arg7[%get3A_87, %get3A_88] : memref<4x128xf32, #tpu.memory_space<vmem>>, vector<1x128xf32>
    %add3A_90 = vector.broadcast %get3A_89 : vector<1x128xf32> to vector<512x128xf32>
    %add3A_91 = arith.addf %dot_general3A_86, %add3A_90 : vector<512x128xf32>
    %get3A_92 = arith.constant 2 : index
    %get3A_93 = arith.constant 0 : index
    %get3A_94 = vector.load %arg8[%get3A_92, %get3A_93] : memref<4x128xf32, #tpu.memory_space<vmem>>, vector<1x128xf32>
    %mul3A_95 = vector.broadcast %get3A_94 : vector<1x128xf32> to vector<512x128xf32>
    %mul3A_96 = arith.mulf %add3A_91, %mul3A_95 : vector<512x128xf32>
    %get3A_97 = arith.constant 2 : index
    %get3A_98 = arith.constant 0 : index
    %get3A_99 = vector.load %arg9[%get3A_97, %get3A_98] : memref<4x128xf32, #tpu.memory_space<vmem>>, vector<1x128xf32>
    %add3A_100 = vector.broadcast %get3A_99 : vector<1x128xf32> to vector<512x128xf32>
    %add3A_101 = arith.addf %mul3A_96, %add3A_100 : vector<512x128xf32>
    %ge3A_102 = arith.constant 0.000000e+00 : f32
    %ge3A_103 = vector.broadcast %ge3A_102 : f32 to vector<512x128xf32>
    %ge3A_104 = arith.cmpf oge, %add3A_101, %ge3A_103 : vector<512x128xf32>
    %mul3A_105 = arith.constant 0.00999999977 : f32
    %mul3A_106 = vector.broadcast %mul3A_105 : f32 to vector<512x128xf32>
    %mul3A_107 = arith.mulf %mul3A_106, %add3A_101 : vector<512x128xf32>
    %select_n3A_108 = arith.select %ge3A_104, %add3A_101, %mul3A_107 : vector<512x128xi1>, vector<512x128xf32>
    %swap3A_109 = arith.constant 0 : index
    %swap3A_110 = arith.constant 2 : index
    %swap3A_111 = arith.constant 0 : index
    %swap3A_112 = vector.load %arg10[%swap3A_109, %swap3A_110, %swap3A_111] : memref<512x4x128xf32, #tpu.memory_space<vmem>>, vector<512x1x128xf32>
    %swap3A_113 = vector.shape_cast %swap3A_112 : vector<512x1x128xf32> to vector<512x128xf32>
    %swap3A_114 = vector.shape_cast %select_n3A_108 : vector<512x128xf32> to vector<512x1x128xf32>
    tpu.vector_store %arg10[%swap3A_109, %swap3A_110, %swap3A_111], %swap3A_114 {strides = array<i32>} : memref<512x4x128xf32, #tpu.memory_space<vmem>>, vector<512x1x128xf32>,
    %get3A_115 = arith.constant 0 : index
    %get3A_116 = arith.constant 0 : index
    %get3A_117 = vector.load %arg5[%get3A_115, %get3A_116] : memref<512x128xf32, #tpu.memory_space<vmem>>, vector<512x128xf32>
    %sub3A_118 = arith.subf %get3A_1, %get3A_117 : vector<512x128xf32>
    %mul3A_119 = arith.mulf %sub3A_118, %get3A_1 : vector<512x128xf32>
    %get3A_120 = arith.constant 3 : index
    %get3A_121 = arith.constant 0 : index
    %get3A_122 = arith.constant 0 : index
    %get3A_123 = vector.load %arg6[%get3A_120, %get3A_121, %get3A_122] : memref<4x128x128xf32, #tpu.memory_space<vmem>>, vector<1x128x128xf32>
    %get3A_124 = vector.shape_cast %get3A_123 : vector<1x128x128xf32> to vector<128x128xf32>
    %dot_general3A_125 = arith.constant dense<0.000000e+00> : vector<512x128xf32>
    %dot_general3A_126 = tpu.matmul %mul3A_119, %get3A_124, %dot_general3A_125 {dimension_numbers = #tpu.dot_dimension_numbers<[1], [0], [0], [1], [0, 0, 1, 1], [], []>, transpose_lhs_hint = false} : vector<512x128xf32>, vector<128x128xf32>, vector<512x128xf32> -> vector<512x128xf32>
    %get3A_127 = arith.constant 3 : index
    %get3A_128 = arith.constant 0 : index
    %get3A_129 = vector.load %arg7[%get3A_127, %get3A_128] : memref<4x128xf32, #tpu.memory_space<vmem>>, vector<1x128xf32>
    %add3A_130 = vector.broadcast %get3A_129 : vector<1x128xf32> to vector<512x128xf32>
    %add3A_131 = arith.addf %dot_general3A_126, %add3A_130 : vector<512x128xf32>
    %get3A_132 = arith.constant 3 : index
    %get3A_133 = arith.constant 0 : index
    %get3A_134 = vector.load %arg8[%get3A_132, %get3A_133] : memref<4x128xf32, #tpu.memory_space<vmem>>, vector<1x128xf32>
    %mul3A_135 = vector.broadcast %get3A_134 : vector<1x128xf32> to vector<512x128xf32>
    %mul3A_136 = arith.mulf %add3A_131, %mul3A_135 : vector<512x128xf32>
    %get3A_137 = arith.constant 3 : index
    %get3A_138 = arith.constant 0 : index
    %get3A_139 = vector.load %arg9[%get3A_137, %get3A_138] : memref<4x128xf32, #tpu.memory_space<vmem>>, vector<1x128xf32>
    %add3A_140 = vector.broadcast %get3A_139 : vector<1x128xf32> to vector<512x128xf32>
    %add3A_141 = arith.addf %mul3A_136, %add3A_140 : vector<512x128xf32>
    %ge3A_142 = arith.constant 0.000000e+00 : f32
    %ge3A_143 = vector.broadcast %ge3A_142 : f32 to vector<512x128xf32>
    %ge3A_144 = arith.cmpf oge, %add3A_141, %ge3A_143 : vector<512x128xf32>
    %mul3A_145 = arith.constant 0.00999999977 : f32
    %mul3A_146 = vector.broadcast %mul3A_145 : f32 to vector<512x128xf32>
    %mul3A_147 = arith.mulf %mul3A_146, %add3A_141 : vector<512x128xf32>
    %select_n3A_148 = arith.select %ge3A_144, %add3A_141, %mul3A_147 : vector<512x128xi1>, vector<512x128xf32>
    %swap3A_149 = arith.constant 0 : index
    %swap3A_150 = arith.constant 3 : index
    %swap3A_151 = arith.constant 0 : index
    %swap3A_152 = vector.load %arg10[%swap3A_149, %swap3A_150, %swap3A_151] : memref<512x4x128xf32, #tpu.memory_space<vmem>>, vector<512x1x128xf32>
    %swap3A_153 = vector.shape_cast %swap3A_152 : vector<512x1x128xf32> to vector<512x128xf32>
    %swap3A_154 = vector.shape_cast %select_n3A_148 : vector<512x128xf32> to vector<512x1x128xf32>
    tpu.vector_store %arg10[%swap3A_149, %swap3A_150, %swap3A_151], %swap3A_154 {strides = array<i32>} : memref<512x4x128xf32, #tpu.memory_space<vmem>>, vector<512x1x128xf32>,
    return
  }
  func.func @transform_0(%arg0: i32) -> (i32, i32) {
    %c0_i32 = arith.constant 0 : i32
    %c0_i32_0 = arith.constant 0 : i32
    return %arg0, %c0_i32 : i32, i32
  }
  func.func @transform_1(%arg0: i32) -> (i32, i32) {
    %c0_i32 = arith.constant 0 : i32
    %c0_i32_0 = arith.constant 0 : i32
    return %arg0, %c0_i32 : i32, i32
  }
  func.func @transform_2(%arg0: i32) -> (i32, i32) {
    %c0_i32 = arith.constant 0 : i32
    %c0_i32_0 = arith.constant 0 : i32
    return %arg0, %c0_i32 : i32, i32
  }
  func.func @transform_3(%arg0: i32) -> (i32, i32) {
    %c0_i32 = arith.constant 0 : i32
    %c0_i32_0 = arith.constant 0 : i32
    return %arg0, %c0_i32 : i32, i32
  }
  func.func @transform_4(%arg0: i32) -> (i32, i32) {
    %c0_i32 = arith.constant 0 : i32
    %c0_i32_0 = arith.constant 0 : i32
    return %arg0, %c0_i32 : i32, i32
  }
  func.func @transform_5(%arg0: i32) -> (i32, i32, i32) {
    %c0_i32 = arith.constant 0 : i32
    %c0_i32_0 = arith.constant 0 : i32
    %c0_i32_1 = arith.constant 0 : i32
    %c0_i32_2 = arith.constant 0 : i32
    return %c0_i32, %c0_i32_0, %c0_i32_1 : i32, i32, i32
  }
  func.func @transform_6(%arg0: i32) -> (i32, i32) {
    %c0_i32 = arith.constant 0 : i32
    %c0_i32_0 = arith.constant 0 : i32
    %c0_i32_1 = arith.constant 0 : i32
    return %c0_i32, %c0_i32_0 : i32, i32
  }
  func.func @transform_7(%arg0: i32) -> (i32, i32) {
    %c0_i32 = arith.constant 0 : i32
    %c0_i32_0 = arith.constant 0 : i32
    %c0_i32_1 = arith.constant 0 : i32
    return %c0_i32, %c0_i32_0 : i32, i32
  }
  func.func @transform_8(%arg0: i32) -> (i32, i32) {
    %c0_i32 = arith.constant 0 : i32
    %c0_i32_0 = arith.constant 0 : i32
    %c0_i32_1 = arith.constant 0 : i32
    return %c0_i32, %c0_i32_0 : i32, i32
  }
  func.func @transform_9(%arg0: i32) -> (i32, i32, i32) {
    %c0_i32 = arith.constant 0 : i32
    %c0_i32_0 = arith.constant 0 : i32
    %c0_i32_1 = arith.constant 0 : i32
    return %arg0, %c0_i32, %c0_i32_0 : i32, i32, i32
  }
}

</mosaic_0001>

<sc_bundles>
// kernel: gather_offload_async_start.1
scs
__scs_entry_jumppad:
0x0: {  	(pc) =	sbr.rel $0x88, $3  }
0x1: {  	(tag) =	ssettag $0x0;
	lr =	simm.s32 $0x1  }
0x2: {  	[smem:$0x3F9B] =	sst lr;
	_ =	strace $0xD0000000  }
0x3: {  	_ = 	snop  }
0x4: {  	_ = 	snop  }
0x5: {  	_ = 	snop  }
0x6: {  	_ = 	snop  }
0x7: {  	_ = 	snop  }
__scs_overlays_trampoline_lowered:
0x8: {  	[smem:$0x3FAA] =	sst s0  }
0x9: {  	[smem:$0x3FAB] =	sst s1  }
0xa: {  	[smem:$0x3FAC] =	sst s2  }
0xb: {  	[smem:$0x3FAD] =	sst s3  }
0xc: {  	[smem:$0x3FAE] =	sst s4  }
0xd: {  	[smem:$0x3FAF] =	sst s5  }
0xe: {  	[smem:$0x3FB0] =	sst s6  }
0xf: {  	[smem:$0x3FB1] =	sst s7  }
0x10: {  	[smem:$0x3FB2] =	sst s8  }
0x11: {  	[smem:$0x3FB3] =	sst s9;
	s0 =	simm.s32 @!p0 $0x0  }
0x12: {  	s1 =	sld [smem:$0x3F99];
	s0 =	simm.s32 @p0 $0x1  }
0x13: {  	[smem:$0x3FB4] =	sst s0;
	s0 =	simm.s32 @!p1 $0x0  }
0x14: {  	s2 =	sld [smem:$0x3F98];
	s0 =	simm.s32 @p1 $0x1  }
0x15: {  	[smem:$0x3FB5] =	sst s0;
	s0 =	simm.s32 @!p2 $0x0  }
0x16: {  	s3 =	sld [smem:$0x3FDB];
	s0 =	simm.s32 @p2 $0x1  }
0x17: {  	s4 =	simm.s32 $0x1BF5;
	[smem:$0x3FB7] =	sst s0  }
0x18: {  	s0 =	sld [smem:$0x3F9A];
	_ =	swait.ge [sflag:s4], $0x0  }
0x19: {  	s7 =	sld [smem:$0x3F9B]  }
0x1a: {  	s8 =	sadd.s32 $0xFFFFE003, lr  }
0x1b: {  	s9 =	sadd.s32 $0xFFFFFEF7, lr;
	s5 =	simm.s32 $0xFFFFFFFF;
	p2 =	slt.u32 s8, $0xFFFFF086  }
0x1c: {  	p1 =	slt.u32 s9, $0xF7A;
	s5 =	simm.s32 @!p2 $0x0  }
0x1d: {  	s5 =	simm.s32 @p1 $0x1;
	p0 =	seq.s32 s7, s2  }
0x1e: {  	s7 =	smul.u32 @!p0 $0xF7A, s2;
	p2 =	seq.s32 @!p0 s5, $0x0  }
0x1f: {  	s9 =	smul.u32 $0xF7A, s1;
	s8 =	simm.s32 @!p0 $0x1BF5;
	p2 =	por !p2, p0  }
0x20: {  	[sflag:s8] =	ssyncset.s32 @!p0 $0xFFFFF086;
	s6 =	sadd.s32 @!p0 s3, s7;
	s7 =	simm.s32 @!p0 $0x108  }
0x21: {  	s3 =	sadd.s32 s3, s9;
	s6 =	sadd.s32 @!p0 $0x88, s6;
	s7 =	simm.s32 @p2 $0x1082  }
0x22: {  	[simem:s7], [sflag:s8] =	dma.local @!p0 [hbm:s6], $0xF7A  }
0x23: {  	s9 =	sor.u32 $0xD0000000, s2;
	s6 =	simm.s32 $0x108;
	_ =	swait.ge @!p0 [sflag:s8], $0x0  }
0x24: {  	s3 =	sadd.s32 $0x88, s3;
	s6 =	simm.s32 @!p1 $0x1082;
	[sflag:s4] =	ssyncset.s32 $0xFFFFF086  }
0x25: {  	[simem:s6], [sflag:s4] =	dma.local [hbm:s3], $0xF7A  }
0x26: {  	[smem:$0x3F9B] =	sst s1;
	(tag) =	ssettag s2;
	_ =	strace s9  }
0x27: {  	s1 =	sld [smem:$0x3FAB]  }
0x28: {  	s2 =	sld [smem:$0x3FAC]  }
0x29: {  	s4 =	sld [smem:$0x3FAE]  }
0x2a: {  	p0 =	seq.s32 s5, $0x0;
	s5 =	sld [smem:$0x3FAF]  }
0x2b: {  	s6 =	sld [smem:$0x3FB0]  }
0x2c: {  	s7 =	sld [smem:$0x3FB1]  }
0x2d: {  	s3 =	simm.s32 $0x108;
	s8 =	sld [smem:$0x3FB2]  }
0x2e: {  	s3 =	simm.s32 @!p0 $0x1082;
	s9 =	sld [smem:$0x3FB3]  }
0x2f: {  	lr =	sadd.s32 s0, s3;
	s0 =	sld [smem:$0x3FAA]  }
0x30: {  	s3 =	sld [smem:$0x3FAD]  }
0x31: {  	[smem:$0x3FB6] =	sst s10  }
0x32: {  	s10 =	sld [smem:$0x3FB4];
	_ =	sdelay $0x3  }
0x33: {  	p0 =	seq.s32 s10, $0x1;
	s10 =	sld [smem:$0x3FB6];
	_ =	sdelay $0x3  }
0x34: {  	[smem:$0x3FB6] =	sst s10  }
0x35: {  	s10 =	sld [smem:$0x3FB5];
	_ =	sdelay $0x3  }
0x36: {  	p1 =	seq.s32 s10, $0x1;
	s10 =	sld [smem:$0x3FB6];
	_ =	sdelay $0x3  }
0x37: {  	[smem:$0x3FB6] =	sst s10  }
0x38: {  	s10 =	sld [smem:$0x3FB7]  }
0x39: {  	_ = 	snop;
	(pc) =	sbr.ind lr, $3  }
0x3a: {  	_ = 	snop  }
0x3b: {  	_ = 	snop  }
0x3c: {  	p2 =	seq.s32 s10, $0x1;
	s10 =	sld [smem:$0x3FB6]  }
0x3d: {  	_ =	shalt  }
0x3e: {  	_ =	shalt  }
0x3f: {  	_ =	shalt  }
0x40: {  	_ =	shalt  }
0x41: {  	_ =	shalt  }
0x42: {  	_ =	shalt  }
0x43: {  	_ =	shalt  }
0x44: {  	_ =	shalt  }
0x45: {  	_ =	shalt  }
0x46: {  	_ =	shalt  }
0x47: {  	_ =	shalt  }
0x48: {  	_ =	shalt  }
0x49: {  	_ =	shalt  }
0x4a: {  	_ =	shalt  }
0x4b: {  	_ =	shalt  }
0x4c: {  	_ =	shalt  }
0x4d: {  	_ =	shalt  }
0x4e: {  	_ =	shalt  }
0x4f: {  	_ =	shalt  }
0x50: {  	_ =	shalt  }
0x51: {  	_ =	shalt  }
0x52: {  	_ =	shalt  }
0x53: {  	_ =	shalt  }
0x54: {  	_ =	shalt  }
0x55: {  	_ =	shalt  }
0x56: {  	_ =	shalt  }
0x57: {  	_ =	shalt  }
0x58: {  	_ =	shalt  }
0x59: {  	_ =	shalt  }
0x5a: {  	_ =	shalt  }
0x5b: {  	_ =	shalt  }
0x5c: {  	_ =	shalt  }
0x5d: {  	_ =	shalt  }
0x5e: {  	_ =	shalt  }
0x5f: {  	_ =	shalt  }
0x60: {  	_ =	shalt  }
0x61: {  	_ =	shalt  }
0x62: {  	_ =	shalt  }
0x63: {  	_ =	shalt  }
0x64: {  	_ =	shalt  }
0x65: {  	_ =	shalt  }
0x66: {  	_ =	shalt  }
0x67: {  	_ =	shalt  }
0x68: {  	_ =	shalt  }
0x69: {  	_ =	shalt  }
0x6a: {  	_ =	shalt  }
0x6b: {  	_ =	shalt  }
0x6c: {  	_ =	shalt  }
0x6d: {  	_ =	shalt  }
0x6e: {  	_ =	shalt  }
0x6f: {  	_ =	shalt  }
0x70: {  	_ =	shalt  }
0x71: {  	_ =	shalt  }
0x72: {  	_ =	shalt  }
0x73: {  	_ =	shalt  }
0x74: {  	_ =	shalt  }
0x75: {  	_ =	shalt  }
0x76: {  	_ =	shalt  }
0x77: {  	_ =	shalt  }
0x78: {  	_ =	shalt  }
0x79: {  	_ =	shalt  }
0x7a: {  	_ =	shalt  }
0x7b: {  	_ =	shalt  }
0x7c: {  	_ =	shalt  }
0x7d: {  	_ =	shalt  }
0x7e: {  	_ =	shalt  }
0x7f: {  	_ =	shalt  }
0x80: {  	_ =	shalt  }
0x81: {  	_ =	shalt  }
0x82: {  	_ =	shalt  }
0x83: {  	_ =	shalt  }
0x84: {  	_ =	shalt  }
0x85: {  	_ =	shalt  }
0x86: {  	_ =	shalt  }
0x87: {  	_ =	shalt  }
.Lfunc_end0:
.L_simem_size_0:
called_computation.1_lowered:
.L_overlay_start_0:
0x88: {  	s2 =	sld [smem:$0x3FD9]  }
0x89: {  	s3 =	sld [smem:$0x3FFE];
	_ =	sdelay $0x1  }
0x8a: {  	s1 =	srdreg.scid  }
0x8b: {  	s0 =	sand.u32 $0x1, s1  }
0x8c: {  	s17 =	sshll.u32 s0, $0xA;
	s2 =	sadd.s32 s3, s2  }
0x8d: {  	s2 =	sadd.s32 s2, s17  }
0x8e: {  	[smem:$0x3FC2] =	sst s2  }
0x8f: {  	_ = 	snop  }
0x90: {  	s2 =	sld [smem:$0x3FD0];
	(tm) =	ssettm $0x1  }
0x91: {  	s18 =	sld [smem:$0x3FFB];
	_ =	sdelay $0x3  }
0x92: {  	_ =	strace s18  }
0x93: {  	s3 =	sld [smem:$0x3FFC];
	_ =	sdelay $0x3  }
0x94: {  	_ =	strace s3  }
0x95: {  	s3 =	sld [smem:$0x3FFD];
	_ =	sdelay $0x3  }
0x96: {  	_ =	strace s3  }
0x97: {  	_ =	strace $0x8FFFFFFF  }
0x98: {  	s19 =	sld [smem:$0x3FDB];
	_ =	sdelay $0x1  }
0x99: {  	s4 =	simm.s32 $_scs_section_size  }
0x9a: {  	s5 =	simm.s32 $_size__tile_overlayer_lowered;
	s6 =	simm.s32 $_tile_overlayer_lowered  }
0x9b: {  	s22 =	simm.s32 $0x1BFF;
	s21 =	sshll.u32 s6, $0x1;
	s3 =	sadd.s32 s4, s19  }
0x9c: {  	s7 =	simm.s32 $0x0;
	s20 =	sshll.u32 s5, $0x1;
	s5 =	sadd.s32 s21, s3  }
0x9d: {  	[timem:s7], [sflag:s22] =	dma.local [hbm:s5], s20  }
0x9e: {  	_ =	swait.ge [sflag:s22], s20  }
0x9f: {  	s4 =	ssub.s32 $0x0, s20;
	[sflag:s22] =	ssyncset.done $0x0  }
0xa0: {  	[sflag:s22] =	ssyncadd.s32 s4;
	_ =	sdelay $0x1  }
0xa1: {  	s23 =	simm.s32 $0x1B8B  }
0xa2: {  	_ =	swait.ge [sflag:s23], $0x1  }
0xa3: {  	[sflag:s23] =	ssyncset.done $0x0  }
0xa4: {  	s25 =	simm.s32 $0x1B8E;
	s24 =	sld [smem:$0x3FFE];
	[sflag:s23] =	ssyncadd.s32 $0xFFFFFFFF  }
0xa5: {  	s26 =	simm.s32 $execute0_lowered;
	[smem:$0x3FD2] =	sst s25  }
0xa6: {  	s5 =	sshll.u32 s26, $0x1;
	_ =	strace $0x80000049;
	[dreg:$0x1] =	wrdreg $0xFFFFFFFF  }
0xa7: {  	s28 =	simm.s32 $_size_execute0_lowered;
	s3 =	sadd.s32 s3, s5;
	[dreg:$0x0] =	wrdreg $0x0  }
0xa8: {  	s5 =	sshll.u32 s28, $0x1;
	[dreg:$0x2] =	wrdreg s3  }
0xa9: {  	[dreg:$0x3] =	wrdreg s5  }
0xaa: {  	[dreg:$0x4] =	wrdreg $0xC0  }
0xab: {  	_ =	task [dreg:s7], $0x5FFFF  }
0xac: {  	[dreg:$0x1] =	wrdreg $0xFFFFFFFF  }
0xad: {  	[dreg:$0x0] =	wrdreg $0x60  }
0xae: {  	[dreg:$0x2] =	wrdreg s2  }
0xaf: {  	[dreg:$0x3] =	wrdreg s24  }
0xb0: {  	[dreg:$0x4] =	wrdreg $0x9  }
0xb1: {  	_ =	task.clear_ibuf [dreg:s7], $0x5FFFF;
	_ =	strace $0x90000049  }
0xb2: {  	s29 =	simm.s32 $0x9;
	_ =	strace $0x8000004B  }
0xb3: {  	_ =	swait.ge [sflag:s29], $0x1  }
0xb4: {  	[sflag:s29] =	ssyncadd.s32 $0xFFFFFFFF  }
0xb5: {  	_ =	strace $0x9000004B  }
0xb6: {  	_ =	sfence  }
0xb7: {  	s30 =	sld [smem:$0x0];
	_ =	sdelay $0x2  }
0xb8: {  	s31 =	sshll.u32 s1, $0xD;
	s1 =	sshrl.u32 s1, $0x2  }
0xb9: {  	s3 =	sand.u32 $0x4000, s31;
	s1 =	sadd.s32 s1, s30  }
0xba: {  	s0 =	sor.u32 s3, s0;
	s1 =	sshll.u32 s1, $0x11  }
0xbb: {  	s0 =	sor.u32 s1, s0  }
0xbc: {  	s0 =	sadd.s32 $0x8F2B, s0  }
0xbd: {  	[sflag:s0] =	ssyncadd.remote.s32 $0x1  }
0xbe: {  	_ =	sfence.sel $0xFFFF  }
0xbf: {  	[dreg:$0x0] =	wrdreg $0xFFFFFFFF;
	(pc) =	sbr.abs _section_cstart, $3  }
0xc0: {  	[dreg:$0x1] =	wrdreg $0xFFFFFFFF  }
0xc1: {  	_ =	task.clear_ibuf [dreg:s7], $0x2FFFF;
	_ =	strace $0x9FFFFFFF  }
0xc2: {  	(tm) =	ssettm $0x7FFFFFFF  }
0xc3: {  	_ =	shalt  }
tec
execute0_lowered:
.L_overlay_start_1:
0x0: {  	(tag) =	ssettag $0x1  }
0x1: {  	s2 =	rddreg [dreg:$0x0]  }
0x2: {  	s8 =	rddreg [dreg:$0x1]  }
0x3: {  	s0 =	rddreg [dreg:$0x2];
	s1 =	stileid.u32  }
0x4: {  	s3 =	srdreg.scid;
	_ =	strace $0x8000004A;
	s4 =	simm.s32 $0x1  }
0x5: {  	s7 =	simm.s32 $0x1;
	s9 =	simm.s32 $0x1;
	s10 =	simm.s32 $0x3  }
0x6: {  	s13 =	simm.s32 $0x0;
	s5 =	sand.u32 $0x1, s3;
	s6 =	sshll.u32 s1, $0x1  }
0x7: {  	s12 =	simm.s32 $0x0;
	s3 =	sadd.s32 $0x62200, s8;
	s5 =	sor.u32 s6, s5  }
.Ltmp0:
0x8: {  	[sflag:s4] =	ssyncpa.u1 $0x0;
	p0 =	slt.u32 s5, $0x9;
	(pc) =	sbr.rel .LBB2_1-.Ltmp0, $4  }
0x9: {  	s6 =	simm.s32 $0x2;
	s7 =	simm.s32 @!p0 $0x0;
	p0 =	sne.s32 s5, $0x8  }
0xa: {  	[sflag:s6] =	ssyncpa.u1 $0x0;
	s5 =	smul.u32 $0x7D00, s5;
	s9 =	simm.s32 @!p0 $0x0  }
0xb: {  	s8 =	sadd.s32 $0xB0600, s8;
	[sflag:s10] =	ssyncpa.u1 $0x0;
	s7 =	sadd.s32 s9, s7  }
0xc: {  	vm0 =	vmmov $0xffff;
	s10 =	simm.s32 $0x0;
	s11 =	smov.u32 s5;
	s9 =	sadd.s32 $0x1, s7  }
.LBB2_4:
0xd: {  	vm1 =	veq.s32 v4, $0x80000000;
	v56 =	vand.u32 $0x3, v4;
	v6 =	vand.u32 $0x7FFFF, v6  }
0xe: {  	v2 =	vor.u32 v2, v5;
	v59 =	vshrl.u32 v1, $0x2;
	v60 =	vand.u32 $0x3, v1  }
0xf: {  	v4 =	vsel vm1, $0xFFFFFFFF, v56;
	v6 =	vsel vm1, $0xFFFFFFFF, v6;
	v2 =	vor.u32 v3, v2  }
0x10: {  	vm1 =	veq.s32 v1, $0x80000000;
	v5 =	vand.u32 $0x7FFFF, v59;
	v7 =	vshrl.u32 v4, $0x2  }
0x11: {  	v57 =	vshll.u32 v6, $0x2;
	v4 =	vshll.u32 v4, $0x7;
	v1 =	vsel vm1, $0xFFFFFFFF, v60  }
0x12: {  	v5 =	vsel vm1, $0xFFFFFFFF, v5;
	v6 =	vand.u32 $0x7F, v6;
	v7 =	vmul.u32 $0x138800, v7  }
0x13: {  	v58 =	vand.u32 $0xFFFFFE00, v57;
	v4 =	vand.u32 $0x180, v4;
	v61 =	vshrl.u32 v1, $0x2  }
0x14: {  	v62 =	vshll.u32 v5, $0x2;
	v3 =	vadd.s32 v7, v58;
	v7 =	vmul.u32 $0x138800, v61  }
0x15: {  	v1 =	vshll.u32 v1, $0x7;
	v3 =	vor.u32 v4, v3;
	v4 =	vand.u32 $0xFFFFFE00, v62  }
0x16: {  	v1 =	vand.u32 $0x180, v1;
	v3 =	vor.u32 v6, v3;
	v4 =	vadd.s32 v7, v4  }
0x17: {  	[tilespmem:s16], [sflag:$0x1] =	stream.indirect_vreg.gather [hbm4b:s2+s10], $0x1, v0, vm0, $0x4038;
	v63 =	vand.u32 $0x7F, v5;
	v1 =	vor.u32 v1, v4;
	[tilespmem:$0x1F400] =	vst v63  }
0x18: {  	s15 =	sadd.s32 $0x10, s15;
	(ifvalue) =	ssetifvalue $0x7FFFFFFF;
	v0 =	vor.u32 v63, v1  }
0x19: {  	[tilespmem:s15], [sflag:$0x1] =	stream.indirect_vreg.gather [hbm4b:s2+s10], $0x1, v2, vm0, $0x4038;
	[tilespmem:$0x1F400] =	vst v63  }
0x1a: {  	s15 =	sadd.s32 $0x10, s15;
	(ifvalue) =	ssetifvalue $0x7FFFFFFF  }
0x1b: {  	[tilespmem:s15], [sflag:$0x1] =	stream.indirect_vreg.gather [hbm4b:s2+s10], $0x1, v3, vm0, $0x4038;
	[tilespmem:$0x1F400] =	vst v63  }
0x1c: {  	s15 =	sadd.s32 $0x10, s15;
	(ifvalue) =	ssetifvalue $0x7FFFFFFF  }
0x1d: {  	[tilespmem:s15], [sflag:$0x1] =	stream.indirect_vreg.gather [hbm4b:s2+s10], $0x1, v0, vm0, $0x4038;
	[tilespmem:$0x1F400] =	vst v63  }
0x1e: {  	_ =	swait.ge [sflag:s4], $0x7D00  }
0x1f: {  	s30 =	sshrl.u32 s13, $0x3;
	[sflag:s4] =	ssyncset.done $0x0  }
0x20: {  	s31 =	sand.u32 $0x7, s13;
	s15 =	sadd.s32 s8, s30;
	[sflag:s4] =	ssyncadd.s32 $0xFFFF8300  }
0x21: {  	[hbm4b:s15+s31] =	stream.linear.scatter [tilespmem:s14], [sflag:$0x3], $0x7D00, $0x38;
	[tilespmem:$0x1F400] =	vst v63  }
.LBB2_5:
0x22: {  	s15 =	sadd.s32 $0xFA000, s11  }
0x23: {  	p1 =	sgt.s32 s15, $0x1387FF  }
0x24: {  	s15 =	smov.u32 @p1 s5;
	p1 =	sne.s32 s12, s9  }
.Ltmp1:
0x25: {  	p0 =	slt.u32 s12, $0x2;
	(pc) =	sbr.rel @!p1 .LBB2_6-.Ltmp1, $4  }
0x26: {  	s14 =	simm.s32 @!p0 $0x3  }
0x27: {  	_ =	swait.ge @!p0 [sflag:s14], $0x7D00  }
0x28: {  	s16 =	sadd.s32 $0x1, s12;
	s13 =	smov.u32 s11;
	[sflag:s14] =	ssyncset.done @!p0 $0x0  }
0x29: {  	s12 =	smov.u32 s16;
	s11 =	smov.u32 s15;
	[sflag:s14] =	ssyncadd.s32 @!p0 $0xFFFF8300  }
.LBB2_1:
0x2a: {  	p0 =	sge.u32 s12, s7  }
0x2b: {  	s14 =	sxor.u32 @!p0 $0x1, s12  }
0x2c: {  	s14 =	smul.u32 @!p0 $0x1F400, s14  }
0x2d: {  	s31 =	sadd.s32 $0xFFFFFFFF, s12;
	s15 =	sshrl.u32 @!p0 s11, $0x3  }
0x2e: {  	s16 =	sand.u32 @!p0 $0x7, s11;
	s15 =	sadd.s32 @!p0 s3, s15;
	s14 =	sshra.s32 @!p0 s14, $0x2  }
0x2f: {  	[tilespmem:s14], [sflag:$0x2] =	stream.linear.gather @!p0 [hbm4b:s15+s16], $0x7D00, $0x38;
	[tilespmem:$0x1F400] =	vst v63  }
0x30: {  	p0 =	sge.u32 s31, s7  }
.Ltmp2:
0x31: {  	_ = 	snop;
	(pc) =	sbr.rel @p0 .LBB2_5-.Ltmp2, $1  }
0x32: {  	_ =	sdelay $0x3  }
0x33: {  	s14 =	sand.u32 $0x1, s12  }
0x34: {  	_ =	swait.ge [sflag:s6], $0x7D00;
	p0 =	seq.s32 s14, $0x1;
	s14 =	simm.s32 $0x7D00  }
0x35: {  	[sflag:s6] =	ssyncset.done $0x0;
	s14 =	simm.s32 @!p0 $0x0  }
0x36: {  	[sflag:s6] =	ssyncadd.s32 $0xFFFF8300;
	(ifvalue) =	ssetifvalue $0x7FFFFFFF;
	v0 =	vld.msk [tilespmem:s14+$0x0 ss:$0x1], $0xffff  }
0x37: {  	s15 =	sadd.s32 $0x10, s14  }
0x38: {  	v1 =	vld.msk [tilespmem:s15+$0x0 ss:$0x1], $0xffff;
	_ =	sdelay $0x2  }
0x39: {  	v2 =	vshrl.u32 v0, $0x2  }
0x3a: {  	vm1 =	veq.s32 v0, $0x80000000;
	v0 =	vand.u32 $0x3, v0;
	v2 =	vand.u32 $0x7FFFF, v2  }
0x3b: {  	v0 =	vsel vm1, $0xFFFFFFFF, v0;
	v6 =	vshrl.u32 v1, $0x2;
	v2 =	vsel vm1, $0xFFFFFFFF, v2  }
0x3c: {  	v3 =	vshrl.u32 v0, $0x2;
	v0 =	vshll.u32 v0, $0x7;
	vm1 =	veq.s32 v1, $0x80000000  }
0x3d: {  	s15 =	sadd.s32 $0x10, s15;
	v1 =	vand.u32 $0x3, v1;
	v4 =	vshll.u32 v2, $0x2;
	v3 =	vmul.u32 $0x138800, v3  }
0x3e: {  	v0 =	vand.u32 $0x180, v0;
	v7 =	vand.u32 $0x7F, v2;
	v5 =	vand.u32 $0xFFFFFE00, v4;
	v4 =	vld.msk [tilespmem:s15+$0x0 ss:$0x1], $0xffff  }
0x3f: {  	v1 =	vsel vm1, $0xFFFFFFFF, v1;
	v2 =	vadd.s32 v3, v5;
	v3 =	vand.u32 $0x7FFFF, v6  }
0x40: {  	v3 =	vsel vm1, $0xFFFFFFFF, v3;
	v0 =	vor.u32 v0, v2;
	v2 =	vshrl.u32 v1, $0x2  }
0x41: {  	v1 =	vshll.u32 v1, $0x7;
	v5 =	vshll.u32 v3, $0x2;
	v8 =	vmul.u32 $0x138800, v2  }
0x42: {  	s18 =	simm.s32 $0x30;
	s14 =	sadd.s32 $0xFA00, s14;
	s17 =	sadd.s32 $0x10, s15;
	v2 =	vand.u32 $0x180, v1;
	v0 =	vor.u32 v7, v0;
	v5 =	vand.u32 $0xFFFFFE00, v5  }
0x43: {  	s16 =	smov.u32 s14;
	s15 =	smov.u32 s14;
	v1 =	vld.msk [tilespmem:s17+$0x0 ss:$0x1], $0xffff;
	v3 =	vand.u32 $0x7F, v3;
	(ifvalue) =	ssetifvalue $0x7FFFFFFF;
	v6 =	vshrl.u32 v4, $0x2;
	v5 =	vadd.s32 v8, v5  }
.LBB2_3:
0x44: {  	s18 =	sadd.s32 $0x10, s18  }
0x45: {  	vm1 =	veq.s32 v4, $0x80000000;
	v4 =	vand.u32 $0x3, v4;
	v6 =	vand.u32 $0x7FFFF, v6;
	s15 =	sadd.s32 $0x10, s15;
	p0 =	slt.u32 s18, $0x7CF0  }
.Ltmp3:
0x46: {  	v5 =	vor.u32 v2, v5;
	v4 =	vsel vm1, $0xFFFFFFFF, v4;
	v7 =	vsel vm1, $0xFFFFFFFF, v6;
	(pc) =	sbr.rel @p0 .LBB2_3-.Ltmp3, $4  }
0x47: {  	v2 =	vshrl.u32 v4, $0x2;
	v6 =	vshll.u32 v7, $0x2;
	v4 =	vshll.u32 v4, $0x7;
	[tilespmem:s16], [sflag:$0x1] =	stream.indirect_vreg.gather [hbm4b:s2+s10], $0x1, v0, vm0, $0x4038;
	[tilespmem:$0x1F400] =	vst v63  }
0x48: {  	v0 =	vor.u32 v3, v5;
	s16 =	smov.u32 s15;
	v8 =	vmul.u32 $0x138800, v2;
	v2 =	vand.u32 $0x180, v4  }
0x49: {  	s17 =	sadd.s32 $0x10, s17;
	v9 =	vand.u32 $0xFFFFFE00, v6  }
0x4a: {  	v3 =	vand.u32 $0x7F, v7;
	v6 =	vshrl.u32 v1, $0x2;
	v5 =	vadd.s32 v8, v9;
	(ifvalue) =	ssetifvalue $0x7FFFFFFF;
	v4 =	vmovc v1;
	v1 =	vld.msk [tilespmem:s17+$0x0 ss:$0x1], $0xffff  }
.Ltmp4:
0x4b: {  	_ = 	snop;
	(pc) =	sbr.rel .LBB2_4-.Ltmp4, $1  }
0x4c: {  	_ =	sdelay $0x3  }
.LBB2_6:
0x4d: {  	_ =	sfence.sel $0x180000  }
0x4e: {  	s2 =	simm.s32 $0x2;
	[bflag:$0x0] =	sbarrier.arrive $0xFFFF  }
0x4f: {  	s30 =	simm.s32 $0x3;
	[sflag:s2] =	ssyncpa.u1 $0x1  }
0x50: {  	s31 =	simm.s32 $0x1;
	[sflag:s30] =	ssyncpa.u1 $0x1  }
0x51: {  	[sflag:s31] =	ssyncpa.u1 $0x1  }
0x52: {  	p0 =	sne.s32 s1, $0x0;
	_ =	strace $0x9000004A  }
0x53: {  	s0 =	sadd.s32 @!p0 $0x100000, s0;
	[bflag:$0x2] =	sbarrier.arrive $0xFFFF  }
0x54: {  	[sflag:s0] =	ssyncadd.tile.s32 @!p0 $0x1;
	_ =	shalt  }
.Lfunc_end2:
_tile_overlayer_lowered:
.L_overlay_start_2:
0x55: {  	(tag) =	ssettag $0x2  }
0x56: {  	s0 =	rddreg [dreg:$0x0];
	s2 =	stileid.u32  }
0x57: {  	s1 =	rddreg [dreg:$0x1];
	p0 =	sne.s32 s2, $0x0  }
0x58: {  	s3 =	rddreg [dreg:$0x2];
	[bflag:$0x3] =	sbarrier.arrive $0xFFFF;
	s2 =	simm.s32 @!p0 $0x1C01  }
0x59: {  	[timem:s3], [sflag:s2] =	dma.local @!p0 [hbm:s0], s1  }
0x5a: {  	s0 =	simm.s32 @!p0 $0x1  }
0x5b: {  	_ =	swait.ge @!p0 [sflag:s0], s1  }
0x5c: {  	s1 =	ssub.s32 @!p0 $0x0, s1;
	[sflag:s0] =	ssyncset.done @!p0 $0x0  }
0x5d: {  	[sflag:s0] =	ssyncadd.s32 @!p0 s1  }
0x5e: {  	[bflag:$0x3] =	sbarrier.arrive $0xFFFF  }
0x5f: {  	_ =	shalt  }

// kernel: gather_offload_async_start
scs
__scs_entry_jumppad:
0x0: {  	(pc) =	sbr.rel $0x88, $3  }
0x1: {  	(tag) =	ssettag $0x0;
	lr =	simm.s32 $0x1  }
0x2: {  	[smem:$0x3F9B] =	sst lr;
	_ =	strace $0xD0000000  }
0x3: {  	_ = 	snop  }
0x4: {  	_ = 	snop  }
0x5: {  	_ = 	snop  }
0x6: {  	_ = 	snop  }
0x7: {  	_ = 	snop  }
__scs_overlays_trampoline_lowered:
0x8: {  	[smem:$0x3FAA] =	sst s0  }
0x9: {  	[smem:$0x3FAB] =	sst s1  }
0xa: {  	[smem:$0x3FAC] =	sst s2  }
0xb: {  	[smem:$0x3FAD] =	sst s3  }
0xc: {  	[smem:$0x3FAE] =	sst s4  }
0xd: {  	[smem:$0x3FAF] =	sst s5  }
0xe: {  	[smem:$0x3FB0] =	sst s6  }
0xf: {  	[smem:$0x3FB1] =	sst s7  }
0x10: {  	[smem:$0x3FB2] =	sst s8  }
0x11: {  	[smem:$0x3FB3] =	sst s9;
	s0 =	simm.s32 @!p0 $0x0  }
0x12: {  	s1 =	sld [smem:$0x3F99];
	s0 =	simm.s32 @p0 $0x1  }
0x13: {  	[smem:$0x3FB4] =	sst s0;
	s0 =	simm.s32 @!p1 $0x0  }
0x14: {  	s2 =	sld [smem:$0x3F98];
	s0 =	simm.s32 @p1 $0x1  }
0x15: {  	[smem:$0x3FB5] =	sst s0;
	s0 =	simm.s32 @!p2 $0x0  }
0x16: {  	s3 =	sld [smem:$0x3FDB];
	s0 =	simm.s32 @p2 $0x1  }
0x17: {  	s4 =	simm.s32 $0x1BF5;
	[smem:$0x3FB7] =	sst s0  }
0x18: {  	s0 =	sld [smem:$0x3F9A];
	_ =	swait.ge [sflag:s4], $0x0  }
0x19: {  	s7 =	sld [smem:$0x3F9B]  }
0x1a: {  	s8 =	sadd.s32 $0xFFFFE003, lr  }
0x1b: {  	s9 =	sadd.s32 $0xFFFFFEF7, lr;
	s5 =	simm.s32 $0xFFFFFFFF;
	p2 =	slt.u32 s8, $0xFFFFF086  }
0x1c: {  	p1 =	slt.u32 s9, $0xF7A;
	s5 =	simm.s32 @!p2 $0x0  }
0x1d: {  	s5 =	simm.s32 @p1 $0x1;
	p0 =	seq.s32 s7, s2  }
0x1e: {  	s7 =	smul.u32 @!p0 $0xF7A, s2;
	p2 =	seq.s32 @!p0 s5, $0x0  }
0x1f: {  	s9 =	smul.u32 $0xF7A, s1;
	s8 =	simm.s32 @!p0 $0x1BF5;
	p2 =	por !p2, p0  }
0x20: {  	[sflag:s8] =	ssyncset.s32 @!p0 $0xFFFFF086;
	s6 =	sadd.s32 @!p0 s3, s7;
	s7 =	simm.s32 @!p0 $0x108  }
0x21: {  	s3 =	sadd.s32 s3, s9;
	s6 =	sadd.s32 @!p0 $0x88, s6;
	s7 =	simm.s32 @p2 $0x1082  }
0x22: {  	[simem:s7], [sflag:s8] =	dma.local @!p0 [hbm:s6], $0xF7A  }
0x23: {  	s9 =	sor.u32 $0xD0000000, s2;
	s6 =	simm.s32 $0x108;
	_ =	swait.ge @!p0 [sflag:s8], $0x0  }
0x24: {  	s3 =	sadd.s32 $0x88, s3;
	s6 =	simm.s32 @!p1 $0x1082;
	[sflag:s4] =	ssyncset.s32 $0xFFFFF086  }
0x25: {  	[simem:s6], [sflag:s4] =	dma.local [hbm:s3], $0xF7A  }
0x26: {  	[smem:$0x3F9B] =	sst s1;
	(tag) =	ssettag s2;
	_ =	strace s9  }
0x27: {  	s1 =	sld [smem:$0x3FAB]  }
0x28: {  	s2 =	sld [smem:$0x3FAC]  }
0x29: {  	s4 =	sld [smem:$0x3FAE]  }
0x2a: {  	p0 =	seq.s32 s5, $0x0;
	s5 =	sld [smem:$0x3FAF]  }
0x2b: {  	s6 =	sld [smem:$0x3FB0]  }
0x2c: {  	s7 =	sld [smem:$0x3FB1]  }
0x2d: {  	s3 =	simm.s32 $0x108;
	s8 =	sld [smem:$0x3FB2]  }
0x2e: {  	s3 =	simm.s32 @!p0 $0x1082;
	s9 =	sld [smem:$0x3FB3]  }
0x2f: {  	lr =	sadd.s32 s0, s3;
	s0 =	sld [smem:$0x3FAA]  }
0x30: {  	s3 =	sld [smem:$0x3FAD]  }
0x31: {  	[smem:$0x3FB6] =	sst s10  }
0x32: {  	s10 =	sld [smem:$0x3FB4];
	_ =	sdelay $0x3  }
0x33: {  	p0 =	seq.s32 s10, $0x1;
	s10 =	sld [smem:$0x3FB6];
	_ =	sdelay $0x3  }
0x34: {  	[smem:$0x3FB6] =	sst s10  }
0x35: {  	s10 =	sld [smem:$0x3FB5];
	_ =	sdelay $0x3  }
0x36: {  	p1 =	seq.s32 s10, $0x1;
	s10 =	sld [smem:$0x3FB6];
	_ =	sdelay $0x3  }
0x37: {  	[smem:$0x3FB6] =	sst s10  }
0x38: {  	s10 =	sld [smem:$0x3FB7]  }
0x39: {  	_ = 	snop;
	(pc) =	sbr.ind lr, $3  }
0x3a: {  	_ = 	snop  }
0x3b: {  	_ = 	snop  }
0x3c: {  	p2 =	seq.s32 s10, $0x1;
	s10 =	sld [smem:$0x3FB6]  }
0x3d: {  	_ =	shalt  }
0x3e: {  	_ =	shalt  }
0x3f: {  	_ =	shalt  }
0x40: {  	_ =	shalt  }
0x41: {  	_ =	shalt  }
0x42: {  	_ =	shalt  }
0x43: {  	_ =	shalt  }
0x44: {  	_ =	shalt  }
0x45: {  	_ =	shalt  }
0x46: {  	_ =	shalt  }
0x47: {  	_ =	shalt  }
0x48: {  	_ =	shalt  }
0x49: {  	_ =	shalt  }
0x4a: {  	_ =	shalt  }
0x4b: {  	_ =	shalt  }
0x4c: {  	_ =	shalt  }
0x4d: {  	_ =	shalt  }
0x4e: {  	_ =	shalt  }
0x4f: {  	_ =	shalt  }
0x50: {  	_ =	shalt  }
0x51: {  	_ =	shalt  }
0x52: {  	_ =	shalt  }
0x53: {  	_ =	shalt  }
0x54: {  	_ =	shalt  }
0x55: {  	_ =	shalt  }
0x56: {  	_ =	shalt  }
0x57: {  	_ =	shalt  }
0x58: {  	_ =	shalt  }
0x59: {  	_ =	shalt  }
0x5a: {  	_ =	shalt  }
0x5b: {  	_ =	shalt  }
0x5c: {  	_ =	shalt  }
0x5d: {  	_ =	shalt  }
0x5e: {  	_ =	shalt  }
0x5f: {  	_ =	shalt  }
0x60: {  	_ =	shalt  }
0x61: {  	_ =	shalt  }
0x62: {  	_ =	shalt  }
0x63: {  	_ =	shalt  }
0x64: {  	_ =	shalt  }
0x65: {  	_ =	shalt  }
0x66: {  	_ =	shalt  }
0x67: {  	_ =	shalt  }
0x68: {  	_ =	shalt  }
0x69: {  	_ =	shalt  }
0x6a: {  	_ =	shalt  }
0x6b: {  	_ =	shalt  }
0x6c: {  	_ =	shalt  }
0x6d: {  	_ =	shalt  }
0x6e: {  	_ =	shalt  }
0x6f: {  	_ =	shalt  }
0x70: {  	_ =	shalt  }
0x71: {  	_ =	shalt  }
0x72: {  	_ =	shalt  }
0x73: {  	_ =	shalt  }
0x74: {  	_ =	shalt  }
0x75: {  	_ =	shalt  }
0x76: {  	_ =	shalt  }
0x77: {  	_ =	shalt  }
0x78: {  	_ =	shalt  }
0x79: {  	_ =	shalt  }
0x7a: {  	_ =	shalt  }
0x7b: {  	_ =	shalt  }
0x7c: {  	_ =	shalt  }
0x7d: {  	_ =	shalt  }
0x7e: {  	_ =	shalt  }
0x7f: {  	_ =	shalt  }
0x80: {  	_ =	shalt  }
0x81: {  	_ =	shalt  }
0x82: {  	_ =	shalt  }
0x83: {  	_ =	shalt  }
0x84: {  	_ =	shalt  }
0x85: {  	_ =	shalt  }
0x86: {  	_ =	shalt  }
0x87: {  	_ =	shalt  }
.Lfunc_end0:
.L_simem_size_0:
called_computation_lowered:
.L_overlay_start_0:
0x88: {  	s2 =	sld [smem:$0x3FD9]  }
0x89: {  	s3 =	sld [smem:$0x3FFE];
	_ =	sdelay $0x1  }
0x8a: {  	s1 =	srdreg.scid  }
0x8b: {  	s0 =	sand.u32 $0x1, s1  }
0x8c: {  	s17 =	sshll.u32 s0, $0xA;
	s2 =	sadd.s32 s3, s2  }
0x8d: {  	s2 =	sadd.s32 s2, s17  }
0x8e: {  	[smem:$0x3FC2] =	sst s2  }
0x8f: {  	_ = 	snop  }
0x90: {  	s2 =	sld [smem:$0x3FD0];
	(tm) =	ssettm $0x1  }
0x91: {  	s18 =	sld [smem:$0x3FFB];
	_ =	sdelay $0x3  }
0x92: {  	_ =	strace s18  }
0x93: {  	s3 =	sld [smem:$0x3FFC];
	_ =	sdelay $0x3  }
0x94: {  	_ =	strace s3  }
0x95: {  	s3 =	sld [smem:$0x3FFD];
	_ =	sdelay $0x3  }
0x96: {  	_ =	strace s3  }
0x97: {  	_ =	strace $0x8FFFFFFF  }
0x98: {  	s19 =	sld [smem:$0x3FDB];
	_ =	sdelay $0x1  }
0x99: {  	s4 =	simm.s32 $_scs_section_size  }
0x9a: {  	s5 =	simm.s32 $_size__tile_overlayer_lowered;
	s6 =	simm.s32 $_tile_overlayer_lowered  }
0x9b: {  	s22 =	simm.s32 $0x1BFF;
	s21 =	sshll.u32 s6, $0x1;
	s3 =	sadd.s32 s4, s19  }
0x9c: {  	s7 =	simm.s32 $0x0;
	s20 =	sshll.u32 s5, $0x1;
	s5 =	sadd.s32 s21, s3  }
0x9d: {  	[timem:s7], [sflag:s22] =	dma.local [hbm:s5], s20  }
0x9e: {  	_ =	swait.ge [sflag:s22], s20  }
0x9f: {  	s4 =	ssub.s32 $0x0, s20;
	[sflag:s22] =	ssyncset.done $0x0  }
0xa0: {  	[sflag:s22] =	ssyncadd.s32 s4;
	_ =	sdelay $0x1  }
0xa1: {  	s23 =	simm.s32 $0x1B8B  }
0xa2: {  	_ =	swait.ge [sflag:s23], $0x1  }
0xa3: {  	[sflag:s23] =	ssyncset.done $0x0  }
0xa4: {  	s25 =	simm.s32 $0x1B8E;
	s24 =	sld [smem:$0x3FFE];
	[sflag:s23] =	ssyncadd.s32 $0xFFFFFFFF  }
0xa5: {  	s26 =	simm.s32 $execute0_lowered;
	[smem:$0x3FD2] =	sst s25  }
0xa6: {  	s5 =	sshll.u32 s26, $0x1;
	_ =	strace $0x80000046;
	[dreg:$0x1] =	wrdreg $0xFFFFFFFF  }
0xa7: {  	s28 =	simm.s32 $_size_execute0_lowered;
	s3 =	sadd.s32 s3, s5;
	[dreg:$0x0] =	wrdreg $0x0  }
0xa8: {  	s5 =	sshll.u32 s28, $0x1;
	[dreg:$0x2] =	wrdreg s3  }
0xa9: {  	[dreg:$0x3] =	wrdreg s5  }
0xaa: {  	[dreg:$0x4] =	wrdreg $0xC0  }
0xab: {  	_ =	task [dreg:s7], $0x5FFFF  }
0xac: {  	[dreg:$0x1] =	wrdreg $0xFFFFFFFF  }
0xad: {  	[dreg:$0x0] =	wrdreg $0x60  }
0xae: {  	[dreg:$0x2] =	wrdreg s24  }
0xaf: {  	[dreg:$0x3] =	wrdreg s2  }
0xb0: {  	[dreg:$0x4] =	wrdreg $0x9  }
0xb1: {  	_ =	task.clear_ibuf [dreg:s7], $0x5FFFF;
	_ =	strace $0x90000046  }
0xb2: {  	s29 =	simm.s32 $0x9;
	_ =	strace $0x80000048  }
0xb3: {  	_ =	swait.ge [sflag:s29], $0x1  }
0xb4: {  	[sflag:s29] =	ssyncadd.s32 $0xFFFFFFFF  }
0xb5: {  	_ =	strace $0x90000048  }
0xb6: {  	_ =	sfence  }
0xb7: {  	s30 =	sld [smem:$0x0];
	_ =	sdelay $0x2  }
0xb8: {  	s31 =	sshll.u32 s1, $0xD;
	s1 =	sshrl.u32 s1, $0x2  }
0xb9: {  	s3 =	sand.u32 $0x4000, s31;
	s1 =	sadd.s32 s1, s30  }
0xba: {  	s0 =	sor.u32 s3, s0;
	s1 =	sshll.u32 s1, $0x11  }
0xbb: {  	s0 =	sor.u32 s1, s0  }
0xbc: {  	s0 =	sadd.s32 $0x8F2B, s0  }
0xbd: {  	[sflag:s0] =	ssyncadd.remote.s32 $0x1  }
0xbe: {  	_ =	sfence.sel $0xFFFF  }
0xbf: {  	[dreg:$0x0] =	wrdreg $0xFFFFFFFF;
	(pc) =	sbr.abs _section_cstart, $3  }
0xc0: {  	[dreg:$0x1] =	wrdreg $0xFFFFFFFF  }
0xc1: {  	_ =	task.clear_ibuf [dreg:s7], $0x2FFFF;
	_ =	strace $0x9FFFFFFF  }
0xc2: {  	(tm) =	ssettm $0x7FFFFFFF  }
0xc3: {  	_ =	shalt  }
tec
execute0_lowered:
.L_overlay_start_1:
0x0: {  	(tag) =	ssettag $0x1  }
0x1: {  	s8 =	rddreg [dreg:$0x0]  }
0x2: {  	s2 =	rddreg [dreg:$0x1]  }
0x3: {  	s0 =	rddreg [dreg:$0x2];
	s1 =	stileid.u32  }
0x4: {  	s3 =	srdreg.scid;
	_ =	strace $0x80000047;
	s4 =	simm.s32 $0x1  }
0x5: {  	s7 =	simm.s32 $0x1;
	s9 =	simm.s32 $0x1;
	s10 =	simm.s32 $0x3  }
0x6: {  	s13 =	simm.s32 $0x0;
	s5 =	sand.u32 $0x1, s3;
	s6 =	sshll.u32 s1, $0x1  }
0x7: {  	s12 =	simm.s32 $0x0;
	s3 =	sadd.s32 $0x200, s8;
	s5 =	sor.u32 s6, s5  }
.Ltmp0:
0x8: {  	[sflag:s4] =	ssyncpa.u1 $0x0;
	p0 =	slt.u32 s5, $0x9;
	(pc) =	sbr.rel .LBB2_1-.Ltmp0, $4  }
0x9: {  	s6 =	simm.s32 $0x2;
	s7 =	simm.s32 @!p0 $0x0;
	p0 =	sne.s32 s5, $0x8  }
0xa: {  	[sflag:s6] =	ssyncpa.u1 $0x0;
	s5 =	smul.u32 $0x1F40, s5;
	s9 =	simm.s32 @!p0 $0x0  }
0xb: {  	s8 =	sadd.s32 $0x13E00, s8;
	[sflag:s10] =	ssyncpa.u1 $0x0;
	s7 =	sadd.s32 s9, s7  }
0xc: {  	vm0 =	vmmov $0xffff;
	s10 =	simm.s32 $0x0;
	s11 =	smov.u32 s5;
	s9 =	sadd.s32 $0x1, s7  }
.LBB2_4:
0xd: {  	v2 =	vnsel vm1, $0x0, v2  }
0xe: {  	vm1 =	vgt.s32 v0, $0x0;
	v2 =	vmin.u32 v2, $0x4E1FF  }
0xf: {  	v0 =	vnsel vm1, $0x0, v0  }
0x10: {  	v0 =	vmin.u32 v0, $0x4E1FF  }
0x11: {  	[tilespmem:s18], [sflag:$0x1] =	stream.indirect_vreg.gather [hbm4b:s3+s10], $0x1, v1, vm0, $0x4038;
	[tilespmem:$0x7D00] =	vst v63  }
0x12: {  	(ifvalue) =	ssetifvalue $0x7FFFFFFF  }
0x13: {  	[tilespmem:s15], [sflag:$0x1] =	stream.indirect_vreg.gather [hbm4b:s3+s10], $0x1, v2, vm0, $0x4038;
	[tilespmem:$0x7D00] =	vst v63  }
0x14: {  	s29 =	sadd.s32 $0x10, s15;
	(ifvalue) =	ssetifvalue $0x7FFFFFFF  }
0x15: {  	[tilespmem:s29], [sflag:$0x1] =	stream.indirect_vreg.gather [hbm4b:s3+s10], $0x1, v0, vm0, $0x4038;
	[tilespmem:$0x7D00] =	vst v63  }
0x16: {  	_ =	swait.ge [sflag:s4], $0x1F40  }
0x17: {  	s30 =	sshrl.u32 s13, $0x3;
	[sflag:s4] =	ssyncset.done $0x0  }
0x18: {  	s31 =	sand.u32 $0x7, s13;
	s15 =	sadd.s32 s8, s30;
	[sflag:s4] =	ssyncadd.s32 $0xFFFFE0C0  }
0x19: {  	[hbm4b:s15+s31] =	stream.linear.scatter [tilespmem:s14], [sflag:$0x3], $0x1F40, $0x38;
	[tilespmem:$0x7D00] =	vst v63  }
.LBB2_5:
0x1a: {  	s15 =	sadd.s32 $0x3E800, s11  }
0x1b: {  	p1 =	sgt.s32 s15, $0x4E1FF  }
0x1c: {  	s15 =	smov.u32 @p1 s5;
	p1 =	sne.s32 s12, s9  }
.Ltmp1:
0x1d: {  	p0 =	slt.u32 s12, $0x2;
	(pc) =	sbr.rel @!p1 .LBB2_6-.Ltmp1, $4  }
0x1e: {  	s14 =	simm.s32 @!p0 $0x3  }
0x1f: {  	_ =	swait.ge @!p0 [sflag:s14], $0x1F40  }
0x20: {  	s16 =	sadd.s32 $0x1, s12;
	s13 =	smov.u32 s11;
	[sflag:s14] =	ssyncset.done @!p0 $0x0  }
0x21: {  	s12 =	smov.u32 s16;
	s11 =	smov.u32 s15;
	[sflag:s14] =	ssyncadd.s32 @!p0 $0xFFFFE0C0  }
.LBB2_1:
0x22: {  	p0 =	sge.u32 s12, s7  }
0x23: {  	s14 =	sxor.u32 @!p0 $0x1, s12  }
0x24: {  	s14 =	smul.u32 @!p0 $0x7D00, s14  }
0x25: {  	s31 =	sadd.s32 $0xFFFFFFFF, s12;
	s15 =	sshrl.u32 @!p0 s11, $0x3  }
0x26: {  	s16 =	sand.u32 @!p0 $0x7, s11;
	s15 =	sadd.s32 @!p0 s2, s15;
	s14 =	sshra.s32 @!p0 s14, $0x2  }
0x27: {  	[tilespmem:s14], [sflag:$0x2] =	stream.linear.gather @!p0 [hbm4b:s15+s16], $0x1F40, $0x38;
	[tilespmem:$0x7D00] =	vst v63  }
0x28: {  	p0 =	sge.u32 s31, s7  }
.Ltmp2:
0x29: {  	_ = 	snop;
	(pc) =	sbr.rel @p0 .LBB2_5-.Ltmp2, $1  }
0x2a: {  	_ =	sdelay $0x3  }
0x2b: {  	s14 =	sand.u32 $0x1, s12  }
0x2c: {  	_ =	swait.ge [sflag:s6], $0x1F40;
	p0 =	seq.s32 s14, $0x1;
	s14 =	simm.s32 $0x1F40  }
0x2d: {  	[sflag:s6] =	ssyncset.done $0x0;
	s14 =	simm.s32 @!p0 $0x0  }
0x2e: {  	[sflag:s6] =	ssyncadd.s32 $0xFFFFE0C0;
	(ifvalue) =	ssetifvalue $0x7FFFFFFF;
	v0 =	vld.msk [tilespmem:s14+$0x0 ss:$0x1], $0xffff;
	_ =	sdelay $0x4  }
0x2f: {  	s15 =	sadd.s32 $0x10, s14;
	vm1 =	vgt.s32 v0, $0x0  }
0x30: {  	v2 =	vld.msk [tilespmem:s15+$0x0 ss:$0x1], $0xffff;
	v1 =	vnsel vm1, $0x0, v0  }
0x31: {  	v1 =	vmin.u32 v1, $0x4E1FF;
	_ =	sdelay $0x2  }
0x32: {  	s17 =	simm.s32 $0x20;
	s14 =	sadd.s32 $0x3E80, s14;
	s16 =	sadd.s32 $0x10, s15  }
0x33: {  	s15 =	sadd.s32 $0x10, s14;
	s18 =	smov.u32 s14;
	v0 =	vld.msk [tilespmem:s16+$0x0 ss:$0x1], $0xffff;
	vm1 =	vgt.s32 v2, $0x0;
	(ifvalue) =	ssetifvalue $0x7FFFFFFF  }
.LBB2_3:
0x34: {  	[tilespmem:s18], [sflag:$0x1] =	stream.indirect_vreg.gather [hbm4b:s3+s10], $0x1, v1, vm0, $0x4038;
	[tilespmem:$0x7D00] =	vst v63  }
0x35: {  	s17 =	sadd.s32 $0x10, s17  }
0x36: {  	v2 =	vnsel vm1, $0x0, v2;
	p0 =	slt.u32 s17, $0x1F30  }
.Ltmp3:
0x37: {  	s18 =	smov.u32 s15;
	v1 =	vmin.u32 v2, $0x4E1FF;
	(pc) =	sbr.rel @p0 .LBB2_3-.Ltmp3, $3  }
0x38: {  	_ =	sdelay $0x1  }
0x39: {  	s16 =	sadd.s32 $0x10, s16  }
0x3a: {  	vm1 =	vgt.s32 v0, $0x0;
	s15 =	sadd.s32 $0x10, s15;
	v2 =	vmov v0;
	(ifvalue) =	ssetifvalue $0x7FFFFFFF;
	v0 =	vld.msk [tilespmem:s16+$0x0 ss:$0x1], $0xffff  }
.Ltmp4:
0x3b: {  	_ = 	snop;
	(pc) =	sbr.rel .LBB2_4-.Ltmp4, $1  }
0x3c: {  	_ =	sdelay $0x3  }
.LBB2_6:
0x3d: {  	_ =	sfence.sel $0x180000  }
0x3e: {  	s2 =	simm.s32 $0x2;
	[bflag:$0x0] =	sbarrier.arrive $0xFFFF  }
0x3f: {  	s30 =	simm.s32 $0x3;
	[sflag:s2] =	ssyncpa.u1 $0x1  }
0x40: {  	s31 =	simm.s32 $0x1;
	[sflag:s30] =	ssyncpa.u1 $0x1  }
0x41: {  	[sflag:s31] =	ssyncpa.u1 $0x1  }
0x42: {  	p0 =	sne.s32 s1, $0x0;
	_ =	strace $0x90000047  }
0x43: {  	s0 =	sadd.s32 @!p0 $0x100000, s0;
	[bflag:$0x2] =	sbarrier.arrive $0xFFFF  }
0x44: {  	[sflag:s0] =	ssyncadd.tile.s32 @!p0 $0x1;
	_ =	shalt  }
.Lfunc_end2:
_tile_overlayer_lowered:
.L_overlay_start_2:
0x45: {  	(tag) =	ssettag $0x2  }
0x46: {  	s0 =	rddreg [dreg:$0x0];
	s2 =	stileid.u32  }
0x47: {  	s1 =	rddreg [dreg:$0x1];
	p0 =	sne.s32 s2, $0x0  }
0x48: {  	s3 =	rddreg [dreg:$0x2];
	[bflag:$0x3] =	sbarrier.arrive $0xFFFF;
	s2 =	simm.s32 @!p0 $0x1C01  }
0x49: {  	[timem:s3], [sflag:s2] =	dma.local @!p0 [hbm:s0], s1  }
0x4a: {  	s0 =	simm.s32 @!p0 $0x1  }
0x4b: {  	_ =	swait.ge @!p0 [sflag:s0], s1  }
0x4c: {  	s1 =	ssub.s32 @!p0 $0x0, s1;
	[sflag:s0] =	ssyncset.done @!p0 $0x0  }
0x4d: {  	[sflag:s0] =	ssyncadd.s32 @!p0 s1  }
0x4e: {  	[bflag:$0x3] =	sbarrier.arrive $0xFFFF  }
0x4f: {  	_ =	shalt  }

// kernel: kernel.10.cloned.1.call-start
scs
__scs_entry_jumppad:
0x0: {  	(pc) =	sbr.rel $0x88, $3  }
0x1: {  	(tag) =	ssettag $0x0;
	lr =	simm.s32 $0x1  }
0x2: {  	[smem:$0x3F9B] =	sst lr;
	_ =	strace $0xD0000000  }
0x3: {  	_ = 	snop  }
0x4: {  	_ = 	snop  }
0x5: {  	_ = 	snop  }
0x6: {  	_ = 	snop  }
0x7: {  	_ = 	snop  }
__scs_overlays_trampoline_lowered:
0x8: {  	[smem:$0x3FAA] =	sst s0  }
0x9: {  	[smem:$0x3FAB] =	sst s1  }
0xa: {  	[smem:$0x3FAC] =	sst s2  }
0xb: {  	[smem:$0x3FAD] =	sst s3  }
0xc: {  	[smem:$0x3FAE] =	sst s4  }
0xd: {  	[smem:$0x3FAF] =	sst s5  }
0xe: {  	[smem:$0x3FB0] =	sst s6  }
0xf: {  	[smem:$0x3FB1] =	sst s7  }
0x10: {  	[smem:$0x3FB2] =	sst s8  }
0x11: {  	[smem:$0x3FB3] =	sst s9;
	s0 =	simm.s32 @!p0 $0x0  }
0x12: {  	s1 =	sld [smem:$0x3F99];
	s0 =	simm.s32 @p0 $0x1  }
0x13: {  	[smem:$0x3FB4] =	sst s0;
	s0 =	simm.s32 @!p1 $0x0  }
0x14: {  	s2 =	sld [smem:$0x3F98];
	s0 =	simm.s32 @p1 $0x1  }
0x15: {  	[smem:$0x3FB5] =	sst s0;
	s0 =	simm.s32 @!p2 $0x0  }
0x16: {  	s3 =	sld [smem:$0x3FDB];
	s0 =	simm.s32 @p2 $0x1  }
0x17: {  	s4 =	simm.s32 $0x1BF5;
	[smem:$0x3FB7] =	sst s0  }
0x18: {  	s0 =	sld [smem:$0x3F9A];
	_ =	swait.ge [sflag:s4], $0x0  }
0x19: {  	s7 =	sld [smem:$0x3F9B]  }
0x1a: {  	s8 =	sadd.s32 $0xFFFFE003, lr  }
0x1b: {  	s9 =	sadd.s32 $0xFFFFFEF7, lr;
	s5 =	simm.s32 $0xFFFFFFFF;
	p2 =	slt.u32 s8, $0xFFFFF086  }
0x1c: {  	p1 =	slt.u32 s9, $0xF7A;
	s5 =	simm.s32 @!p2 $0x0  }
0x1d: {  	s5 =	simm.s32 @p1 $0x1;
	p0 =	seq.s32 s7, s2  }
0x1e: {  	s7 =	smul.u32 @!p0 $0xF7A, s2;
	p2 =	seq.s32 @!p0 s5, $0x0  }
0x1f: {  	s9 =	smul.u32 $0xF7A, s1;
	s8 =	simm.s32 @!p0 $0x1BF5;
	p2 =	por !p2, p0  }
0x20: {  	[sflag:s8] =	ssyncset.s32 @!p0 $0xFFFFF086;
	s6 =	sadd.s32 @!p0 s3, s7;
	s7 =	simm.s32 @!p0 $0x108  }
0x21: {  	s3 =	sadd.s32 s3, s9;
	s6 =	sadd.s32 @!p0 $0x88, s6;
	s7 =	simm.s32 @p2 $0x1082  }
0x22: {  	[simem:s7], [sflag:s8] =	dma.local @!p0 [hbm:s6], $0xF7A  }
0x23: {  	s9 =	sor.u32 $0xD0000000, s2;
	s6 =	simm.s32 $0x108;
	_ =	swait.ge @!p0 [sflag:s8], $0x0  }
0x24: {  	s3 =	sadd.s32 $0x88, s3;
	s6 =	simm.s32 @!p1 $0x1082;
	[sflag:s4] =	ssyncset.s32 $0xFFFFF086  }
0x25: {  	[simem:s6], [sflag:s4] =	dma.local [hbm:s3], $0xF7A  }
0x26: {  	[smem:$0x3F9B] =	sst s1;
	(tag) =	ssettag s2;
	_ =	strace s9  }
0x27: {  	s1 =	sld [smem:$0x3FAB]  }
0x28: {  	s2 =	sld [smem:$0x3FAC]  }
0x29: {  	s4 =	sld [smem:$0x3FAE]  }
0x2a: {  	p0 =	seq.s32 s5, $0x0;
	s5 =	sld [smem:$0x3FAF]  }
0x2b: {  	s6 =	sld [smem:$0x3FB0]  }
0x2c: {  	s7 =	sld [smem:$0x3FB1]  }
0x2d: {  	s3 =	simm.s32 $0x108;
	s8 =	sld [smem:$0x3FB2]  }
0x2e: {  	s3 =	simm.s32 @!p0 $0x1082;
	s9 =	sld [smem:$0x3FB3]  }
0x2f: {  	lr =	sadd.s32 s0, s3;
	s0 =	sld [smem:$0x3FAA]  }
0x30: {  	s3 =	sld [smem:$0x3FAD]  }
0x31: {  	[smem:$0x3FB6] =	sst s10  }
0x32: {  	s10 =	sld [smem:$0x3FB4];
	_ =	sdelay $0x3  }
0x33: {  	p0 =	seq.s32 s10, $0x1;
	s10 =	sld [smem:$0x3FB6];
	_ =	sdelay $0x3  }
0x34: {  	[smem:$0x3FB6] =	sst s10  }
0x35: {  	s10 =	sld [smem:$0x3FB5];
	_ =	sdelay $0x3  }
0x36: {  	p1 =	seq.s32 s10, $0x1;
	s10 =	sld [smem:$0x3FB6];
	_ =	sdelay $0x3  }
0x37: {  	[smem:$0x3FB6] =	sst s10  }
0x38: {  	s10 =	sld [smem:$0x3FB7]  }
0x39: {  	_ = 	snop;
	(pc) =	sbr.ind lr, $3  }
0x3a: {  	_ = 	snop  }
0x3b: {  	_ = 	snop  }
0x3c: {  	p2 =	seq.s32 s10, $0x1;
	s10 =	sld [smem:$0x3FB6]  }
0x3d: {  	_ =	shalt  }
0x3e: {  	_ =	shalt  }
0x3f: {  	_ =	shalt  }
0x40: {  	_ =	shalt  }
0x41: {  	_ =	shalt  }
0x42: {  	_ =	shalt  }
0x43: {  	_ =	shalt  }
0x44: {  	_ =	shalt  }
0x45: {  	_ =	shalt  }
0x46: {  	_ =	shalt  }
0x47: {  	_ =	shalt  }
0x48: {  	_ =	shalt  }
0x49: {  	_ =	shalt  }
0x4a: {  	_ =	shalt  }
0x4b: {  	_ =	shalt  }
0x4c: {  	_ =	shalt  }
0x4d: {  	_ =	shalt  }
0x4e: {  	_ =	shalt  }
0x4f: {  	_ =	shalt  }
0x50: {  	_ =	shalt  }
0x51: {  	_ =	shalt  }
0x52: {  	_ =	shalt  }
0x53: {  	_ =	shalt  }
0x54: {  	_ =	shalt  }
0x55: {  	_ =	shalt  }
0x56: {  	_ =	shalt  }
0x57: {  	_ =	shalt  }
0x58: {  	_ =	shalt  }
0x59: {  	_ =	shalt  }
0x5a: {  	_ =	shalt  }
0x5b: {  	_ =	shalt  }
0x5c: {  	_ =	shalt  }
0x5d: {  	_ =	shalt  }
0x5e: {  	_ =	shalt  }
0x5f: {  	_ =	shalt  }
0x60: {  	_ =	shalt  }
0x61: {  	_ =	shalt  }
0x62: {  	_ =	shalt  }
0x63: {  	_ =	shalt  }
0x64: {  	_ =	shalt  }
0x65: {  	_ =	shalt  }
0x66: {  	_ =	shalt  }
0x67: {  	_ =	shalt  }
0x68: {  	_ =	shalt  }
0x69: {  	_ =	shalt  }
0x6a: {  	_ =	shalt  }
0x6b: {  	_ =	shalt  }
0x6c: {  	_ =	shalt  }
0x6d: {  	_ =	shalt  }
0x6e: {  	_ =	shalt  }
0x6f: {  	_ =	shalt  }
0x70: {  	_ =	shalt  }
0x71: {  	_ =	shalt  }
0x72: {  	_ =	shalt  }
0x73: {  	_ =	shalt  }
0x74: {  	_ =	shalt  }
0x75: {  	_ =	shalt  }
0x76: {  	_ =	shalt  }
0x77: {  	_ =	shalt  }
0x78: {  	_ =	shalt  }
0x79: {  	_ =	shalt  }
0x7a: {  	_ =	shalt  }
0x7b: {  	_ =	shalt  }
0x7c: {  	_ =	shalt  }
0x7d: {  	_ =	shalt  }
0x7e: {  	_ =	shalt  }
0x7f: {  	_ =	shalt  }
0x80: {  	_ =	shalt  }
0x81: {  	_ =	shalt  }
0x82: {  	_ =	shalt  }
0x83: {  	_ =	shalt  }
0x84: {  	_ =	shalt  }
0x85: {  	_ =	shalt  }
0x86: {  	_ =	shalt  }
0x87: {  	_ =	shalt  }
.Lfunc_end0:
.L_simem_size_0:
called_computation.3_lowered:
.L_overlay_start_0:
0x88: {  	s2 =	sld [smem:$0x3FD9]  }
0x89: {  	s3 =	sld [smem:$0x3FFE];
	_ =	sdelay $0x1  }
0x8a: {  	s1 =	srdreg.scid  }
0x8b: {  	s0 =	sand.u32 $0x1, s1  }
0x8c: {  	s17 =	sshll.u32 s0, $0xA;
	s2 =	sadd.s32 s3, s2  }
0x8d: {  	s2 =	sadd.s32 s2, s17  }
0x8e: {  	[smem:$0x3FC2] =	sst s2  }
0x8f: {  	_ = 	snop  }
0x90: {  	s2 =	sld [smem:$0x3FD0];
	(tm) =	ssettm $0x1  }
0x91: {  	s18 =	sld [smem:$0x3FFB];
	_ =	sdelay $0x3  }
0x92: {  	_ =	strace s18  }
0x93: {  	s3 =	sld [smem:$0x3FFC];
	_ =	sdelay $0x3  }
0x94: {  	_ =	strace s3  }
0x95: {  	s3 =	sld [smem:$0x3FFD];
	_ =	sdelay $0x3  }
0x96: {  	_ =	strace s3  }
0x97: {  	_ =	strace $0x8FFFFFFF  }
0x98: {  	s19 =	sld [smem:$0x3FDB];
	_ =	sdelay $0x1  }
0x99: {  	s4 =	simm.s32 $_scs_section_size  }
0x9a: {  	s5 =	simm.s32 $_size__tile_overlayer_lowered;
	s6 =	simm.s32 $_tile_overlayer_lowered  }
0x9b: {  	s22 =	simm.s32 $0x1BFF;
	s21 =	sshll.u32 s6, $0x1;
	s3 =	sadd.s32 s4, s19  }
0x9c: {  	s7 =	simm.s32 $0x0;
	s20 =	sshll.u32 s5, $0x1;
	s5 =	sadd.s32 s21, s3  }
0x9d: {  	[timem:s7], [sflag:s22] =	dma.local [hbm:s5], s20  }
0x9e: {  	_ =	swait.ge [sflag:s22], s20  }
0x9f: {  	s4 =	ssub.s32 $0x0, s20;
	[sflag:s22] =	ssyncset.done $0x0  }
0xa0: {  	[sflag:s22] =	ssyncadd.s32 s4;
	_ =	sdelay $0x1  }
0xa1: {  	s23 =	simm.s32 $0x1B8B  }
0xa2: {  	_ =	swait.ge [sflag:s23], $0x1  }
0xa3: {  	[sflag:s23] =	ssyncset.done $0x0  }
0xa4: {  	s25 =	simm.s32 $0x1B8E;
	s24 =	sld [smem:$0x3FFE];
	[sflag:s23] =	ssyncadd.s32 $0xFFFFFFFF  }
0xa5: {  	s26 =	simm.s32 $execute0_lowered;
	[smem:$0x3FD2] =	sst s25  }
0xa6: {  	s5 =	sshll.u32 s26, $0x1;
	_ =	strace $0x8000004F;
	[dreg:$0x1] =	wrdreg $0xFFFFFFFF  }
0xa7: {  	s28 =	simm.s32 $_size_execute0_lowered;
	s3 =	sadd.s32 s3, s5;
	[dreg:$0x0] =	wrdreg $0x0  }
0xa8: {  	s5 =	sshll.u32 s28, $0x1;
	[dreg:$0x2] =	wrdreg s3  }
0xa9: {  	[dreg:$0x3] =	wrdreg s5  }
0xaa: {  	[dreg:$0x4] =	wrdreg $0xC0  }
0xab: {  	_ =	task [dreg:s7], $0x5FFFF  }
0xac: {  	[dreg:$0x1] =	wrdreg $0xFFFFFFFF  }
0xad: {  	[dreg:$0x0] =	wrdreg $0x60  }
0xae: {  	[dreg:$0x2] =	wrdreg s2  }
0xaf: {  	[dreg:$0x3] =	wrdreg s24  }
0xb0: {  	[dreg:$0x4] =	wrdreg $0x9  }
0xb1: {  	_ =	task.clear_ibuf [dreg:s7], $0x5FFFF;
	_ =	strace $0x9000004F  }
0xb2: {  	s29 =	simm.s32 $0x9;
	_ =	strace $0x80000051  }
0xb3: {  	_ =	swait.ge [sflag:s29], $0x1  }
0xb4: {  	[sflag:s29] =	ssyncadd.s32 $0xFFFFFFFF  }
0xb5: {  	_ =	strace $0x90000051  }
0xb6: {  	_ =	sfence  }
0xb7: {  	s30 =	sld [smem:$0x0];
	_ =	sdelay $0x2  }
0xb8: {  	s31 =	sshll.u32 s1, $0xD;
	s1 =	sshrl.u32 s1, $0x2  }
0xb9: {  	s3 =	sand.u32 $0x4000, s31;
	s1 =	sadd.s32 s1, s30  }
0xba: {  	s0 =	sor.u32 s3, s0;
	s1 =	sshll.u32 s1, $0x11  }
0xbb: {  	s0 =	sor.u32 s1, s0  }
0xbc: {  	s0 =	sadd.s32 $0x8F2B, s0  }
0xbd: {  	[sflag:s0] =	ssyncadd.remote.s32 $0x1  }
0xbe: {  	_ =	sfence.sel $0xFFFF  }
0xbf: {  	[dreg:$0x0] =	wrdreg $0xFFFFFFFF;
	(pc) =	sbr.abs _section_cstart, $3  }
0xc0: {  	[dreg:$0x1] =	wrdreg $0xFFFFFFFF  }
0xc1: {  	_ =	task.clear_ibuf [dreg:s7], $0x2FFFF;
	_ =	strace $0x9FFFFFFF  }
0xc2: {  	(tm) =	ssettm $0x7FFFFFFF  }
0xc3: {  	_ =	shalt  }
tec
execute0_lowered:
.L_overlay_start_1:
0x0: {  	(tag) =	ssettag $0x1  }
0x1: {  	s1 =	rddreg [dreg:$0x0]  }
0x2: {  	s0 =	rddreg [dreg:$0x1]  }
0x3: {  	s2 =	simm.s32 $0x0;
	s7 =	srdreg.scid;
	s8 =	stileid.u32  }
0x4: {  	s28 =	simm.s32 $0x100;
	s29 =	simm.s32 $0x5500;
	s31 =	simm.s32 $0x180  }
0x5: {  	s20 =	simm.s32 $0x2;
	s30 =	simm.s32 $0x380;
	[smem:$0x7FF] =	sst s2  }
0x6: {  	s21 =	simm.s32 $0x0;
	s3 =	sadd.s32 $0x5B9800, s0;
	s4 =	sadd.s32 $0xA9B800, s0  }
0x7: {  	s6 =	sadd.s32 $0xF7D800, s0;
	s5 =	sadd.s32 $0x27A00, s0;
	s11 =	sadd.s32 $0x1DC00, s0  }
0x8: {  	s17 =	sadd.s32 $0x13E00, s0;
	s7 =	sand.u32 $0x1, s7;
	s10 =	smul.u32 $0x4E20, s8  }
0x9: {  	s18 =	sadd.s32 $0xA000, s0;
	s8 =	sadd.s32 $0x145F800, s0;
	s12 =	ssub.s32 $0x2, s7  }
0xa: {  	s9 =	sadd.s32 $0x1941800, s0;
	s13 =	smul.u32 $0x2710, s7;
	s14 =	sshrl.u32 s12, $0x1  }
0xb: {  	_ =	strace $0x80000050;
	s7 =	sadd.s32 $0x31800, s0;
	s12 =	ssub.s32 s12, s14  }
0xc: {  	s22 =	sadd.s32 s13, s10;
	s10 =	sadd.s32 $0x1E23800, s0;
	s12 =	smax.u32 s12, $0x1  }
0xd: {  	s16 =	sshrl.u32 s22, $0x3;
	s19 =	sadd.s32 $0x50, s22;
	s22 =	simm.s32 $0x400  }
0xe: {  	[dreg:$0x3] =	wrdreg s12;
	s12 =	sadd.s32 s16, s0;
	s13 =	sadd.s32 s16, s17  }
0xf: {  	s14 =	sadd.s32 s16, s11;
	s15 =	sadd.s32 s16, s5;
	s19 =	sshrl.u32 s19, $0x3  }
0x10: {  	s16 =	sadd.s32 s16, s18;
	s0 =	sadd.s32 s19, s0;
	s23 =	sadd.s32 s19, s17  }
0x11: {  	s24 =	sadd.s32 s19, s11;
	s25 =	sadd.s32 s19, s5;
	[dreg:$0x4] =	wrdreg s0  }
.Ltmp0:
0x12: {  	s26 =	sadd.s32 s19, s18;
	[dreg:$0x5] =	wrdreg s23;
	(pc) =	sbr.rel .LBB2_1-.Ltmp0, $4  }
0x13: {  	s19 =	smov.u32 s1;
	s1 =	simm.s32 $0x500;
	[dreg:$0x6] =	wrdreg s24  }
0x14: {  	s5 =	simm.s32 $0x1;
	s11 =	simm.s32 $0x480;
	[dreg:$0x7] =	wrdreg s25  }
0x15: {  	[dreg:$0x8] =	wrdreg s26;
	s23 =	simm.s32 $0x5;
	s24 =	simm.s32 $0x50  }
0x16: {  	s25 =	simm.s32 $0x80;
	s26 =	simm.s32 $0x2D00;
	s0 =	simm.s32 $0x7D00  }
.LBB2_5:
0x17: {  	s17 =	simm.s32 $0x3  }
0x18: {  	_ =	swait.ge [sflag:s17], $0x2800  }
0x19: {  	[sflag:s17] =	ssyncset.done $0x0  }
0x1a: {  	[sflag:s17] =	ssyncadd.s32 $0xFFFFD800  }
0x1b: {  	_ =	swait.ge [sflag:s17], $0x2800  }
0x1c: {  	[sflag:s17] =	ssyncset.done $0x0  }
0x1d: {  	[sflag:s17] =	ssyncadd.s32 $0xFFFFD800  }
0x1e: {  	_ =	swait.ge [sflag:s17], $0x2800  }
0x1f: {  	[sflag:s17] =	ssyncset.done $0x0  }
0x20: {  	[sflag:s17] =	ssyncadd.s32 $0xFFFFD800  }
0x21: {  	_ =	swait.ge [sflag:s17], $0x2800  }
0x22: {  	[sflag:s17] =	ssyncset.done $0x0  }
0x23: {  	s18 =	simm.s32 $0x4;
	[sflag:s17] =	ssyncadd.s32 $0xFFFFD800  }
0x24: {  	_ =	swait.ge [sflag:s18], $0x2800  }
0x25: {  	[sflag:s18] =	ssyncset.done $0x0  }
0x26: {  	[sflag:s18] =	ssyncadd.s32 $0xFFFFD800  }
0x27: {  	_ =	swait.ge [sflag:s18], $0x2800  }
0x28: {  	[sflag:s18] =	ssyncset.done $0x0  }
0x29: {  	[sflag:s18] =	ssyncadd.s32 $0xFFFFD800  }
0x2a: {  	_ =	swait.ge [sflag:s18], $0x2800  }
0x2b: {  	[sflag:s18] =	ssyncset.done $0x0  }
0x2c: {  	[sflag:s18] =	ssyncadd.s32 $0xFFFFD800  }
0x2d: {  	_ =	swait.ge [sflag:s18], $0x2800  }
0x2e: {  	s21 =	rddreg [dreg:$0x9]  }
0x2f: {  	s17 =	rddreg [dreg:$0x3];
	s21 =	sadd.s32 $0x1, s21  }
0x30: {  	p0 =	sne.s32 s21, s17  }
.Ltmp1:
0x31: {  	_ = 	snop;
	(pc) =	sbr.rel @!p0 .LBB2_6-.Ltmp1, $3  }
0x32: {  	_ =	sdelay $0x1  }
0x33: {  	[sflag:s18] =	ssyncset.done $0x0  }
0x34: {  	[sflag:s18] =	ssyncadd.s32 $0xFFFFD800  }
.LBB2_1:
.Ltmp2:
0x35: {  	(pc) =	sbr.rel .LBB2_2-.Ltmp2, $2  }
0x36: {  	_ =	sdelay $0x2  }
0x37: {  	[dreg:$0x9] =	wrdreg s21;
	s21 =	simm.s32 $0x1;
	s17 =	simm.s32 $0x0  }
.LBB2_4:
0x38: {  	s17 =	sadd.s32 $0x14, s17  }
0x39: {  	p0 =	sne.s32 s17, $0x4EC  }
.Ltmp3:
0x3a: {  	_ = 	snop;
	(pc) =	sbr.rel @!p0 .LBB2_5-.Ltmp3, $2  }
0x3b: {  	_ =	sdelay $0x2  }
0x3c: {  	s21 =	sadd.s32 $0x2, s21  }
.LBB2_2:
0x3d: {  	p0 =	seq.s32 s17, $0x0  }
0x3e: {  	s18 =	simm.s32 @!p0 $0x3  }
0x3f: {  	_ =	swait.ge @!p0 [sflag:s18], $0x2800  }
0x40: {  	[sflag:s18] =	ssyncset.done @!p0 $0x0  }
0x41: {  	[sflag:s18] =	ssyncadd.s32 @!p0 $0xFFFFD800  }
0x42: {  	_ =	swait.ge @!p0 [sflag:s18], $0x2800  }
0x43: {  	[sflag:s18] =	ssyncset.done @!p0 $0x0  }
0x44: {  	[sflag:s18] =	ssyncadd.s32 @!p0 $0xFFFFD800  }
0x45: {  	_ =	swait.ge @!p0 [sflag:s18], $0x2800  }
0x46: {  	[sflag:s18] =	ssyncset.done @!p0 $0x0  }
0x47: {  	[sflag:s18] =	ssyncadd.s32 @!p0 $0xFFFFD800  }
0x48: {  	_ =	swait.ge @!p0 [sflag:s18], $0x2800  }
0x49: {  	[sflag:s18] =	ssyncset.done @!p0 $0x0  }
0x4a: {  	[sflag:s18] =	ssyncadd.s32 @!p0 $0xFFFFD800;
	s18 =	sadd.s32 s17, s16  }
0x4b: {  	[tilespmem:s22], [sflag:$0x5] =	stream.linear.gather [hbm4b:s18+s2], $0x50, $0x38;
	[tilespmem:$0x14500] =	vst v63  }
0x4c: {  	_ =	swait.ge [sflag:s23], $0x50  }
0x4d: {  	[sflag:s23] =	ssyncset.done $0x0  }
0x4e: {  	s18 =	sadd.s32 s17, s15;
	[sflag:s23] =	ssyncadd.s32 $0xFFFFFFB0  }
0x4f: {  	[tilespmem:s2], [sflag:$0x5] =	stream.linear.gather [hbm4b:s18+s2], $0x50, $0x38;
	[tilespmem:$0x14500] =	vst v63  }
0x50: {  	_ =	swait.ge [sflag:s23], $0x50  }
0x51: {  	[sflag:s23] =	ssyncset.done $0x0  }
0x52: {  	[sflag:s23] =	ssyncadd.s32 $0xFFFFFFB0  }
0x53: {  	[tilespmem:s1], [sflag:$0x1] =	stream.indirect.gather [hbm4b:s19+s24], $0x80, s2, s24, $0xb8;
	[tilespmem:$0x14500] =	vst v63  }
0x54: {  	s18 =	sadd.s32 s17, s14  }
0x55: {  	[tilespmem:s25], [sflag:$0x5] =	stream.linear.gather [hbm4b:s18+s2], $0x50, $0x38;
	[tilespmem:$0x14500] =	vst v63  }
0x56: {  	_ =	swait.ge [sflag:s23], $0x50  }
0x57: {  	[sflag:s23] =	ssyncset.done $0x0  }
0x58: {  	[sflag:s23] =	ssyncadd.s32 $0xFFFFFFB0  }
0x59: {  	[tilespmem:s26], [sflag:$0x1] =	stream.indirect.gather [hbm4b:s3+s24], $0x80, s25, s24, $0xb8;
	[tilespmem:$0x14500] =	vst v63  }
0x5a: {  	s18 =	sadd.s32 s17, s13  }
0x5b: {  	[tilespmem:s28], [sflag:$0x5] =	stream.linear.gather [hbm4b:s18+s2], $0x50, $0x38;
	[tilespmem:$0x14500] =	vst v63  }
0x5c: {  	_ =	swait.ge [sflag:s23], $0x50  }
0x5d: {  	[sflag:s23] =	ssyncset.done $0x0  }
0x5e: {  	[sflag:s23] =	ssyncadd.s32 $0xFFFFFFB0  }
0x5f: {  	[tilespmem:s29], [sflag:$0x1] =	stream.indirect.gather [hbm4b:s4+s24], $0x80, s28, s24, $0xb8;
	[tilespmem:$0x14500] =	vst v63  }
0x60: {  	s18 =	sadd.s32 s17, s12  }
0x61: {  	[tilespmem:s31], [sflag:$0x5] =	stream.linear.gather [hbm4b:s18+s2], $0x50, $0x38;
	[tilespmem:$0x14500] =	vst v63  }
0x62: {  	_ =	swait.ge [sflag:s23], $0x50  }
0x63: {  	[sflag:s23] =	ssyncset.done $0x0  }
0x64: {  	[sflag:s23] =	ssyncadd.s32 $0xFFFFFFB0  }
0x65: {  	[tilespmem:s0], [sflag:$0x1] =	stream.indirect.gather [hbm4b:s6+s24], $0x80, s31, s24, $0xb8;
	[tilespmem:$0x14500] =	vst v63  }
0x66: {  	_ =	swait.ge [sflag:s5], $0x2800  }
0x67: {  	[sflag:s5] =	ssyncset.done $0x0  }
0x68: {  	[sflag:s5] =	ssyncadd.s32 $0xFFFFD800  }
0x69: {  	_ =	swait.ge [sflag:s5], $0x2800  }
0x6a: {  	[sflag:s5] =	ssyncset.done $0x0  }
0x6b: {  	[sflag:s5] =	ssyncadd.s32 $0xFFFFD800  }
0x6c: {  	_ =	swait.ge [sflag:s5], $0x2800  }
0x6d: {  	[sflag:s5] =	ssyncset.done $0x0  }
0x6e: {  	[sflag:s5] =	ssyncadd.s32 $0xFFFFD800  }
0x6f: {  	_ =	swait.ge [sflag:s5], $0x2800  }
0x70: {  	[sflag:s5] =	ssyncset.done $0x0  }
0x71: {  	[sflag:s5] =	ssyncadd.s32 $0xFFFFD800  }
0x72: {  	[hbm4b:s7+s24] =	stream.indirect.scatter [tilespmem:s1], [sflag:$0x3], $0x80, s22, s24, $0xb8;
	[tilespmem:$0x14500] =	vst v63  }
0x73: {  	p1 =	sgt.u32 s21, $0x7C  }
0x74: {  	[hbm4b:s8+s24] =	stream.indirect.scatter [tilespmem:s26], [sflag:$0x3], $0x80, s22, s24, $0xb8;
	[tilespmem:$0x14500] =	vst v63  }
.Ltmp4:
0x75: {  	_ = 	snop;
	(pc) =	sbr.rel @p1 .LBB2_4-.Ltmp4, $4  }
0x76: {  	_ = 	snop  }
0x77: {  	[hbm4b:s9+s24] =	stream.indirect.scatter [tilespmem:s29], [sflag:$0x3], $0x80, s22, s24, $0xb8;
	[tilespmem:$0x14500] =	vst v63  }
0x78: {  	_ = 	snop  }
0x79: {  	[hbm4b:s10+s24] =	stream.indirect.scatter [tilespmem:s0], [sflag:$0x3], $0x80, s22, s24, $0xb8;
	[tilespmem:$0x14500] =	vst v63  }
0x7a: {  	s18 =	simm.s32 @!p0 $0x4  }
0x7b: {  	_ =	swait.ge @!p0 [sflag:s18], $0x2800  }
0x7c: {  	[sflag:s18] =	ssyncset.done @!p0 $0x0  }
0x7d: {  	[sflag:s18] =	ssyncadd.s32 @!p0 $0xFFFFD800  }
0x7e: {  	_ =	swait.ge @!p0 [sflag:s18], $0x2800  }
0x7f: {  	[sflag:s18] =	ssyncset.done @!p0 $0x0  }
0x80: {  	[sflag:s18] =	ssyncadd.s32 @!p0 $0xFFFFD800  }
0x81: {  	_ =	swait.ge @!p0 [sflag:s18], $0x2800  }
0x82: {  	[sflag:s18] =	ssyncset.done @!p0 $0x0  }
0x83: {  	[sflag:s18] =	ssyncadd.s32 @!p0 $0xFFFFD800  }
0x84: {  	_ =	swait.ge @!p0 [sflag:s18], $0x2800  }
0x85: {  	[sflag:s18] =	ssyncset.done @!p0 $0x0;
	s1 =	rddreg [dreg:$0x8]  }
0x86: {  	[sflag:s18] =	ssyncadd.s32 @!p0 $0xFFFFD800;
	s18 =	sadd.s32 s17, s1  }
0x87: {  	[tilespmem:s11], [sflag:$0x5] =	stream.linear.gather [hbm4b:s18+s2], $0x50, $0x38;
	[tilespmem:$0x14500] =	vst v63  }
0x88: {  	_ =	swait.ge [sflag:s23], $0x50  }
0x89: {  	[sflag:s23] =	ssyncset.done $0x0;
	s25 =	rddreg [dreg:$0x7]  }
0x8a: {  	[sflag:s23] =	ssyncadd.s32 $0xFFFFFFB0;
	s18 =	sadd.s32 s17, s25;
	s25 =	simm.s32 $0x200  }
0x8b: {  	[tilespmem:s25], [sflag:$0x5] =	stream.linear.gather [hbm4b:s18+s2], $0x50, $0x38;
	[tilespmem:$0x14500] =	vst v63  }
0x8c: {  	_ =	swait.ge [sflag:s23], $0x50  }
0x8d: {  	[sflag:s23] =	ssyncset.done $0x0  }
0x8e: {  	s1 =	simm.s32 $0xA500;
	s26 =	rddreg [dreg:$0x6];
	[sflag:s23] =	ssyncadd.s32 $0xFFFFFFB0  }
0x8f: {  	[tilespmem:s1], [sflag:$0x2] =	stream.indirect.gather [hbm4b:s19+s24], $0x80, s25, s24, $0xb8;
	[tilespmem:$0x14500] =	vst v63  }
0x90: {  	s18 =	sadd.s32 s17, s26;
	s25 =	simm.s32 $0x280  }
0x91: {  	[tilespmem:s25], [sflag:$0x5] =	stream.linear.gather [hbm4b:s18+s2], $0x50, $0x38;
	[tilespmem:$0x14500] =	vst v63  }
0x92: {  	_ =	swait.ge [sflag:s23], $0x50  }
0x93: {  	[sflag:s23] =	ssyncset.done $0x0  }
0x94: {  	s26 =	simm.s32 $0xCD00;
	s18 =	rddreg [dreg:$0x5];
	[sflag:s23] =	ssyncadd.s32 $0xFFFFFFB0  }
0x95: {  	[tilespmem:s26], [sflag:$0x2] =	stream.indirect.gather [hbm4b:s3+s24], $0x80, s25, s24, $0xb8;
	[tilespmem:$0x14500] =	vst v63  }
0x96: {  	s28 =	simm.s32 $0x300;
	s18 =	sadd.s32 s17, s18  }
0x97: {  	[tilespmem:s28], [sflag:$0x5] =	stream.linear.gather [hbm4b:s18+s2], $0x50, $0x38;
	[tilespmem:$0x14500] =	vst v63  }
0x98: {  	_ =	swait.ge [sflag:s23], $0x50  }
0x99: {  	[sflag:s23] =	ssyncset.done $0x0  }
0x9a: {  	s29 =	simm.s32 $0xF500;
	s18 =	rddreg [dreg:$0x4];
	[sflag:s23] =	ssyncadd.s32 $0xFFFFFFB0  }
0x9b: {  	[tilespmem:s29], [sflag:$0x2] =	stream.indirect.gather [hbm4b:s4+s24], $0x80, s28, s24, $0xb8;
	[tilespmem:$0x14500] =	vst v63  }
0x9c: {  	s18 =	sadd.s32 s17, s18  }
0x9d: {  	[tilespmem:s30], [sflag:$0x5] =	stream.linear.gather [hbm4b:s18+s2], $0x50, $0x38;
	[tilespmem:$0x14500] =	vst v63  }
0x9e: {  	_ =	swait.ge [sflag:s23], $0x50  }
0x9f: {  	[sflag:s23] =	ssyncset.done $0x0  }
0xa0: {  	s18 =	simm.s32 $0x11D00;
	[sflag:s23] =	ssyncadd.s32 $0xFFFFFFB0  }
0xa1: {  	[tilespmem:s18], [sflag:$0x2] =	stream.indirect.gather [hbm4b:s6+s24], $0x80, s30, s24, $0xb8;
	[tilespmem:$0x14500] =	vst v63  }
0xa2: {  	_ =	swait.ge [sflag:s20], $0x2800  }
0xa3: {  	[sflag:s20] =	ssyncset.done $0x0  }
0xa4: {  	[sflag:s20] =	ssyncadd.s32 $0xFFFFD800  }
0xa5: {  	_ =	swait.ge [sflag:s20], $0x2800  }
0xa6: {  	[sflag:s20] =	ssyncset.done $0x0  }
0xa7: {  	[sflag:s20] =	ssyncadd.s32 $0xFFFFD800  }
0xa8: {  	_ =	swait.ge [sflag:s20], $0x2800  }
0xa9: {  	[sflag:s20] =	ssyncset.done $0x0  }
0xaa: {  	[sflag:s20] =	ssyncadd.s32 $0xFFFFD800  }
0xab: {  	_ =	swait.ge [sflag:s20], $0x2800  }
0xac: {  	[sflag:s20] =	ssyncset.done $0x0  }
0xad: {  	[sflag:s20] =	ssyncadd.s32 $0xFFFFD800  }
0xae: {  	[hbm4b:s7+s24] =	stream.indirect.scatter [tilespmem:s1], [sflag:$0x4], $0x80, s11, s24, $0xb8;
	[tilespmem:$0x14500] =	vst v63  }
0xaf: {  	_ = 	snop  }
0xb0: {  	[hbm4b:s8+s24] =	stream.indirect.scatter [tilespmem:s26], [sflag:$0x4], $0x80, s11, s24, $0xb8;
	[tilespmem:$0x14500] =	vst v63  }
.Ltmp5:
0xb1: {  	_ = 	snop;
	(pc) =	sbr.rel .LBB2_4-.Ltmp5, $4  }
0xb2: {  	s25 =	simm.s32 $0x80;
	s28 =	simm.s32 $0x100  }
0xb3: {  	[hbm4b:s9+s24] =	stream.indirect.scatter [tilespmem:s29], [sflag:$0x4], $0x80, s11, s24, $0xb8;
	[tilespmem:$0x14500] =	vst v63  }
0xb4: {  	s1 =	simm.s32 $0x500;
	s26 =	simm.s32 $0x2D00;
	s29 =	simm.s32 $0x5500  }
0xb5: {  	[hbm4b:s10+s24] =	stream.indirect.scatter [tilespmem:s18], [sflag:$0x4], $0x80, s11, s24, $0xb8;
	[tilespmem:$0x14500] =	vst v63  }
.LBB2_6:
0xb6: {  	_ =	sfence.sel $0x180000  }
0xb7: {  	[bflag:$0x0] =	sbarrier.arrive $0xFFFF  }
0xb8: {  	_ =	strace $0x90000050  }
0xb9: {  	s0 =	stileid.u32;
	[bflag:$0x2] =	sbarrier.arrive $0xFFFF  }
0xba: {  	p0 =	sne.s32 s0, $0x0;
	s0 =	rddreg [dreg:$0x2]  }
0xbb: {  	s0 =	sadd.s32 @!p0 $0x100000, s0  }
0xbc: {  	[sflag:s0] =	ssyncadd.tile.s32 @!p0 $0x1;
	_ =	shalt  }
.Lfunc_end2:
_tile_overlayer_lowered:
.L_overlay_start_2:
0xbd: {  	(tag) =	ssettag $0x2  }
0xbe: {  	s0 =	rddreg [dreg:$0x0];
	s2 =	stileid.u32  }
0xbf: {  	s1 =	rddreg [dreg:$0x1];
	p0 =	sne.s32 s2, $0x0  }
0xc0: {  	s3 =	rddreg [dreg:$0x2];
	[bflag:$0x3] =	sbarrier.arrive $0xFFFF;
	s2 =	simm.s32 @!p0 $0x1C05  }
0xc1: {  	[timem:s3], [sflag:s2] =	dma.local @!p0 [hbm:s0], s1  }
0xc2: {  	s0 =	simm.s32 @!p0 $0x5  }
0xc3: {  	_ =	swait.ge @!p0 [sflag:s0], s1  }
0xc4: {  	s1 =	ssub.s32 @!p0 $0x0, s1;
	[sflag:s0] =	ssyncset.done @!p0 $0x0  }
0xc5: {  	[sflag:s0] =	ssyncadd.s32 @!p0 s1  }
0xc6: {  	[bflag:$0x3] =	sbarrier.arrive $0xFFFF  }
0xc7: {  	_ =	shalt  }

// kernel: kernel.7.cloned.1.call-start
scs
__scs_entry_jumppad:
0x0: {  	(pc) =	sbr.rel $0x88, $3  }
0x1: {  	(tag) =	ssettag $0x0;
	lr =	simm.s32 $0x1  }
0x2: {  	[smem:$0x3F9B] =	sst lr;
	_ =	strace $0xD0000000  }
0x3: {  	_ = 	snop  }
0x4: {  	_ = 	snop  }
0x5: {  	_ = 	snop  }
0x6: {  	_ = 	snop  }
0x7: {  	_ = 	snop  }
__scs_overlays_trampoline_lowered:
0x8: {  	[smem:$0x3FAA] =	sst s0  }
0x9: {  	[smem:$0x3FAB] =	sst s1  }
0xa: {  	[smem:$0x3FAC] =	sst s2  }
0xb: {  	[smem:$0x3FAD] =	sst s3  }
0xc: {  	[smem:$0x3FAE] =	sst s4  }
0xd: {  	[smem:$0x3FAF] =	sst s5  }
0xe: {  	[smem:$0x3FB0] =	sst s6  }
0xf: {  	[smem:$0x3FB1] =	sst s7  }
0x10: {  	[smem:$0x3FB2] =	sst s8  }
0x11: {  	[smem:$0x3FB3] =	sst s9;
	s0 =	simm.s32 @!p0 $0x0  }
0x12: {  	s1 =	sld [smem:$0x3F99];
	s0 =	simm.s32 @p0 $0x1  }
0x13: {  	[smem:$0x3FB4] =	sst s0;
	s0 =	simm.s32 @!p1 $0x0  }
0x14: {  	s2 =	sld [smem:$0x3F98];
	s0 =	simm.s32 @p1 $0x1  }
0x15: {  	[smem:$0x3FB5] =	sst s0;
	s0 =	simm.s32 @!p2 $0x0  }
0x16: {  	s3 =	sld [smem:$0x3FDB];
	s0 =	simm.s32 @p2 $0x1  }
0x17: {  	s4 =	simm.s32 $0x1BF5;
	[smem:$0x3FB7] =	sst s0  }
0x18: {  	s0 =	sld [smem:$0x3F9A];
	_ =	swait.ge [sflag:s4], $0x0  }
0x19: {  	s7 =	sld [smem:$0x3F9B]  }
0x1a: {  	s8 =	sadd.s32 $0xFFFFE003, lr  }
0x1b: {  	s9 =	sadd.s32 $0xFFFFFEF7, lr;
	s5 =	simm.s32 $0xFFFFFFFF;
	p2 =	slt.u32 s8, $0xFFFFF086  }
0x1c: {  	p1 =	slt.u32 s9, $0xF7A;
	s5 =	simm.s32 @!p2 $0x0  }
0x1d: {  	s5 =	simm.s32 @p1 $0x1;
	p0 =	seq.s32 s7, s2  }
0x1e: {  	s7 =	smul.u32 @!p0 $0xF7A, s2;
	p2 =	seq.s32 @!p0 s5, $0x0  }
0x1f: {  	s9 =	smul.u32 $0xF7A, s1;
	s8 =	simm.s32 @!p0 $0x1BF5;
	p2 =	por !p2, p0  }
0x20: {  	[sflag:s8] =	ssyncset.s32 @!p0 $0xFFFFF086;
	s6 =	sadd.s32 @!p0 s3, s7;
	s7 =	simm.s32 @!p0 $0x108  }
0x21: {  	s3 =	sadd.s32 s3, s9;
	s6 =	sadd.s32 @!p0 $0x88, s6;
	s7 =	simm.s32 @p2 $0x1082  }
0x22: {  	[simem:s7], [sflag:s8] =	dma.local @!p0 [hbm:s6], $0xF7A  }
0x23: {  	s9 =	sor.u32 $0xD0000000, s2;
	s6 =	simm.s32 $0x108;
	_ =	swait.ge @!p0 [sflag:s8], $0x0  }
0x24: {  	s3 =	sadd.s32 $0x88, s3;
	s6 =	simm.s32 @!p1 $0x1082;
	[sflag:s4] =	ssyncset.s32 $0xFFFFF086  }
0x25: {  	[simem:s6], [sflag:s4] =	dma.local [hbm:s3], $0xF7A  }
0x26: {  	[smem:$0x3F9B] =	sst s1;
	(tag) =	ssettag s2;
	_ =	strace s9  }
0x27: {  	s1 =	sld [smem:$0x3FAB]  }
0x28: {  	s2 =	sld [smem:$0x3FAC]  }
0x29: {  	s4 =	sld [smem:$0x3FAE]  }
0x2a: {  	p0 =	seq.s32 s5, $0x0;
	s5 =	sld [smem:$0x3FAF]  }
0x2b: {  	s6 =	sld [smem:$0x3FB0]  }
0x2c: {  	s7 =	sld [smem:$0x3FB1]  }
0x2d: {  	s3 =	simm.s32 $0x108;
	s8 =	sld [smem:$0x3FB2]  }
0x2e: {  	s3 =	simm.s32 @!p0 $0x1082;
	s9 =	sld [smem:$0x3FB3]  }
0x2f: {  	lr =	sadd.s32 s0, s3;
	s0 =	sld [smem:$0x3FAA]  }
0x30: {  	s3 =	sld [smem:$0x3FAD]  }
0x31: {  	[smem:$0x3FB6] =	sst s10  }
0x32: {  	s10 =	sld [smem:$0x3FB4];
	_ =	sdelay $0x3  }
0x33: {  	p0 =	seq.s32 s10, $0x1;
	s10 =	sld [smem:$0x3FB6];
	_ =	sdelay $0x3  }
0x34: {  	[smem:$0x3FB6] =	sst s10  }
0x35: {  	s10 =	sld [smem:$0x3FB5];
	_ =	sdelay $0x3  }
0x36: {  	p1 =	seq.s32 s10, $0x1;
	s10 =	sld [smem:$0x3FB6];
	_ =	sdelay $0x3  }
0x37: {  	[smem:$0x3FB6] =	sst s10  }
0x38: {  	s10 =	sld [smem:$0x3FB7]  }
0x39: {  	_ = 	snop;
	(pc) =	sbr.ind lr, $3  }
0x3a: {  	_ = 	snop  }
0x3b: {  	_ = 	snop  }
0x3c: {  	p2 =	seq.s32 s10, $0x1;
	s10 =	sld [smem:$0x3FB6]  }
0x3d: {  	_ =	shalt  }
0x3e: {  	_ =	shalt  }
0x3f: {  	_ =	shalt  }
0x40: {  	_ =	shalt  }
0x41: {  	_ =	shalt  }
0x42: {  	_ =	shalt  }
0x43: {  	_ =	shalt  }
0x44: {  	_ =	shalt  }
0x45: {  	_ =	shalt  }
0x46: {  	_ =	shalt  }
0x47: {  	_ =	shalt  }
0x48: {  	_ =	shalt  }
0x49: {  	_ =	shalt  }
0x4a: {  	_ =	shalt  }
0x4b: {  	_ =	shalt  }
0x4c: {  	_ =	shalt  }
0x4d: {  	_ =	shalt  }
0x4e: {  	_ =	shalt  }
0x4f: {  	_ =	shalt  }
0x50: {  	_ =	shalt  }
0x51: {  	_ =	shalt  }
0x52: {  	_ =	shalt  }
0x53: {  	_ =	shalt  }
0x54: {  	_ =	shalt  }
0x55: {  	_ =	shalt  }
0x56: {  	_ =	shalt  }
0x57: {  	_ =	shalt  }
0x58: {  	_ =	shalt  }
0x59: {  	_ =	shalt  }
0x5a: {  	_ =	shalt  }
0x5b: {  	_ =	shalt  }
0x5c: {  	_ =	shalt  }
0x5d: {  	_ =	shalt  }
0x5e: {  	_ =	shalt  }
0x5f: {  	_ =	shalt  }
0x60: {  	_ =	shalt  }
0x61: {  	_ =	shalt  }
0x62: {  	_ =	shalt  }
0x63: {  	_ =	shalt  }
0x64: {  	_ =	shalt  }
0x65: {  	_ =	shalt  }
0x66: {  	_ =	shalt  }
0x67: {  	_ =	shalt  }
0x68: {  	_ =	shalt  }
0x69: {  	_ =	shalt  }
0x6a: {  	_ =	shalt  }
0x6b: {  	_ =	shalt  }
0x6c: {  	_ =	shalt  }
0x6d: {  	_ =	shalt  }
0x6e: {  	_ =	shalt  }
0x6f: {  	_ =	shalt  }
0x70: {  	_ =	shalt  }
0x71: {  	_ =	shalt  }
0x72: {  	_ =	shalt  }
0x73: {  	_ =	shalt  }
0x74: {  	_ =	shalt  }
0x75: {  	_ =	shalt  }
0x76: {  	_ =	shalt  }
0x77: {  	_ =	shalt  }
0x78: {  	_ =	shalt  }
0x79: {  	_ =	shalt  }
0x7a: {  	_ =	shalt  }
0x7b: {  	_ =	shalt  }
0x7c: {  	_ =	shalt  }
0x7d: {  	_ =	shalt  }
0x7e: {  	_ =	shalt  }
0x7f: {  	_ =	shalt  }
0x80: {  	_ =	shalt  }
0x81: {  	_ =	shalt  }
0x82: {  	_ =	shalt  }
0x83: {  	_ =	shalt  }
0x84: {  	_ =	shalt  }
0x85: {  	_ =	shalt  }
0x86: {  	_ =	shalt  }
0x87: {  	_ =	shalt  }
.Lfunc_end0:
.L_simem_size_0:
called_computation.2_lowered:
.L_overlay_start_0:
0x88: {  	s2 =	sld [smem:$0x3FD9]  }
0x89: {  	s3 =	sld [smem:$0x3FFE];
	_ =	sdelay $0x1  }
0x8a: {  	s1 =	srdreg.scid  }
0x8b: {  	s0 =	sand.u32 $0x1, s1  }
0x8c: {  	s17 =	sshll.u32 s0, $0xA;
	s2 =	sadd.s32 s3, s2  }
0x8d: {  	s2 =	sadd.s32 s2, s17  }
0x8e: {  	[smem:$0x3FC2] =	sst s2  }
0x8f: {  	_ = 	snop  }
0x90: {  	s18 =	sld [smem:$0x3FC9];
	(tm) =	ssettm $0x1  }
0x91: {  	s19 =	sld [smem:$0x3FFB];
	_ =	sdelay $0x3  }
0x92: {  	_ =	strace s19  }
0x93: {  	s2 =	sld [smem:$0x3FFC];
	_ =	sdelay $0x3  }
0x94: {  	_ =	strace s2  }
0x95: {  	s2 =	sld [smem:$0x3FFD];
	_ =	sdelay $0x3  }
0x96: {  	_ =	strace s2  }
0x97: {  	_ =	strace $0x8FFFFFFF  }
0x98: {  	s20 =	sld [smem:$0x3FDB];
	_ =	sdelay $0x1  }
0x99: {  	s4 =	simm.s32 $_scs_section_size  }
0x9a: {  	s5 =	simm.s32 $_size__tile_overlayer_lowered;
	s6 =	simm.s32 $_tile_overlayer_lowered  }
0x9b: {  	s7 =	simm.s32 $0x1BFF;
	s21 =	sshll.u32 s6, $0x1;
	s4 =	sadd.s32 s4, s20  }
0x9c: {  	s22 =	simm.s32 $0x0;
	s5 =	sshll.u32 s5, $0x1;
	s6 =	sadd.s32 s21, s4  }
0x9d: {  	[timem:s22], [sflag:s7] =	dma.local [hbm:s6], s5  }
0x9e: {  	_ =	swait.ge [sflag:s7], s5  }
0x9f: {  	s5 =	ssub.s32 $0x0, s5;
	[sflag:s7] =	ssyncset.done $0x0  }
0xa0: {  	[sflag:s7] =	ssyncadd.s32 s5;
	_ =	sdelay $0x1  }
0xa1: {  	s23 =	simm.s32 $0x1B8B  }
0xa2: {  	_ =	swait.ge [sflag:s23], $0x1  }
0xa3: {  	[sflag:s23] =	ssyncset.done $0x0  }
0xa4: {  	[sflag:s23] =	ssyncadd.s32 $0xFFFFFFFF  }
0xa5: {  	s5 =	sld [smem:$0x0]  }
0xa6: {  	s6 =	sand.u32 $0xFFFFFFFE, s1  }
0xa7: {  	p0 =	sne.s32 s1, s6  }
0xa8: {  	s6 =	sshll.u32 @p0 s6, $0xE  }
0xa9: {  	s6 =	sadd.s32 @p0 $0x11B8D, s6;
	s7 =	sshll.u32 @p0 s5, $0x11  }
0xaa: {  	s6 =	sor.u32 @p0 s7, s6  }
0xab: {  	[sflag:s6] =	ssyncadd.remote.s32 @p0 $0x1;
	_ =	sdelay $0x1  }
0xac: {  	s6 =	simm.s32 @p0 $0x1B8D  }
0xad: {  	_ =	swait.eq @p0 [sflag:s6], $0x1  }
0xae: {  	[sflag:s6] =	ssyncadd.s32 @p0 $0xFFFFFFFF  }
0xaf: {  	s7 =	sshll.u32 @!p0 s1, $0xE  }
0xb0: {  	s7 =	sor.u32 @!p0 $0x4000, s7;
	s6 =	simm.s32 @!p0 $0x1B8D  }
0xb1: {  	s5 =	sshll.u32 @!p0 s5, $0x11;
	s7 =	sadd.s32 @!p0 $0x11B8D, s7;
	_ =	swait.eq @!p0 [sflag:s6], $0x1  }
0xb2: {  	s5 =	sor.u32 @!p0 s5, s7;
	[sflag:s6] =	ssyncadd.s32 @!p0 $0xFFFFFFFF  }
0xb3: {  	s25 =	simm.s32 $0x1B8E;
	s24 =	sld [smem:$0x3FFE];
	[sflag:s5] =	ssyncadd.remote.s32 @!p0 $0x1  }
0xb4: {  	s26 =	simm.s32 $execute0_lowered;
	[smem:$0x3FD2] =	sst s25  }
0xb5: {  	s6 =	sshll.u32 s26, $0x1;
	_ =	strace $0x8000004C;
	[dreg:$0x1] =	wrdreg $0xFFFFFFFF  }
0xb6: {  	s28 =	simm.s32 $_size_execute0_lowered;
	s4 =	sadd.s32 s4, s6;
	[dreg:$0x0] =	wrdreg $0x0  }
0xb7: {  	s6 =	sshll.u32 s28, $0x1;
	[dreg:$0x2] =	wrdreg s4  }
0xb8: {  	[dreg:$0x3] =	wrdreg s6  }
0xb9: {  	[dreg:$0x4] =	wrdreg $0xC0  }
0xba: {  	_ =	task [dreg:s22], $0x5FFFF  }
0xbb: {  	[dreg:$0x1] =	wrdreg $0xFFFFFFFF  }
0xbc: {  	[dreg:$0x0] =	wrdreg $0x60  }
0xbd: {  	[dreg:$0x2] =	wrdreg s18  }
0xbe: {  	[dreg:$0x3] =	wrdreg s24  }
0xbf: {  	[dreg:$0x4] =	wrdreg $0xA  }
0xc0: {  	_ =	task.clear_ibuf [dreg:s22], $0x5FFFF;
	_ =	strace $0x9000004C  }
0xc1: {  	s29 =	simm.s32 $0xA;
	_ =	strace $0x8000004E  }
0xc2: {  	_ =	swait.ge [sflag:s29], $0x1  }
0xc3: {  	[sflag:s29] =	ssyncadd.s32 $0xFFFFFFFF  }
0xc4: {  	_ =	strace $0x9000004E  }
0xc5: {  	_ =	sfence  }
0xc6: {  	s30 =	sld [smem:$0x0];
	_ =	sdelay $0x2  }
0xc7: {  	s31 =	sshll.u32 s1, $0xD;
	s1 =	sshrl.u32 s1, $0x2  }
0xc8: {  	s4 =	sand.u32 $0x4000, s31;
	s1 =	sadd.s32 s1, s30  }
0xc9: {  	s0 =	sor.u32 s4, s0;
	s1 =	sshll.u32 s1, $0x11  }
0xca: {  	s0 =	sor.u32 s1, s0  }
0xcb: {  	s0 =	sadd.s32 $0x8F2B, s0  }
0xcc: {  	[sflag:s0] =	ssyncadd.remote.s32 $0x1  }
0xcd: {  	_ =	sfence.sel $0xFFFF  }
0xce: {  	[dreg:$0x0] =	wrdreg $0xFFFFFFFF;
	(pc) =	sbr.abs _section_cstart, $3  }
0xcf: {  	[dreg:$0x1] =	wrdreg $0xFFFFFFFF  }
0xd0: {  	_ =	task.clear_ibuf [dreg:s22], $0x2FFFF;
	_ =	strace $0x9FFFFFFF  }
0xd1: {  	(tm) =	ssettm $0x7FFFFFFF  }
tec
execute0_lowered:
.L_overlay_start_1:
0x0: {  	(tag) =	ssettag $0x1  }
0x1: {  	s2 =	rddreg [dreg:$0x0]  }
0x2: {  	s5 =	rddreg [dreg:$0x1]  }
0x3: {  	s0 =	rddreg [dreg:$0x2];
	s4 =	srdreg.scid  }
0x4: {  	s1 =	stileid.u32;
	s3 =	simm.s32 $0x0;
	s15 =	simm.s32 $0x50  }
0x5: {  	s16 =	simm.s32 $0x100;
	s17 =	simm.s32 $0x1;
	s18 =	simm.s32 $0x80  }
0x6: {  	s19 =	simm.s32 $0x2900;
	s20 =	simm.s32 $0x2;
	s23 =	smul.u32 $0x4E20, s1  }
0x7: {  	s10 =	sand.u32 $0x1, s4;
	s21 =	sshll.u32 s1, $0x1;
	s26 =	smul.u32 $0x4E200, s1  }
0x8: {  	[smem:$0x7FF] =	sst s3;
	s4 =	sadd.s32 $0xA000, s5;
	s14 =	smul.u32 $0x2710, s10  }
0x9: {  	s6 =	sor.u32 s10, s21;
	s7 =	ssub.s32 $0x2, s10;
	s10 =	smul.u32 $0x27100, s10  }
0xa: {  	s12 =	sadd.s32 $0xD7800, s5;
	_ =	strace $0x8000004D;
	s8 =	smul.u32 $0x2710, s6  }
0xb: {  	s21 =	simm.s32 $0x3;
	s9 =	sshrl.u32 s7, $0x1;
	s11 =	smul.u32 $0x27100, s6  }
0xc: {  	s22 =	ssub.s32 s7, s9;
	s14 =	sadd.s32 s14, s23;
	s23 =	simm.s32 $0x0  }
0xd: {  	s24 =	sshrl.u32 s8, $0x3;
	s13 =	sadd.s32 $0x50, s8;
	s5 =	smax.u32 s22, $0x1  }
0xe: {  	s7 =	sadd.s32 s12, s11;
	s28 =	sadd.s32 $0x140, s14;
	s11 =	sadd.s32 s26, s12  }
0xf: {  	s30 =	sadd.s32 $0xF0, s14;
	s22 =	simm.s32 $0x4;
	s6 =	sadd.s32 s4, s24  }
0x10: {  	s8 =	sshrl.u32 s13, $0x3;
	s25 =	sshll.u32 s13, $0x4;
	s13 =	sshrl.u32 s28, $0x3  }
0x11: {  	s10 =	sadd.s32 s10, s11;
	s31 =	sshrl.u32 s30, $0x3;
	s8 =	sadd.s32 s4, s8  }
0x12: {  	s9 =	sadd.s32 s12, s25;
	s29 =	sadd.s32 s13, s4;
	s12 =	sadd.s32 s31, s4  }
0x13: {  	s13 =	sadd.s32 $0xA0, s14;
	s14 =	simm.s32 $0x5;
	s11 =	ssub.s32 $0x14, s29  }
.LBB2_1:
0x14: {  	[tilespmem:s3], [sflag:$0x5] =	stream.linear.gather [hbm4b:s6+s3], $0x50, $0x38;
	[tilespmem:$0x5100] =	vst v63  }
0x15: {  	_ =	swait.ge [sflag:s14], $0x50  }
0x16: {  	[sflag:s14] =	ssyncset.done $0x0  }
0x17: {  	[sflag:s14] =	ssyncadd.s32 $0xFFFFFFB0  }
0x18: {  	[tilespmem:s16], [sflag:$0x1] =	stream.indirect.gather [hbm4b:s2+s15], $0x80, s3, s15, $0xb8;
	[tilespmem:$0x5100] =	vst v63  }
0x19: {  	_ =	swait.ge [sflag:s17], $0x2800  }
0x1a: {  	[sflag:s17] =	ssyncset.done $0x0  }
0x1b: {  	[sflag:s17] =	ssyncadd.s32 $0xFFFFD800  }
0x1c: {  	[hbm4b:s7+s3] =	stream.linear.scatter [tilespmem:s16], [sflag:$0x3], $0x2800, $0x38;
	[tilespmem:$0x5100] =	vst v63  }
0x1d: {  	_ = 	snop  }
0x1e: {  	[tilespmem:s18], [sflag:$0x5] =	stream.linear.gather [hbm4b:s8+s3], $0x50, $0x38;
	[tilespmem:$0x5100] =	vst v63  }
0x1f: {  	_ =	swait.ge [sflag:s14], $0x50  }
0x20: {  	[sflag:s14] =	ssyncset.done $0x0  }
0x21: {  	[sflag:s14] =	ssyncadd.s32 $0xFFFFFFB0  }
0x22: {  	[tilespmem:s19], [sflag:$0x2] =	stream.indirect.gather [hbm4b:s2+s15], $0x80, s18, s15, $0xb8;
	[tilespmem:$0x5100] =	vst v63  }
0x23: {  	_ =	swait.ge [sflag:s20], $0x2800  }
0x24: {  	[sflag:s20] =	ssyncset.done $0x0  }
0x25: {  	[sflag:s20] =	ssyncadd.s32 $0xFFFFD800  }
0x26: {  	[hbm4b:s9+s3] =	stream.linear.scatter [tilespmem:s19], [sflag:$0x4], $0x2800, $0x38;
	[tilespmem:$0x5100] =	vst v63  }
0x27: {  	_ =	swait.ge [sflag:s21], $0x2800  }
0x28: {  	s24 =	sshrl.u32 s13, $0x3;
	[sflag:s21] =	ssyncset.done $0x0  }
0x29: {  	s24 =	sadd.s32 s4, s24;
	[sflag:s21] =	ssyncadd.s32 $0xFFFFD800  }
0x2a: {  	[tilespmem:s3], [sflag:$0x5] =	stream.linear.gather [hbm4b:s24+s3], $0x50, $0x38;
	[tilespmem:$0x5100] =	vst v63  }
0x2b: {  	_ =	swait.ge [sflag:s14], $0x50  }
0x2c: {  	[sflag:s14] =	ssyncset.done $0x0  }
0x2d: {  	[sflag:s14] =	ssyncadd.s32 $0xFFFFFFB0  }
0x2e: {  	[tilespmem:s16], [sflag:$0x1] =	stream.indirect.gather [hbm4b:s2+s15], $0x80, s3, s15, $0xb8;
	[tilespmem:$0x5100] =	vst v63  }
0x2f: {  	_ =	swait.ge [sflag:s17], $0x2800  }
0x30: {  	s25 =	sadd.s32 $0x0, s10;
	[sflag:s17] =	ssyncset.done $0x0  }
0x31: {  	s31 =	sadd.s32 $0xA00, s25;
	[sflag:s17] =	ssyncadd.s32 $0xFFFFD800  }
0x32: {  	[hbm4b:s31+s3] =	stream.linear.scatter [tilespmem:s16], [sflag:$0x3], $0x2800, $0x38;
	[tilespmem:$0x5100] =	vst v63  }
0x33: {  	_ =	swait.ge [sflag:s22], $0x2800  }
0x34: {  	[sflag:s22] =	ssyncset.done $0x0  }
0x35: {  	[sflag:s22] =	ssyncadd.s32 $0xFFFFD800  }
0x36: {  	[tilespmem:s18], [sflag:$0x5] =	stream.linear.gather [hbm4b:s12+s3], $0x50, $0x38;
	[tilespmem:$0x5100] =	vst v63  }
0x37: {  	_ =	swait.ge [sflag:s14], $0x50  }
0x38: {  	[sflag:s14] =	ssyncset.done $0x0  }
0x39: {  	[sflag:s14] =	ssyncadd.s32 $0xFFFFFFB0  }
0x3a: {  	[tilespmem:s19], [sflag:$0x2] =	stream.indirect.gather [hbm4b:s2+s15], $0x80, s18, s15, $0xb8;
	[tilespmem:$0x5100] =	vst v63  }
0x3b: {  	s26 =	sadd.s32 $0x14, s12;
	_ =	swait.ge [sflag:s20], $0x2800  }
0x3c: {  	s28 =	sadd.s32 $0xA0, s13;
	s29 =	sadd.s32 $0xF00, s25;
	[sflag:s20] =	ssyncset.done $0x0  }
0x3d: {  	s25 =	sadd.s32 $0xFFFFFFEC, s11;
	s24 =	simm.s32 $0xA00;
	[sflag:s20] =	ssyncadd.s32 $0xFFFFD800  }
.LBB2_2:
0x3e: {  	[hbm4b:s29+s3] =	stream.linear.scatter [tilespmem:s19], [sflag:$0x4], $0x2800, $0x38;
	[tilespmem:$0x5100] =	vst v63  }
0x3f: {  	s29 =	smov.u32 s24;
	s24 =	sadd.s32 $0xA00, s24;
	_ =	swait.ge [sflag:s21], $0x2800  }
0x40: {  	s30 =	sshrl.u32 s28, $0x3;
	p0 =	sne.s32 s24, $0x26200;
	[sflag:s21] =	ssyncset.done $0x0  }
0x41: {  	s30 =	sadd.s32 s4, s30;
	[sflag:s21] =	ssyncadd.s32 $0xFFFFD800  }
0x42: {  	[tilespmem:s3], [sflag:$0x5] =	stream.linear.gather [hbm4b:s30+s3], $0x50, $0x38;
	[tilespmem:$0x5100] =	vst v63  }
0x43: {  	_ =	swait.ge [sflag:s14], $0x50  }
0x44: {  	[sflag:s14] =	ssyncset.done $0x0  }
0x45: {  	[sflag:s14] =	ssyncadd.s32 $0xFFFFFFB0  }
0x46: {  	[tilespmem:s16], [sflag:$0x1] =	stream.indirect.gather [hbm4b:s2+s15], $0x80, s3, s15, $0xb8;
	[tilespmem:$0x5100] =	vst v63  }
0x47: {  	_ =	swait.ge [sflag:s17], $0x2800  }
0x48: {  	s29 =	sadd.s32 s29, s10;
	[sflag:s17] =	ssyncset.done $0x0  }
0x49: {  	s30 =	sadd.s32 $0xA00, s29;
	[sflag:s17] =	ssyncadd.s32 $0xFFFFD800  }
0x4a: {  	[hbm4b:s30+s3] =	stream.linear.scatter [tilespmem:s16], [sflag:$0x3], $0x2800, $0x38;
	[tilespmem:$0x5100] =	vst v63  }
0x4b: {  	_ =	swait.ge [sflag:s22], $0x2800  }
0x4c: {  	[sflag:s22] =	ssyncset.done $0x0  }
0x4d: {  	[sflag:s22] =	ssyncadd.s32 $0xFFFFD800  }
0x4e: {  	[tilespmem:s18], [sflag:$0x5] =	stream.linear.gather [hbm4b:s26+s3], $0x50, $0x38;
	[tilespmem:$0x5100] =	vst v63  }
0x4f: {  	_ =	swait.ge [sflag:s14], $0x50  }
0x50: {  	[sflag:s14] =	ssyncset.done $0x0  }
.Ltmp0:
0x51: {  	[sflag:s14] =	ssyncadd.s32 $0xFFFFFFB0;
	(pc) =	sbr.rel @p0 .LBB2_2-.Ltmp0, $4  }
0x52: {  	[tilespmem:s19], [sflag:$0x2] =	stream.indirect.gather [hbm4b:s2+s15], $0x80, s18, s15, $0xb8;
	[tilespmem:$0x5100] =	vst v63  }
0x53: {  	_ =	swait.ge [sflag:s20], $0x2800  }
0x54: {  	s28 =	sadd.s32 $0xA0, s28;
	s26 =	sadd.s32 $0x14, s26;
	[sflag:s20] =	ssyncset.done $0x0  }
0x55: {  	s25 =	sadd.s32 $0xFFFFFFEC, s25;
	s29 =	sadd.s32 $0xF00, s29;
	[sflag:s20] =	ssyncadd.s32 $0xFFFFD800  }
0x56: {  	[hbm4b:s29+s3] =	stream.linear.scatter [tilespmem:s19], [sflag:$0x4], $0x2800, $0x38;
	[tilespmem:$0x5100] =	vst v63  }
0x57: {  	_ =	swait.ge [sflag:s21], $0x2800  }
0x58: {  	[sflag:s21] =	ssyncset.done $0x0  }
0x59: {  	s25 =	ssub.s32 $0x0, s25;
	[sflag:s21] =	ssyncadd.s32 $0xFFFFD800  }
0x5a: {  	[tilespmem:s3], [sflag:$0x5] =	stream.linear.gather [hbm4b:s25+s3], $0x50, $0x38;
	[tilespmem:$0x5100] =	vst v63  }
0x5b: {  	_ =	swait.ge [sflag:s14], $0x50  }
0x5c: {  	[sflag:s14] =	ssyncset.done $0x0  }
0x5d: {  	[sflag:s14] =	ssyncadd.s32 $0xFFFFFFB0  }
0x5e: {  	[tilespmem:s16], [sflag:$0x1] =	stream.indirect.gather [hbm4b:s2+s15], $0x80, s3, s15, $0xb8;
	[tilespmem:$0x5100] =	vst v63  }
0x5f: {  	_ =	swait.ge [sflag:s17], $0x2800  }
0x60: {  	s24 =	sadd.s32 s24, s10;
	[sflag:s17] =	ssyncset.done $0x0  }
0x61: {  	s23 =	sadd.s32 $0x1, s23;
	s24 =	sadd.s32 $0xA00, s24;
	[sflag:s17] =	ssyncadd.s32 $0xFFFFD800  }
0x62: {  	[hbm4b:s24+s3] =	stream.linear.scatter [tilespmem:s16], [sflag:$0x3], $0x2800, $0x38;
	[tilespmem:$0x5100] =	vst v63  }
0x63: {  	p0 =	sne.s32 s23, s5;
	_ =	swait.ge [sflag:s21], $0x2800  }
.Ltmp1:
0x64: {  	[sflag:s21] =	ssyncset.done $0x0;
	(pc) =	sbr.rel @p0 .LBB2_1-.Ltmp1, $4  }
0x65: {  	[sflag:s21] =	ssyncadd.s32 $0xFFFFD800  }
0x66: {  	_ =	swait.ge [sflag:s22], $0x2800  }
0x67: {  	[sflag:s22] =	ssyncset.done $0x0  }
0x68: {  	[sflag:s22] =	ssyncadd.s32 $0xFFFFD800  }
0x69: {  	_ =	sfence.sel $0x180000  }
0x6a: {  	[bflag:$0x0] =	sbarrier.arrive $0xFFFF  }
0x6b: {  	p0 =	sne.s32 s1, $0x0;
	_ =	strace $0x9000004D  }
0x6c: {  	s0 =	sadd.s32 @!p0 $0x100000, s0;
	[bflag:$0x2] =	sbarrier.arrive $0xFFFF  }
0x6d: {  	[sflag:s0] =	ssyncadd.tile.s32 @!p0 $0x1;
	_ =	shalt  }
.Lfunc_end2:
_tile_overlayer_lowered:
.L_overlay_start_2:
0x6e: {  	(tag) =	ssettag $0x2  }
0x6f: {  	s0 =	rddreg [dreg:$0x0];
	s2 =	stileid.u32  }
0x70: {  	s1 =	rddreg [dreg:$0x1];
	p0 =	sne.s32 s2, $0x0  }
0x71: {  	s3 =	rddreg [dreg:$0x2];
	[bflag:$0x3] =	sbarrier.arrive $0xFFFF;
	s2 =	simm.s32 @!p0 $0x1C05  }
0x72: {  	[timem:s3], [sflag:s2] =	dma.local @!p0 [hbm:s0], s1  }
0x73: {  	s0 =	simm.s32 @!p0 $0x5  }
0x74: {  	_ =	swait.ge @!p0 [sflag:s0], s1  }
0x75: {  	s1 =	ssub.s32 @!p0 $0x0, s1;
	[sflag:s0] =	ssyncset.done @!p0 $0x0  }
0x76: {  	[sflag:s0] =	ssyncadd.s32 @!p0 s1  }
0x77: {  	[bflag:$0x3] =	sbarrier.arrive $0xFFFF  }
0x78: {  	_ =	shalt  }

</sc_bundles>
